<compile_context>
chip_gen: v7x
topology: tpu7x:2x2x1
jax: 0.10.2.dev20260603
libtpu: 0.0.44.dev20260713+nightly
codegen_flags: <defaults>
</compile_context>

<pallas_src>
import functools

import jax
import jax.numpy as jnp
from jax import lax
from jax.experimental import pallas as pl
from jax.experimental.pallas import tpu as pltpu
from jax.experimental.pallas import tpu_sc as plsc

_B, _N, _K = 32, 2048, 20
_HB = 16
_C1P = 16
_C2P = 32
_R = 1024

_NW = 32
_GCHUNK = 128
_NBUF = 4
_M = _HB * _N * _K
_MW = _M // _NW
_NCHUNK = _MW // _GCHUNK


def _sel_matrix(cp, c):
    rows = lax.broadcasted_iota(jnp.int32, (_K * cp, _K * c), 0)
    cols = lax.broadcasted_iota(jnp.int32, (_K * cp, _K * c), 1)
    k, r = rows // cp, rows % cp
    return jnp.where((r < c) & (cols == k * c + r), 1.0, 0.0).astype(
        jnp.float32
    )


def _prep_body(w1_ref, w2_ref, o1_ref, o2_ref):
    w1 = w1_ref[...]
    e1 = jnp.exp(w1 - jnp.max(w1, axis=0, keepdims=True))
    s1 = e1 / jnp.sum(e1, axis=0, keepdims=True)
    s1 = jnp.pad(s1, ((0, 0), (0, 2)))
    o1_ref[...] = jnp.dot(
        _sel_matrix(_C1P, 3), s1, preferred_element_type=jnp.float32
    )
    w2 = w2_ref[...]
    e2 = jnp.exp(w2 - jnp.max(w2, axis=0, keepdims=True))
    s2 = e2 / jnp.sum(e2, axis=0, keepdims=True)
    o2_ref[...] = jnp.dot(
        _sel_matrix(_C2P, 30), s2, preferred_element_type=jnp.float32
    )


def _prep_weights(W_fm1, W_fm2, interpret=False):
    return pl.pallas_call(
        _prep_body,
        out_shape=(
            jax.ShapeDtypeStruct((_K * _C1P, 32), jnp.float32),
            jax.ShapeDtypeStruct((_K * _C2P, 40), jnp.float32),
        ),
        interpret=interpret,
    )(W_fm1.reshape(_K * 3, 30), W_fm2.reshape(_K * 30, 40))


def _topk_body(xb_ref, xt_ref, idx_ref, xpad_ref):
    b = pl.program_id(0)
    xb = xb_ref[0]
    xt = xt_ref[0]
    xpad_ref[...] = jnp.pad(xb, ((0, 0), (0, _C1P - 3)))
    sqb = jnp.sum(xb * xb, axis=1, keepdims=True)
    sqf = jnp.sum(xt * xt, axis=0, keepdims=True)
    d = sqb + sqf - 2.0 * jnp.dot(xb, xt, preferred_element_type=jnp.float32)
    col = lax.broadcasted_iota(jnp.int32, (_R, _N), 1)
    key = (
        lax.bitcast_convert_type(jnp.maximum(d, 0.0), jnp.int32) & (-2048)
    ) | col
    int_min = jnp.int32(-(2**31))
    m = jnp.full((_R, 1), -1, jnp.int32)
    cols = []
    for _ in range(_K):
        s = m + (int_min + 1)
        v = key - s
        m = jnp.min(v, axis=1, keepdims=True) + s
        cols.append(m & 2047)
    idx_ref[0] = jnp.concatenate(cols, axis=1) + b * _N


def _topk(inputs, interpret=False):
    nb = inputs.shape[0]
    xt = jnp.transpose(inputs, (0, 2, 1))
    return pl.pallas_call(
        _topk_body,
        grid=(nb, _N // _R),
        in_specs=[
            pl.BlockSpec((1, _R, 3), lambda b, r: (b, r, 0)),
            pl.BlockSpec((1, 3, _N), lambda b, r: (b, 0, 0)),
        ],
        out_specs=[
            pl.BlockSpec((1, _R, _K), lambda b, r: (b, r, 0)),
            pl.BlockSpec((_R, _C1P), lambda b, r: (b * (_N // _R) + r, 0)),
        ],
        out_shape=[
            jax.ShapeDtypeStruct((nb, _N, _K), jnp.int32),
            jax.ShapeDtypeStruct((nb * _N, _C1P), jnp.float32),
        ],
        interpret=interpret,
    )(inputs, xt)


@functools.lru_cache(maxsize=None)
def _make_sc_gather(width):
    mesh = plsc.VectorSubcoreMesh(core_axis_name="c", subcore_axis_name="s")

    @functools.partial(
        pl.kernel,
        out_type=jax.ShapeDtypeStruct((_M, width), jnp.float32),
        mesh=mesh,
        scratch_types=[
            pltpu.VMEM((_NCHUNK, _GCHUNK), jnp.int32),
            pltpu.VMEM((_NBUF, _GCHUNK, width), jnp.float32),
        ] + [pltpu.SemaphoreType.DMA] * _NBUF,
        compiler_params=pltpu.CompilerParams(use_tc_tiling_on_sc=False),
    )
    def gather_kernel(table_hbm, idx_hbm, out_hbm, idxv, bufv, *sems):
        c = lax.axis_index("c")
        s = lax.axis_index("s")
        wid = s * 2 + c
        base = wid * _MW
        pltpu.sync_copy(idx_hbm.at[wid], idxv)

        def fire(chunk, b):
            pltpu.async_copy(table_hbm.at[idxv.at[chunk]], bufv.at[b], sems[b])

        def wait(b):
            pltpu.make_async_copy(
                table_hbm.at[idxv.at[0]], bufv.at[b], sems[b]
            ).wait()

        for b in range(_NBUF):
            fire(b, b)

        def outer(g, carry):
            for b in range(_NBUF):
                chunk = g * _NBUF + b
                wait(b)
                pltpu.sync_copy(
                    bufv.at[b],
                    out_hbm.at[pl.ds(base + chunk * _GCHUNK, _GCHUNK)],
                )

                @pl.when(chunk + _NBUF < _NCHUNK)
                def _():
                    fire(chunk + _NBUF, b)

            return carry

        lax.fori_loop(0, _NCHUNK // _NBUF, outer, 0)

    return gather_kernel


def _fm1_body(g_ref, w_ref, o_ref):
    o_ref[...] = jnp.maximum(
        jnp.dot(g_ref[...], w_ref[...], preferred_element_type=jnp.float32),
        0.0,
    )


def _fm1(g1, w1s, interpret=False):
    rows = _HB * _N
    blk = 2048
    return pl.pallas_call(
        _fm1_body,
        grid=(rows // blk,),
        in_specs=[
            pl.BlockSpec((blk, _K * _C1P), lambda i: (i, 0)),
            pl.BlockSpec((_K * _C1P, 32), lambda i: (0, 0)),
        ],
        out_specs=pl.BlockSpec((blk, 32), lambda i: (i, 0)),
        out_shape=jax.ShapeDtypeStruct((rows, 32), jnp.float32),
        interpret=interpret,
    )(g1, w1s)


def _fm2_body(g_ref, w_ref, o_ref, acc):
    b = pl.program_id(0)
    h = jnp.maximum(
        jnp.dot(g_ref[...], w_ref[...], preferred_element_type=jnp.float32),
        0.0,
    )
    pool = jnp.sum(h, axis=0, keepdims=True) * (1.0 / _N)
    row = lax.broadcasted_iota(jnp.int32, (_HB, 1), 0)
    upd = jnp.where(row == b, pool, 0.0)

    @pl.when(b == 0)
    def _():
        acc[...] = jnp.zeros_like(acc)

    acc[...] += upd

    @pl.when(b == _HB - 1)
    def _():
        o_ref[...] = acc[...]


def _fm2_pool(g2, w2s, interpret=False):
    return pl.pallas_call(
        _fm2_body,
        grid=(_HB,),
        in_specs=[
            pl.BlockSpec((_N, _K * _C2P), lambda b: (b, 0)),
            pl.BlockSpec((_K * _C2P, 40), lambda b: (0, 0)),
        ],
        out_specs=pl.BlockSpec((_HB, 40), lambda b: (0, 0)),
        out_shape=jax.ShapeDtypeStruct((_HB, 40), jnp.float32),
        scratch_shapes=[pltpu.VMEM((_HB, 40), jnp.float32)],
        interpret=interpret,
    )(g2, w2s)


def _mlp_body(p1_ref, p2_ref, w1_ref, b1_ref, w2_ref, b2_ref, o_ref):
    p = jnp.concatenate([p1_ref[...], p2_ref[...]], axis=0)
    h = jnp.maximum(
        jnp.dot(p, w1_ref[...], preferred_element_type=jnp.float32)
        + b1_ref[...],
        0.0,
    )
    o_ref[...] = (
        jnp.dot(h, w2_ref[...], preferred_element_type=jnp.float32)
        + b2_ref[...]
    )


def _mlp(p1, p2, W1, b1, W2, b2, interpret=False):
    return pl.pallas_call(
        _mlp_body,
        out_shape=jax.ShapeDtypeStruct((_B, 40), jnp.float32),
        interpret=interpret,
    )(p1, p2, W1, b1.reshape(1, -1), W2, b2.reshape(1, -1))


def _half(xh, w1s, w2s):
    idx, xpad = _topk(xh)
    idx3 = idx.reshape(_NW, _NCHUNK, _GCHUNK)
    g1 = _make_sc_gather(_C1P)(xpad, idx3)
    fm1 = _fm1(g1.reshape(_HB * _N, _K * _C1P), w1s)
    g2 = _make_sc_gather(_C2P)(fm1, idx3)
    return _fm2_pool(g2.reshape(_HB * _N, _K * _C2P), w2s)


@jax.jit
def kernel(inputs, W_fm1, W_fm2, W1, b1, W2, b2):
    w1s, w2s = _prep_weights(W_fm1, W_fm2)
    p1 = _half(inputs[:_HB], w1s, w2s)
    p2 = _half(inputs[_HB:], w1s, w2s)
    return _mlp(p1, p2, W1, b1, W2, b2)

# --- scband reference (transcript-rebuilt; emitter-appended) ---
"""Pipeline reference for scband-manifold-net-63385127354809 (READ-ONLY COPY).

The authoritative reference and input builder live on the scoring server;
editing this copy changes nothing except your own understanding.
"""

import jax, jax.numpy as jnp
import numpy as np

B, N, K = 32, 2048, 20
NUM_CLASSES = 40

def pairwise_distance(x):
    # x: [B, N, 3] -> squared euclidean distance matrix [B, N, N]
    inner = -2.0 * jnp.einsum('bnd,bmd->bnm', x, x)
    sq = jnp.sum(x * x, axis=-1)
    return sq[:, :, None] + inner + sq[:, None, :]

def knn(adj, k):
    # smallest distances (self distance is 0, so self is included)
    _, idx = jax.lax.top_k(-adj, k)
    return idx  # [B, N, k] int32

def gather_neighbors(x, idx):
    # x: [B, N, C], idx: [B, N, k] -> [B, N, k, C]
    return jax.vmap(lambda xb, ib: xb[ib])(x, idx)

def wfm(x, idx, W):
    # weighted Frechet-mean layer: convex combination of neighbor features
    k, C, O = W.shape
    nbrs = gather_neighbors(x, idx)  # [B, N, k, C]
    w = jax.nn.softmax(W.reshape(k * C, O), axis=0).reshape(k, C, O)
    return jnp.einsum('bnkc,kco->bno', nbrs, w)

def setup_inputs(seed: int = 0):
    key = jax.random.key(seed)
    ks = jax.random.split(key, 8)
    inputs = jax.random.normal(ks[0], (B, N, 3), dtype=jnp.float32)
    inputs = inputs / (jnp.linalg.norm(inputs, axis=-1, keepdims=True) + 1e-8)
    W_fm1 = jax.random.normal(ks[1], (K, 3, 30), dtype=jnp.float32) * 0.1
    W_fm2 = jax.random.normal(ks[2], (K, 30, 40), dtype=jnp.float32) * 0.1
    W1 = jax.random.normal(ks[3], (40, 512), dtype=jnp.float32) * (1.0 / np.sqrt(40.0))
    b1 = jnp.zeros((512,), dtype=jnp.float32)
    W2 = jax.random.normal(ks[4], (512, NUM_CLASSES), dtype=jnp.float32) * (1.0 / np.sqrt(512.0))
    b2 = jnp.zeros((NUM_CLASSES,), dtype=jnp.float32)
    return {"inputs": inputs, "W_fm1": W_fm1, "W_fm2": W_fm2, "W1": W1, "b1": b1, "W2": W2, "b2": b2}

def reference(inputs, W_fm1, W_fm2, W1, b1, W2, b2):
    adj = pairwise_distance(inputs)
    idx = knn(adj, K)
    fm1 = wfm(inputs, idx, W_fm1)
    fm1 = jax.nn.relu(fm1)
    fm2 = wfm(fm1, idx, W_fm2)
    fm2 = jax.nn.relu(fm2)
    pooled = jnp.mean(fm2, axis=1)  # [B, 40]
    h = jax.nn.relu(pooled @ W1 + b1)
    out = h @ W2 + b2
    return out

if __name__ == "__main__":
    import jax
    _d = setup_inputs()
    print(jax.jit(kernel)(*tuple(_d.values())))

</pallas_src>

<mosaic_0001>
#map = affine_map<(d0, d1) -> (0, 0)>
#map1 = affine_map<(d0, d1) -> (0, 0, 0)>
module attributes {stable_mosaic.version = 14 : i64} {
  func.func @gather_kernel(%arg0: i32, %arg1: i32, %arg2: memref<32768x32xf32, #tpu.memory_space<hbm>>, %arg3: memref<32x160x128xi32, #tpu.memory_space<hbm>>, %arg4: memref<655360x32xf32, #tpu.memory_space<hbm>>, %arg5: memref<160x128xi32, #tpu.memory_space<vmem>>, %arg6: memref<4x128x32xf32, #tpu.memory_space<vmem>>, %arg7: memref<!tpu.dma_semaphore, #tpu.memory_space<semaphore_mem>>, %arg8: memref<!tpu.dma_semaphore, #tpu.memory_space<semaphore_mem>>, %arg9: memref<!tpu.dma_semaphore, #tpu.memory_space<semaphore_mem>>, %arg10: memref<!tpu.dma_semaphore, #tpu.memory_space<semaphore_mem>>) attributes {dimension_semantics = [#tpu.dimension_semantics<core_parallel>, #tpu.dimension_semantics<subcore_parallel>], iteration_bounds = array<i64: 2, 16>, scalar_prefetch = 0 : i64, scratch_operands = 6 : i64, tpu.core_type = #tpu.core_type<sc_vector_subcore>, window_params = [{transform_indices = #map}, {transform_indices = #map1}, {transform_indices = #map}]} {
    %mul3A = arith.constant 2 : i32
    %mul3A_0 = arith.muli %arg1, %mul3A : i32
    %add3A = arith.addi %mul3A_0, %arg0 : i32
    %mul3A_1 = arith.constant 20480 : i32
    %mul3A_2 = arith.muli %add3A, %mul3A_1 : i32
    "tpu.region"() ({
      %run_scoped3A = tpu.sem_alloc : memref<!tpu.dma_semaphore, #tpu.memory_space<semaphore_mem>>
      %dma_start3A_55 = arith.constant 0 : i32
      %dma_start3A_56 = arith.constant 0 : i32
      %dma_start3A_57 = tpu.memref_slice %arg3[%add3A, %dma_start3A_55, %dma_start3A_56] : memref<32x160x128xi32, #tpu.memory_space<hbm>> -> memref<1x160x128xi32, #tpu.memory_space<hbm>>
      %dma_start3A_58 = tpu.memref_squeeze %dma_start3A_57 : memref<1x160x128xi32, #tpu.memory_space<hbm>> -> memref<160x128xi32, #tpu.memory_space<hbm>>
      %dma_start3A_59 = arith.constant 0 : i32
      %dma_start3A_60 = arith.constant 0 : i32
      %dma_start3A_61 = tpu.memref_slice %arg3[%add3A, %dma_start3A_59, %dma_start3A_60] : memref<32x160x128xi32, #tpu.memory_space<hbm>> -> memref<1x160x128xi32, #tpu.memory_space<hbm>>
      %dma_start3A_62 = tpu.memref_squeeze %dma_start3A_61 : memref<1x160x128xi32, #tpu.memory_space<hbm>> -> memref<160x128xi32, #tpu.memory_space<hbm>>
      tpu.enqueue_dma source(%dma_start3A_62 : memref<160x128xi32, #tpu.memory_space<hbm>>) target(%arg5 : memref<160x128xi32, #tpu.memory_space<vmem>>) target_semaphore(%run_scoped3A : memref<!tpu.dma_semaphore, #tpu.memory_space<semaphore_mem>>)
      %dma_wait3A = arith.constant 0 : i32
      %dma_wait3A_63 = arith.constant 0 : i32
      %dma_wait3A_64 = tpu.memref_slice %arg3[%add3A, %dma_wait3A, %dma_wait3A_63] : memref<32x160x128xi32, #tpu.memory_space<hbm>> -> memref<1x160x128xi32, #tpu.memory_space<hbm>>
      %dma_wait3A_65 = tpu.memref_squeeze %dma_wait3A_64 : memref<1x160x128xi32, #tpu.memory_space<hbm>> -> memref<160x128xi32, #tpu.memory_space<hbm>>
      %dma_wait3A_66 = arith.constant 0 : i32
      %dma_wait3A_67 = arith.constant 0 : i32
      %dma_wait3A_68 = tpu.memref_slice %arg3[%add3A, %dma_wait3A_66, %dma_wait3A_67] : memref<32x160x128xi32, #tpu.memory_space<hbm>> -> memref<1x160x128xi32, #tpu.memory_space<hbm>>
      %dma_wait3A_69 = tpu.memref_squeeze %dma_wait3A_68 : memref<1x160x128xi32, #tpu.memory_space<hbm>> -> memref<160x128xi32, #tpu.memory_space<hbm>>
      tpu.wait_dma2 semaphore(%run_scoped3A : memref<!tpu.dma_semaphore, #tpu.memory_space<semaphore_mem>>) src(%dma_wait3A_69 : memref<160x128xi32, #tpu.memory_space<hbm>>) dst(%arg5 : memref<160x128xi32, #tpu.memory_space<vmem>>)
      tpu.yield
    }) : () -> ()
    %dma_start3A = arith.constant 0 : i32
    %dma_start3A_3 = arith.constant 0 : i32
    %dma_start3A_4 = arith.constant 0 : i32
    %dma_start3A_5 = arith.constant 0 : i32
    %dma_start3A_6 = tpu.memref_slice %arg6[%dma_start3A_3, %dma_start3A_4, %dma_start3A_5] : memref<4x128x32xf32, #tpu.memory_space<vmem>> -> memref<1x128x32xf32, #tpu.memory_space<vmem>>
    %dma_start3A_7 = tpu.memref_squeeze %dma_start3A_6 : memref<1x128x32xf32, #tpu.memory_space<vmem>> -> memref<128x32xf32, #tpu.memory_space<vmem>>
    %dma_start3A_8 = arith.constant 0 : i32
    %dma_start3A_9 = tpu.memref_slice %arg5[%dma_start3A, %dma_start3A_8] : memref<160x128xi32, #tpu.memory_space<vmem>> -> memref<1x128xi32, #tpu.memory_space<vmem>>
    %dma_start3A_10 = tpu.memref_squeeze %dma_start3A_9 : memref<1x128xi32, #tpu.memory_space<vmem>> -> memref<128xi32, #tpu.memory_space<vmem>>
    %dma_start3A_11 = arith.constant 0 : i32
    %dma_start3A_12 = arith.constant 0 : i32
    %dma_start3A_13 = tpu.memref_slice %arg2[%dma_start3A_11, %dma_start3A_12] : memref<32768x32xf32, #tpu.memory_space<hbm>> -> memref<32768x32xf32, #tpu.memory_space<hbm>>
    tpu.enqueue_indirect_dma source(%dma_start3A_13 : memref<32768x32xf32, #tpu.memory_space<hbm>>) target(%dma_start3A_7 : memref<128x32xf32, #tpu.memory_space<vmem>>) offsets(%dma_start3A_10 : memref<128xi32, #tpu.memory_space<vmem>>) semaphore(%arg7 : memref<!tpu.dma_semaphore, #tpu.memory_space<semaphore_mem>>)
    %dma_start3A_14 = arith.constant 1 : i32
    %dma_start3A_15 = arith.constant 1 : i32
    %dma_start3A_16 = arith.constant 0 : i32
    %dma_start3A_17 = arith.constant 0 : i32
    %dma_start3A_18 = tpu.memref_slice %arg6[%dma_start3A_15, %dma_start3A_16, %dma_start3A_17] : memref<4x128x32xf32, #tpu.memory_space<vmem>> -> memref<1x128x32xf32, #tpu.memory_space<vmem>>
    %dma_start3A_19 = tpu.memref_squeeze %dma_start3A_18 : memref<1x128x32xf32, #tpu.memory_space<vmem>> -> memref<128x32xf32, #tpu.memory_space<vmem>>
    %dma_start3A_20 = arith.constant 0 : i32
    %dma_start3A_21 = tpu.memref_slice %arg5[%dma_start3A_14, %dma_start3A_20] : memref<160x128xi32, #tpu.memory_space<vmem>> -> memref<1x128xi32, #tpu.memory_space<vmem>>
    %dma_start3A_22 = tpu.memref_squeeze %dma_start3A_21 : memref<1x128xi32, #tpu.memory_space<vmem>> -> memref<128xi32, #tpu.memory_space<vmem>>
    %dma_start3A_23 = arith.constant 0 : i32
    %dma_start3A_24 = arith.constant 0 : i32
    %dma_start3A_25 = tpu.memref_slice %arg2[%dma_start3A_23, %dma_start3A_24] : memref<32768x32xf32, #tpu.memory_space<hbm>> -> memref<32768x32xf32, #tpu.memory_space<hbm>>
    tpu.enqueue_indirect_dma source(%dma_start3A_25 : memref<32768x32xf32, #tpu.memory_space<hbm>>) target(%dma_start3A_19 : memref<128x32xf32, #tpu.memory_space<vmem>>) offsets(%dma_start3A_22 : memref<128xi32, #tpu.memory_space<vmem>>) semaphore(%arg8 : memref<!tpu.dma_semaphore, #tpu.memory_space<semaphore_mem>>)
    %dma_start3A_26 = arith.constant 2 : i32
    %dma_start3A_27 = arith.constant 2 : i32
    %dma_start3A_28 = arith.constant 0 : i32
    %dma_start3A_29 = arith.constant 0 : i32
    %dma_start3A_30 = tpu.memref_slice %arg6[%dma_start3A_27, %dma_start3A_28, %dma_start3A_29] : memref<4x128x32xf32, #tpu.memory_space<vmem>> -> memref<1x128x32xf32, #tpu.memory_space<vmem>>
    %dma_start3A_31 = tpu.memref_squeeze %dma_start3A_30 : memref<1x128x32xf32, #tpu.memory_space<vmem>> -> memref<128x32xf32, #tpu.memory_space<vmem>>
    %dma_start3A_32 = arith.constant 0 : i32
    %dma_start3A_33 = tpu.memref_slice %arg5[%dma_start3A_26, %dma_start3A_32] : memref<160x128xi32, #tpu.memory_space<vmem>> -> memref<1x128xi32, #tpu.memory_space<vmem>>
    %dma_start3A_34 = tpu.memref_squeeze %dma_start3A_33 : memref<1x128xi32, #tpu.memory_space<vmem>> -> memref<128xi32, #tpu.memory_space<vmem>>
    %dma_start3A_35 = arith.constant 0 : i32
    %dma_start3A_36 = arith.constant 0 : i32
    %dma_start3A_37 = tpu.memref_slice %arg2[%dma_start3A_35, %dma_start3A_36] : memref<32768x32xf32, #tpu.memory_space<hbm>> -> memref<32768x32xf32, #tpu.memory_space<hbm>>
    tpu.enqueue_indirect_dma source(%dma_start3A_37 : memref<32768x32xf32, #tpu.memory_space<hbm>>) target(%dma_start3A_31 : memref<128x32xf32, #tpu.memory_space<vmem>>) offsets(%dma_start3A_34 : memref<128xi32, #tpu.memory_space<vmem>>) semaphore(%arg9 : memref<!tpu.dma_semaphore, #tpu.memory_space<semaphore_mem>>)
    %dma_start3A_38 = arith.constant 3 : i32
    %dma_start3A_39 = arith.constant 3 : i32
    %dma_start3A_40 = arith.constant 0 : i32
    %dma_start3A_41 = arith.constant 0 : i32
    %dma_start3A_42 = tpu.memref_slice %arg6[%dma_start3A_39, %dma_start3A_40, %dma_start3A_41] : memref<4x128x32xf32, #tpu.memory_space<vmem>> -> memref<1x128x32xf32, #tpu.memory_space<vmem>>
    %dma_start3A_43 = tpu.memref_squeeze %dma_start3A_42 : memref<1x128x32xf32, #tpu.memory_space<vmem>> -> memref<128x32xf32, #tpu.memory_space<vmem>>
    %dma_start3A_44 = arith.constant 0 : i32
    %dma_start3A_45 = tpu.memref_slice %arg5[%dma_start3A_38, %dma_start3A_44] : memref<160x128xi32, #tpu.memory_space<vmem>> -> memref<1x128xi32, #tpu.memory_space<vmem>>
    %dma_start3A_46 = tpu.memref_squeeze %dma_start3A_45 : memref<1x128xi32, #tpu.memory_space<vmem>> -> memref<128xi32, #tpu.memory_space<vmem>>
    %dma_start3A_47 = arith.constant 0 : i32
    %dma_start3A_48 = arith.constant 0 : i32
    %dma_start3A_49 = tpu.memref_slice %arg2[%dma_start3A_47, %dma_start3A_48] : memref<32768x32xf32, #tpu.memory_space<hbm>> -> memref<32768x32xf32, #tpu.memory_space<hbm>>
    tpu.enqueue_indirect_dma source(%dma_start3A_49 : memref<32768x32xf32, #tpu.memory_space<hbm>>) target(%dma_start3A_43 : memref<128x32xf32, #tpu.memory_space<vmem>>) offsets(%dma_start3A_46 : memref<128xi32, #tpu.memory_space<vmem>>) semaphore(%arg10 : memref<!tpu.dma_semaphore, #tpu.memory_space<semaphore_mem>>)
    %scan3A = arith.constant 0 : i32
    %scan3A_50 = arith.constant 0 : i32
    %scan3A_51 = arith.constant 40 : i32
    %scan3A_52 = arith.addi %scan3A_50, %scan3A_51 : i32
    %scan3A_53 = arith.constant 1 : i32
    scf.for %scan3A_55 = %scan3A_50 to %scan3A_52 step %scan3A_53  : i32 {
      %mul3A_56 = arith.constant 4 : i32
      %mul3A_57 = arith.muli %scan3A_55, %mul3A_56 : i32
      %add3A_58 = arith.constant 0 : i32
      %add3A_59 = arith.addi %mul3A_57, %add3A_58 : i32
      %dma_wait3A = arith.constant 0 : i32
      %dma_wait3A_60 = arith.constant 0 : i32
      %dma_wait3A_61 = arith.constant 0 : i32
      %dma_wait3A_62 = arith.constant 0 : i32
      %dma_wait3A_63 = tpu.memref_slice %arg6[%dma_wait3A_60, %dma_wait3A_61, %dma_wait3A_62] : memref<4x128x32xf32, #tpu.memory_space<vmem>> -> memref<1x128x32xf32, #tpu.memory_space<vmem>>
      %dma_wait3A_64 = tpu.memref_squeeze %dma_wait3A_63 : memref<1x128x32xf32, #tpu.memory_space<vmem>> -> memref<128x32xf32, #tpu.memory_space<vmem>>
      %dma_wait3A_65 = arith.constant 0 : i32
      %dma_wait3A_66 = tpu.memref_slice %arg5[%dma_wait3A, %dma_wait3A_65] : memref<160x128xi32, #tpu.memory_space<vmem>> -> memref<1x128xi32, #tpu.memory_space<vmem>>
      %dma_wait3A_67 = tpu.memref_squeeze %dma_wait3A_66 : memref<1x128xi32, #tpu.memory_space<vmem>> -> memref<128xi32, #tpu.memory_space<vmem>>
      %dma_wait3A_68 = arith.constant 0 : i32
      %dma_wait3A_69 = arith.constant 0 : i32
      %dma_wait3A_70 = tpu.memref_slice %arg2[%dma_wait3A_68, %dma_wait3A_69] : memref<32768x32xf32, #tpu.memory_space<hbm>> -> memref<32768x32xf32, #tpu.memory_space<hbm>>
      tpu.wait_indirect_dma semaphore(%arg7 : memref<!tpu.dma_semaphore, #tpu.memory_space<semaphore_mem>>) src(%dma_wait3A_70 : memref<32768x32xf32, #tpu.memory_space<hbm>>) dst(%dma_wait3A_64 : memref<128x32xf32, #tpu.memory_space<vmem>>)
      %mul3A_71 = arith.constant 128 : i32
      %mul3A_72 = arith.muli %add3A_59, %mul3A_71 : i32
      %add3A_73 = arith.addi %mul3A_2, %mul3A_72 : i32
      %run_scoped3A = arith.constant 0 : i32
      "tpu.region"() ({
        %run_scoped3A_159 = tpu.sem_alloc : memref<!tpu.dma_semaphore, #tpu.memory_space<semaphore_mem>>
        %dma_start3A_160 = arith.constant 0 : i32
        %dma_start3A_161 = arith.constant 0 : i32
        %dma_start3A_162 = tpu.memref_slice %arg6[%run_scoped3A, %dma_start3A_160, %dma_start3A_161] : memref<4x128x32xf32, #tpu.memory_space<vmem>> -> memref<1x128x32xf32, #tpu.memory_space<vmem>>
        %dma_start3A_163 = tpu.memref_squeeze %dma_start3A_162 : memref<1x128x32xf32, #tpu.memory_space<vmem>> -> memref<128x32xf32, #tpu.memory_space<vmem>>
        %dma_start3A_164 = arith.constant 0 : i32
        %dma_start3A_165 = tpu.memref_slice %arg4[%add3A_73, %dma_start3A_164] : memref<655360x32xf32, #tpu.memory_space<hbm>> -> memref<128x32xf32, #tpu.memory_space<hbm>>
        %dma_start3A_166 = arith.constant 0 : i32
        %dma_start3A_167 = tpu.memref_slice %arg4[%add3A_73, %dma_start3A_166] : memref<655360x32xf32, #tpu.memory_space<hbm>> -> memref<128x32xf32, #tpu.memory_space<hbm>>
        %dma_start3A_168 = arith.constant 0 : i32
        %dma_start3A_169 = arith.constant 0 : i32
        %dma_start3A_170 = tpu.memref_slice %arg6[%run_scoped3A, %dma_start3A_168, %dma_start3A_169] : memref<4x128x32xf32, #tpu.memory_space<vmem>> -> memref<1x128x32xf32, #tpu.memory_space<vmem>>
        %dma_start3A_171 = tpu.memref_squeeze %dma_start3A_170 : memref<1x128x32xf32, #tpu.memory_space<vmem>> -> memref<128x32xf32, #tpu.memory_space<vmem>>
        tpu.enqueue_dma source(%dma_start3A_171 : memref<128x32xf32, #tpu.memory_space<vmem>>) target(%dma_start3A_167 : memref<128x32xf32, #tpu.memory_space<hbm>>) target_semaphore(%run_scoped3A_159 : memref<!tpu.dma_semaphore, #tpu.memory_space<semaphore_mem>>)
        %dma_wait3A_172 = arith.constant 0 : i32
        %dma_wait3A_173 = arith.constant 0 : i32
        %dma_wait3A_174 = tpu.memref_slice %arg6[%run_scoped3A, %dma_wait3A_172, %dma_wait3A_173] : memref<4x128x32xf32, #tpu.memory_space<vmem>> -> memref<1x128x32xf32, #tpu.memory_space<vmem>>
        %dma_wait3A_175 = tpu.memref_squeeze %dma_wait3A_174 : memref<1x128x32xf32, #tpu.memory_space<vmem>> -> memref<128x32xf32, #tpu.memory_space<vmem>>
        %dma_wait3A_176 = arith.constant 0 : i32
        %dma_wait3A_177 = tpu.memref_slice %arg4[%add3A_73, %dma_wait3A_176] : memref<655360x32xf32, #tpu.memory_space<hbm>> -> memref<128x32xf32, #tpu.memory_space<hbm>>
        %dma_wait3A_178 = arith.constant 0 : i32
        %dma_wait3A_179 = tpu.memref_slice %arg4[%add3A_73, %dma_wait3A_178] : memref<655360x32xf32, #tpu.memory_space<hbm>> -> memref<128x32xf32, #tpu.memory_space<hbm>>
        %dma_wait3A_180 = arith.constant 0 : i32
        %dma_wait3A_181 = arith.constant 0 : i32
        %dma_wait3A_182 = tpu.memref_slice %arg6[%run_scoped3A, %dma_wait3A_180, %dma_wait3A_181] : memref<4x128x32xf32, #tpu.memory_space<vmem>> -> memref<1x128x32xf32, #tpu.memory_space<vmem>>
        %dma_wait3A_183 = tpu.memref_squeeze %dma_wait3A_182 : memref<1x128x32xf32, #tpu.memory_space<vmem>> -> memref<128x32xf32, #tpu.memory_space<vmem>>
        tpu.wait_dma2 semaphore(%run_scoped3A_159 : memref<!tpu.dma_semaphore, #tpu.memory_space<semaphore_mem>>) src(%dma_wait3A_183 : memref<128x32xf32, #tpu.memory_space<vmem>>) dst(%dma_wait3A_179 : memref<128x32xf32, #tpu.memory_space<hbm>>)
        tpu.yield
      }) : () -> ()
      %add3A_74 = arith.constant 4 : i32
      %add3A_75 = arith.addi %add3A_59, %add3A_74 : i32
      %lt3A = arith.constant 160 : i32
      %lt3A_76 = arith.cmpi slt, %add3A_75, %lt3A : i32
      %convert_element_type3A = arith.extui %lt3A_76 : i1 to i32
      %cond3A = arith.constant 0 : i32
      %cond3A_77 = arith.cmpi ne, %convert_element_type3A, %cond3A : i32
      scf.if %cond3A_77 {
        %add3A_159 = arith.constant 4 : i32
        %add3A_160 = arith.addi %add3A_59, %add3A_159 : i32
        %dma_start3A_161 = arith.constant 0 : i32
        %dma_start3A_162 = arith.constant 0 : i32
        %dma_start3A_163 = arith.constant 0 : i32
        %dma_start3A_164 = tpu.memref_slice %arg6[%dma_start3A_161, %dma_start3A_162, %dma_start3A_163] : memref<4x128x32xf32, #tpu.memory_space<vmem>> -> memref<1x128x32xf32, #tpu.memory_space<vmem>>
        %dma_start3A_165 = tpu.memref_squeeze %dma_start3A_164 : memref<1x128x32xf32, #tpu.memory_space<vmem>> -> memref<128x32xf32, #tpu.memory_space<vmem>>
        %dma_start3A_166 = arith.constant 0 : i32
        %dma_start3A_167 = tpu.memref_slice %arg5[%add3A_160, %dma_start3A_166] : memref<160x128xi32, #tpu.memory_space<vmem>> -> memref<1x128xi32, #tpu.memory_space<vmem>>
        %dma_start3A_168 = tpu.memref_squeeze %dma_start3A_167 : memref<1x128xi32, #tpu.memory_space<vmem>> -> memref<128xi32, #tpu.memory_space<vmem>>
        %dma_start3A_169 = arith.constant 0 : i32
        %dma_start3A_170 = arith.constant 0 : i32
        %dma_start3A_171 = tpu.memref_slice %arg2[%dma_start3A_169, %dma_start3A_170] : memref<32768x32xf32, #tpu.memory_space<hbm>> -> memref<32768x32xf32, #tpu.memory_space<hbm>>
        tpu.enqueue_indirect_dma source(%dma_start3A_171 : memref<32768x32xf32, #tpu.memory_space<hbm>>) target(%dma_start3A_165 : memref<128x32xf32, #tpu.memory_space<vmem>>) offsets(%dma_start3A_168 : memref<128xi32, #tpu.memory_space<vmem>>) semaphore(%arg7 : memref<!tpu.dma_semaphore, #tpu.memory_space<semaphore_mem>>)
      } else {
      }
      %mul3A_78 = arith.constant 4 : i32
      %mul3A_79 = arith.muli %scan3A_55, %mul3A_78 : i32
      %add3A_80 = arith.constant 1 : i32
      %add3A_81 = arith.addi %mul3A_79, %add3A_80 : i32
      %dma_wait3A_82 = arith.constant 0 : i32
      %dma_wait3A_83 = arith.constant 1 : i32
      %dma_wait3A_84 = arith.constant 0 : i32
      %dma_wait3A_85 = arith.constant 0 : i32
      %dma_wait3A_86 = tpu.memref_slice %arg6[%dma_wait3A_83, %dma_wait3A_84, %dma_wait3A_85] : memref<4x128x32xf32, #tpu.memory_space<vmem>> -> memref<1x128x32xf32, #tpu.memory_space<vmem>>
      %dma_wait3A_87 = tpu.memref_squeeze %dma_wait3A_86 : memref<1x128x32xf32, #tpu.memory_space<vmem>> -> memref<128x32xf32, #tpu.memory_space<vmem>>
      %dma_wait3A_88 = arith.constant 0 : i32
      %dma_wait3A_89 = tpu.memref_slice %arg5[%dma_wait3A_82, %dma_wait3A_88] : memref<160x128xi32, #tpu.memory_space<vmem>> -> memref<1x128xi32, #tpu.memory_space<vmem>>
      %dma_wait3A_90 = tpu.memref_squeeze %dma_wait3A_89 : memref<1x128xi32, #tpu.memory_space<vmem>> -> memref<128xi32, #tpu.memory_space<vmem>>
      %dma_wait3A_91 = arith.constant 0 : i32
      %dma_wait3A_92 = arith.constant 0 : i32
      %dma_wait3A_93 = tpu.memref_slice %arg2[%dma_wait3A_91, %dma_wait3A_92] : memref<32768x32xf32, #tpu.memory_space<hbm>> -> memref<32768x32xf32, #tpu.memory_space<hbm>>
      tpu.wait_indirect_dma semaphore(%arg8 : memref<!tpu.dma_semaphore, #tpu.memory_space<semaphore_mem>>) src(%dma_wait3A_93 : memref<32768x32xf32, #tpu.memory_space<hbm>>) dst(%dma_wait3A_87 : memref<128x32xf32, #tpu.memory_space<vmem>>)
      %mul3A_94 = arith.constant 128 : i32
      %mul3A_95 = arith.muli %add3A_81, %mul3A_94 : i32
      %add3A_96 = arith.addi %mul3A_2, %mul3A_95 : i32
      %run_scoped3A_97 = arith.constant 1 : i32
      "tpu.region"() ({
        %run_scoped3A_159 = tpu.sem_alloc : memref<!tpu.dma_semaphore, #tpu.memory_space<semaphore_mem>>
        %dma_start3A_160 = arith.constant 0 : i32
        %dma_start3A_161 = arith.constant 0 : i32
        %dma_start3A_162 = tpu.memref_slice %arg6[%run_scoped3A_97, %dma_start3A_160, %dma_start3A_161] : memref<4x128x32xf32, #tpu.memory_space<vmem>> -> memref<1x128x32xf32, #tpu.memory_space<vmem>>
        %dma_start3A_163 = tpu.memref_squeeze %dma_start3A_162 : memref<1x128x32xf32, #tpu.memory_space<vmem>> -> memref<128x32xf32, #tpu.memory_space<vmem>>
        %dma_start3A_164 = arith.constant 0 : i32
        %dma_start3A_165 = tpu.memref_slice %arg4[%add3A_96, %dma_start3A_164] : memref<655360x32xf32, #tpu.memory_space<hbm>> -> memref<128x32xf32, #tpu.memory_space<hbm>>
        %dma_start3A_166 = arith.constant 0 : i32
        %dma_start3A_167 = tpu.memref_slice %arg4[%add3A_96, %dma_start3A_166] : memref<655360x32xf32, #tpu.memory_space<hbm>> -> memref<128x32xf32, #tpu.memory_space<hbm>>
        %dma_start3A_168 = arith.constant 0 : i32
        %dma_start3A_169 = arith.constant 0 : i32
        %dma_start3A_170 = tpu.memref_slice %arg6[%run_scoped3A_97, %dma_start3A_168, %dma_start3A_169] : memref<4x128x32xf32, #tpu.memory_space<vmem>> -> memref<1x128x32xf32, #tpu.memory_space<vmem>>
        %dma_start3A_171 = tpu.memref_squeeze %dma_start3A_170 : memref<1x128x32xf32, #tpu.memory_space<vmem>> -> memref<128x32xf32, #tpu.memory_space<vmem>>
        tpu.enqueue_dma source(%dma_start3A_171 : memref<128x32xf32, #tpu.memory_space<vmem>>) target(%dma_start3A_167 : memref<128x32xf32, #tpu.memory_space<hbm>>) target_semaphore(%run_scoped3A_159 : memref<!tpu.dma_semaphore, #tpu.memory_space<semaphore_mem>>)
        %dma_wait3A_172 = arith.constant 0 : i32
        %dma_wait3A_173 = arith.constant 0 : i32
        %dma_wait3A_174 = tpu.memref_slice %arg6[%run_scoped3A_97, %dma_wait3A_172, %dma_wait3A_173] : memref<4x128x32xf32, #tpu.memory_space<vmem>> -> memref<1x128x32xf32, #tpu.memory_space<vmem>>
        %dma_wait3A_175 = tpu.memref_squeeze %dma_wait3A_174 : memref<1x128x32xf32, #tpu.memory_space<vmem>> -> memref<128x32xf32, #tpu.memory_space<vmem>>
        %dma_wait3A_176 = arith.constant 0 : i32
        %dma_wait3A_177 = tpu.memref_slice %arg4[%add3A_96, %dma_wait3A_176] : memref<655360x32xf32, #tpu.memory_space<hbm>> -> memref<128x32xf32, #tpu.memory_space<hbm>>
        %dma_wait3A_178 = arith.constant 0 : i32
        %dma_wait3A_179 = tpu.memref_slice %arg4[%add3A_96, %dma_wait3A_178] : memref<655360x32xf32, #tpu.memory_space<hbm>> -> memref<128x32xf32, #tpu.memory_space<hbm>>
        %dma_wait3A_180 = arith.constant 0 : i32
        %dma_wait3A_181 = arith.constant 0 : i32
        %dma_wait3A_182 = tpu.memref_slice %arg6[%run_scoped3A_97, %dma_wait3A_180, %dma_wait3A_181] : memref<4x128x32xf32, #tpu.memory_space<vmem>> -> memref<1x128x32xf32, #tpu.memory_space<vmem>>
        %dma_wait3A_183 = tpu.memref_squeeze %dma_wait3A_182 : memref<1x128x32xf32, #tpu.memory_space<vmem>> -> memref<128x32xf32, #tpu.memory_space<vmem>>
        tpu.wait_dma2 semaphore(%run_scoped3A_159 : memref<!tpu.dma_semaphore, #tpu.memory_space<semaphore_mem>>) src(%dma_wait3A_183 : memref<128x32xf32, #tpu.memory_space<vmem>>) dst(%dma_wait3A_179 : memref<128x32xf32, #tpu.memory_space<hbm>>)
        tpu.yield
      }) : () -> ()
      %add3A_98 = arith.constant 4 : i32
      %add3A_99 = arith.addi %add3A_81, %add3A_98 : i32
      %lt3A_100 = arith.constant 160 : i32
      %lt3A_101 = arith.cmpi slt, %add3A_99, %lt3A_100 : i32
      %convert_element_type3A_102 = arith.extui %lt3A_101 : i1 to i32
      %cond3A_103 = arith.constant 0 : i32
      %cond3A_104 = arith.cmpi ne, %convert_element_type3A_102, %cond3A_103 : i32
      scf.if %cond3A_104 {
        %add3A_159 = arith.constant 4 : i32
        %add3A_160 = arith.addi %add3A_81, %add3A_159 : i32
        %dma_start3A_161 = arith.constant 1 : i32
        %dma_start3A_162 = arith.constant 0 : i32
        %dma_start3A_163 = arith.constant 0 : i32
        %dma_start3A_164 = tpu.memref_slice %arg6[%dma_start3A_161, %dma_start3A_162, %dma_start3A_163] : memref<4x128x32xf32, #tpu.memory_space<vmem>> -> memref<1x128x32xf32, #tpu.memory_space<vmem>>
        %dma_start3A_165 = tpu.memref_squeeze %dma_start3A_164 : memref<1x128x32xf32, #tpu.memory_space<vmem>> -> memref<128x32xf32, #tpu.memory_space<vmem>>
        %dma_start3A_166 = arith.constant 0 : i32
        %dma_start3A_167 = tpu.memref_slice %arg5[%add3A_160, %dma_start3A_166] : memref<160x128xi32, #tpu.memory_space<vmem>> -> memref<1x128xi32, #tpu.memory_space<vmem>>
        %dma_start3A_168 = tpu.memref_squeeze %dma_start3A_167 : memref<1x128xi32, #tpu.memory_space<vmem>> -> memref<128xi32, #tpu.memory_space<vmem>>
        %dma_start3A_169 = arith.constant 0 : i32
        %dma_start3A_170 = arith.constant 0 : i32
        %dma_start3A_171 = tpu.memref_slice %arg2[%dma_start3A_169, %dma_start3A_170] : memref<32768x32xf32, #tpu.memory_space<hbm>> -> memref<32768x32xf32, #tpu.memory_space<hbm>>
        tpu.enqueue_indirect_dma source(%dma_start3A_171 : memref<32768x32xf32, #tpu.memory_space<hbm>>) target(%dma_start3A_165 : memref<128x32xf32, #tpu.memory_space<vmem>>) offsets(%dma_start3A_168 : memref<128xi32, #tpu.memory_space<vmem>>) semaphore(%arg8 : memref<!tpu.dma_semaphore, #tpu.memory_space<semaphore_mem>>)
      } else {
      }
      %mul3A_105 = arith.constant 4 : i32
      %mul3A_106 = arith.muli %scan3A_55, %mul3A_105 : i32
      %add3A_107 = arith.constant 2 : i32
      %add3A_108 = arith.addi %mul3A_106, %add3A_107 : i32
      %dma_wait3A_109 = arith.constant 0 : i32
      %dma_wait3A_110 = arith.constant 2 : i32
      %dma_wait3A_111 = arith.constant 0 : i32
      %dma_wait3A_112 = arith.constant 0 : i32
      %dma_wait3A_113 = tpu.memref_slice %arg6[%dma_wait3A_110, %dma_wait3A_111, %dma_wait3A_112] : memref<4x128x32xf32, #tpu.memory_space<vmem>> -> memref<1x128x32xf32, #tpu.memory_space<vmem>>
      %dma_wait3A_114 = tpu.memref_squeeze %dma_wait3A_113 : memref<1x128x32xf32, #tpu.memory_space<vmem>> -> memref<128x32xf32, #tpu.memory_space<vmem>>
      %dma_wait3A_115 = arith.constant 0 : i32
      %dma_wait3A_116 = tpu.memref_slice %arg5[%dma_wait3A_109, %dma_wait3A_115] : memref<160x128xi32, #tpu.memory_space<vmem>> -> memref<1x128xi32, #tpu.memory_space<vmem>>
      %dma_wait3A_117 = tpu.memref_squeeze %dma_wait3A_116 : memref<1x128xi32, #tpu.memory_space<vmem>> -> memref<128xi32, #tpu.memory_space<vmem>>
      %dma_wait3A_118 = arith.constant 0 : i32
      %dma_wait3A_119 = arith.constant 0 : i32
      %dma_wait3A_120 = tpu.memref_slice %arg2[%dma_wait3A_118, %dma_wait3A_119] : memref<32768x32xf32, #tpu.memory_space<hbm>> -> memref<32768x32xf32, #tpu.memory_space<hbm>>
      tpu.wait_indirect_dma semaphore(%arg9 : memref<!tpu.dma_semaphore, #tpu.memory_space<semaphore_mem>>) src(%dma_wait3A_120 : memref<32768x32xf32, #tpu.memory_space<hbm>>) dst(%dma_wait3A_114 : memref<128x32xf32, #tpu.memory_space<vmem>>)
      %mul3A_121 = arith.constant 128 : i32
      %mul3A_122 = arith.muli %add3A_108, %mul3A_121 : i32
      %add3A_123 = arith.addi %mul3A_2, %mul3A_122 : i32
      %run_scoped3A_124 = arith.constant 2 : i32
      "tpu.region"() ({
        %run_scoped3A_159 = tpu.sem_alloc : memref<!tpu.dma_semaphore, #tpu.memory_space<semaphore_mem>>
        %dma_start3A_160 = arith.constant 0 : i32
        %dma_start3A_161 = arith.constant 0 : i32
        %dma_start3A_162 = tpu.memref_slice %arg6[%run_scoped3A_124, %dma_start3A_160, %dma_start3A_161] : memref<4x128x32xf32, #tpu.memory_space<vmem>> -> memref<1x128x32xf32, #tpu.memory_space<vmem>>
        %dma_start3A_163 = tpu.memref_squeeze %dma_start3A_162 : memref<1x128x32xf32, #tpu.memory_space<vmem>> -> memref<128x32xf32, #tpu.memory_space<vmem>>
        %dma_start3A_164 = arith.constant 0 : i32
        %dma_start3A_165 = tpu.memref_slice %arg4[%add3A_123, %dma_start3A_164] : memref<655360x32xf32, #tpu.memory_space<hbm>> -> memref<128x32xf32, #tpu.memory_space<hbm>>
        %dma_start3A_166 = arith.constant 0 : i32
        %dma_start3A_167 = tpu.memref_slice %arg4[%add3A_123, %dma_start3A_166] : memref<655360x32xf32, #tpu.memory_space<hbm>> -> memref<128x32xf32, #tpu.memory_space<hbm>>
        %dma_start3A_168 = arith.constant 0 : i32
        %dma_start3A_169 = arith.constant 0 : i32
        %dma_start3A_170 = tpu.memref_slice %arg6[%run_scoped3A_124, %dma_start3A_168, %dma_start3A_169] : memref<4x128x32xf32, #tpu.memory_space<vmem>> -> memref<1x128x32xf32, #tpu.memory_space<vmem>>
        %dma_start3A_171 = tpu.memref_squeeze %dma_start3A_170 : memref<1x128x32xf32, #tpu.memory_space<vmem>> -> memref<128x32xf32, #tpu.memory_space<vmem>>
        tpu.enqueue_dma source(%dma_start3A_171 : memref<128x32xf32, #tpu.memory_space<vmem>>) target(%dma_start3A_167 : memref<128x32xf32, #tpu.memory_space<hbm>>) target_semaphore(%run_scoped3A_159 : memref<!tpu.dma_semaphore, #tpu.memory_space<semaphore_mem>>)
        %dma_wait3A_172 = arith.constant 0 : i32
        %dma_wait3A_173 = arith.constant 0 : i32
        %dma_wait3A_174 = tpu.memref_slice %arg6[%run_scoped3A_124, %dma_wait3A_172, %dma_wait3A_173] : memref<4x128x32xf32, #tpu.memory_space<vmem>> -> memref<1x128x32xf32, #tpu.memory_space<vmem>>
        %dma_wait3A_175 = tpu.memref_squeeze %dma_wait3A_174 : memref<1x128x32xf32, #tpu.memory_space<vmem>> -> memref<128x32xf32, #tpu.memory_space<vmem>>
        %dma_wait3A_176 = arith.constant 0 : i32
        %dma_wait3A_177 = tpu.memref_slice %arg4[%add3A_123, %dma_wait3A_176] : memref<655360x32xf32, #tpu.memory_space<hbm>> -> memref<128x32xf32, #tpu.memory_space<hbm>>
        %dma_wait3A_178 = arith.constant 0 : i32
        %dma_wait3A_179 = tpu.memref_slice %arg4[%add3A_123, %dma_wait3A_178] : memref<655360x32xf32, #tpu.memory_space<hbm>> -> memref<128x32xf32, #tpu.memory_space<hbm>>
        %dma_wait3A_180 = arith.constant 0 : i32
        %dma_wait3A_181 = arith.constant 0 : i32
        %dma_wait3A_182 = tpu.memref_slice %arg6[%run_scoped3A_124, %dma_wait3A_180, %dma_wait3A_181] : memref<4x128x32xf32, #tpu.memory_space<vmem>> -> memref<1x128x32xf32, #tpu.memory_space<vmem>>
        %dma_wait3A_183 = tpu.memref_squeeze %dma_wait3A_182 : memref<1x128x32xf32, #tpu.memory_space<vmem>> -> memref<128x32xf32, #tpu.memory_space<vmem>>
        tpu.wait_dma2 semaphore(%run_scoped3A_159 : memref<!tpu.dma_semaphore, #tpu.memory_space<semaphore_mem>>) src(%dma_wait3A_183 : memref<128x32xf32, #tpu.memory_space<vmem>>) dst(%dma_wait3A_179 : memref<128x32xf32, #tpu.memory_space<hbm>>)
        tpu.yield
      }) : () -> ()
      %add3A_125 = arith.constant 4 : i32
      %add3A_126 = arith.addi %add3A_108, %add3A_125 : i32
      %lt3A_127 = arith.constant 160 : i32
      %lt3A_128 = arith.cmpi slt, %add3A_126, %lt3A_127 : i32
      %convert_element_type3A_129 = arith.extui %lt3A_128 : i1 to i32
      %cond3A_130 = arith.constant 0 : i32
      %cond3A_131 = arith.cmpi ne, %convert_element_type3A_129, %cond3A_130 : i32
      scf.if %cond3A_131 {
        %add3A_159 = arith.constant 4 : i32
        %add3A_160 = arith.addi %add3A_108, %add3A_159 : i32
        %dma_start3A_161 = arith.constant 2 : i32
        %dma_start3A_162 = arith.constant 0 : i32
        %dma_start3A_163 = arith.constant 0 : i32
        %dma_start3A_164 = tpu.memref_slice %arg6[%dma_start3A_161, %dma_start3A_162, %dma_start3A_163] : memref<4x128x32xf32, #tpu.memory_space<vmem>> -> memref<1x128x32xf32, #tpu.memory_space<vmem>>
        %dma_start3A_165 = tpu.memref_squeeze %dma_start3A_164 : memref<1x128x32xf32, #tpu.memory_space<vmem>> -> memref<128x32xf32, #tpu.memory_space<vmem>>
        %dma_start3A_166 = arith.constant 0 : i32
        %dma_start3A_167 = tpu.memref_slice %arg5[%add3A_160, %dma_start3A_166] : memref<160x128xi32, #tpu.memory_space<vmem>> -> memref<1x128xi32, #tpu.memory_space<vmem>>
        %dma_start3A_168 = tpu.memref_squeeze %dma_start3A_167 : memref<1x128xi32, #tpu.memory_space<vmem>> -> memref<128xi32, #tpu.memory_space<vmem>>
        %dma_start3A_169 = arith.constant 0 : i32
        %dma_start3A_170 = arith.constant 0 : i32
        %dma_start3A_171 = tpu.memref_slice %arg2[%dma_start3A_169, %dma_start3A_170] : memref<32768x32xf32, #tpu.memory_space<hbm>> -> memref<32768x32xf32, #tpu.memory_space<hbm>>
        tpu.enqueue_indirect_dma source(%dma_start3A_171 : memref<32768x32xf32, #tpu.memory_space<hbm>>) target(%dma_start3A_165 : memref<128x32xf32, #tpu.memory_space<vmem>>) offsets(%dma_start3A_168 : memref<128xi32, #tpu.memory_space<vmem>>) semaphore(%arg9 : memref<!tpu.dma_semaphore, #tpu.memory_space<semaphore_mem>>)
      } else {
      }
      %mul3A_132 = arith.constant 4 : i32
      %mul3A_133 = arith.muli %scan3A_55, %mul3A_132 : i32
      %add3A_134 = arith.constant 3 : i32
      %add3A_135 = arith.addi %mul3A_133, %add3A_134 : i32
      %dma_wait3A_136 = arith.constant 0 : i32
      %dma_wait3A_137 = arith.constant 3 : i32
      %dma_wait3A_138 = arith.constant 0 : i32
      %dma_wait3A_139 = arith.constant 0 : i32
      %dma_wait3A_140 = tpu.memref_slice %arg6[%dma_wait3A_137, %dma_wait3A_138, %dma_wait3A_139] : memref<4x128x32xf32, #tpu.memory_space<vmem>> -> memref<1x128x32xf32, #tpu.memory_space<vmem>>
      %dma_wait3A_141 = tpu.memref_squeeze %dma_wait3A_140 : memref<1x128x32xf32, #tpu.memory_space<vmem>> -> memref<128x32xf32, #tpu.memory_space<vmem>>
      %dma_wait3A_142 = arith.constant 0 : i32
      %dma_wait3A_143 = tpu.memref_slice %arg5[%dma_wait3A_136, %dma_wait3A_142] : memref<160x128xi32, #tpu.memory_space<vmem>> -> memref<1x128xi32, #tpu.memory_space<vmem>>
      %dma_wait3A_144 = tpu.memref_squeeze %dma_wait3A_143 : memref<1x128xi32, #tpu.memory_space<vmem>> -> memref<128xi32, #tpu.memory_space<vmem>>
      %dma_wait3A_145 = arith.constant 0 : i32
      %dma_wait3A_146 = arith.constant 0 : i32
      %dma_wait3A_147 = tpu.memref_slice %arg2[%dma_wait3A_145, %dma_wait3A_146] : memref<32768x32xf32, #tpu.memory_space<hbm>> -> memref<32768x32xf32, #tpu.memory_space<hbm>>
      tpu.wait_indirect_dma semaphore(%arg10 : memref<!tpu.dma_semaphore, #tpu.memory_space<semaphore_mem>>) src(%dma_wait3A_147 : memref<32768x32xf32, #tpu.memory_space<hbm>>) dst(%dma_wait3A_141 : memref<128x32xf32, #tpu.memory_space<vmem>>)
      %mul3A_148 = arith.constant 128 : i32
      %mul3A_149 = arith.muli %add3A_135, %mul3A_148 : i32
      %add3A_150 = arith.addi %mul3A_2, %mul3A_149 : i32
      %run_scoped3A_151 = arith.constant 3 : i32
      "tpu.region"() ({
        %run_scoped3A_159 = tpu.sem_alloc : memref<!tpu.dma_semaphore, #tpu.memory_space<semaphore_mem>>
        %dma_start3A_160 = arith.constant 0 : i32
        %dma_start3A_161 = arith.constant 0 : i32
        %dma_start3A_162 = tpu.memref_slice %arg6[%run_scoped3A_151, %dma_start3A_160, %dma_start3A_161] : memref<4x128x32xf32, #tpu.memory_space<vmem>> -> memref<1x128x32xf32, #tpu.memory_space<vmem>>
        %dma_start3A_163 = tpu.memref_squeeze %dma_start3A_162 : memref<1x128x32xf32, #tpu.memory_space<vmem>> -> memref<128x32xf32, #tpu.memory_space<vmem>>
        %dma_start3A_164 = arith.constant 0 : i32
        %dma_start3A_165 = tpu.memref_slice %arg4[%add3A_150, %dma_start3A_164] : memref<655360x32xf32, #tpu.memory_space<hbm>> -> memref<128x32xf32, #tpu.memory_space<hbm>>
        %dma_start3A_166 = arith.constant 0 : i32
        %dma_start3A_167 = tpu.memref_slice %arg4[%add3A_150, %dma_start3A_166] : memref<655360x32xf32, #tpu.memory_space<hbm>> -> memref<128x32xf32, #tpu.memory_space<hbm>>
        %dma_start3A_168 = arith.constant 0 : i32
        %dma_start3A_169 = arith.constant 0 : i32
        %dma_start3A_170 = tpu.memref_slice %arg6[%run_scoped3A_151, %dma_start3A_168, %dma_start3A_169] : memref<4x128x32xf32, #tpu.memory_space<vmem>> -> memref<1x128x32xf32, #tpu.memory_space<vmem>>
        %dma_start3A_171 = tpu.memref_squeeze %dma_start3A_170 : memref<1x128x32xf32, #tpu.memory_space<vmem>> -> memref<128x32xf32, #tpu.memory_space<vmem>>
        tpu.enqueue_dma source(%dma_start3A_171 : memref<128x32xf32, #tpu.memory_space<vmem>>) target(%dma_start3A_167 : memref<128x32xf32, #tpu.memory_space<hbm>>) target_semaphore(%run_scoped3A_159 : memref<!tpu.dma_semaphore, #tpu.memory_space<semaphore_mem>>)
        %dma_wait3A_172 = arith.constant 0 : i32
        %dma_wait3A_173 = arith.constant 0 : i32
        %dma_wait3A_174 = tpu.memref_slice %arg6[%run_scoped3A_151, %dma_wait3A_172, %dma_wait3A_173] : memref<4x128x32xf32, #tpu.memory_space<vmem>> -> memref<1x128x32xf32, #tpu.memory_space<vmem>>
        %dma_wait3A_175 = tpu.memref_squeeze %dma_wait3A_174 : memref<1x128x32xf32, #tpu.memory_space<vmem>> -> memref<128x32xf32, #tpu.memory_space<vmem>>
        %dma_wait3A_176 = arith.constant 0 : i32
        %dma_wait3A_177 = tpu.memref_slice %arg4[%add3A_150, %dma_wait3A_176] : memref<655360x32xf32, #tpu.memory_space<hbm>> -> memref<128x32xf32, #tpu.memory_space<hbm>>
        %dma_wait3A_178 = arith.constant 0 : i32
        %dma_wait3A_179 = tpu.memref_slice %arg4[%add3A_150, %dma_wait3A_178] : memref<655360x32xf32, #tpu.memory_space<hbm>> -> memref<128x32xf32, #tpu.memory_space<hbm>>
        %dma_wait3A_180 = arith.constant 0 : i32
        %dma_wait3A_181 = arith.constant 0 : i32
        %dma_wait3A_182 = tpu.memref_slice %arg6[%run_scoped3A_151, %dma_wait3A_180, %dma_wait3A_181] : memref<4x128x32xf32, #tpu.memory_space<vmem>> -> memref<1x128x32xf32, #tpu.memory_space<vmem>>
        %dma_wait3A_183 = tpu.memref_squeeze %dma_wait3A_182 : memref<1x128x32xf32, #tpu.memory_space<vmem>> -> memref<128x32xf32, #tpu.memory_space<vmem>>
        tpu.wait_dma2 semaphore(%run_scoped3A_159 : memref<!tpu.dma_semaphore, #tpu.memory_space<semaphore_mem>>) src(%dma_wait3A_183 : memref<128x32xf32, #tpu.memory_space<vmem>>) dst(%dma_wait3A_179 : memref<128x32xf32, #tpu.memory_space<hbm>>)
        tpu.yield
      }) : () -> ()
      %add3A_152 = arith.constant 4 : i32
      %add3A_153 = arith.addi %add3A_135, %add3A_152 : i32
      %lt3A_154 = arith.constant 160 : i32
      %lt3A_155 = arith.cmpi slt, %add3A_153, %lt3A_154 : i32
      %convert_element_type3A_156 = arith.extui %lt3A_155 : i1 to i32
      %cond3A_157 = arith.constant 0 : i32
      %cond3A_158 = arith.cmpi ne, %convert_element_type3A_156, %cond3A_157 : i32
      scf.if %cond3A_158 {
        %add3A_159 = arith.constant 4 : i32
        %add3A_160 = arith.addi %add3A_135, %add3A_159 : i32
        %dma_start3A_161 = arith.constant 3 : i32
        %dma_start3A_162 = arith.constant 0 : i32
        %dma_start3A_163 = arith.constant 0 : i32
        %dma_start3A_164 = tpu.memref_slice %arg6[%dma_start3A_161, %dma_start3A_162, %dma_start3A_163] : memref<4x128x32xf32, #tpu.memory_space<vmem>> -> memref<1x128x32xf32, #tpu.memory_space<vmem>>
        %dma_start3A_165 = tpu.memref_squeeze %dma_start3A_164 : memref<1x128x32xf32, #tpu.memory_space<vmem>> -> memref<128x32xf32, #tpu.memory_space<vmem>>
        %dma_start3A_166 = arith.constant 0 : i32
        %dma_start3A_167 = tpu.memref_slice %arg5[%add3A_160, %dma_start3A_166] : memref<160x128xi32, #tpu.memory_space<vmem>> -> memref<1x128xi32, #tpu.memory_space<vmem>>
        %dma_start3A_168 = tpu.memref_squeeze %dma_start3A_167 : memref<1x128xi32, #tpu.memory_space<vmem>> -> memref<128xi32, #tpu.memory_space<vmem>>
        %dma_start3A_169 = arith.constant 0 : i32
        %dma_start3A_170 = arith.constant 0 : i32
        %dma_start3A_171 = tpu.memref_slice %arg2[%dma_start3A_169, %dma_start3A_170] : memref<32768x32xf32, #tpu.memory_space<hbm>> -> memref<32768x32xf32, #tpu.memory_space<hbm>>
        tpu.enqueue_indirect_dma source(%dma_start3A_171 : memref<32768x32xf32, #tpu.memory_space<hbm>>) target(%dma_start3A_165 : memref<128x32xf32, #tpu.memory_space<vmem>>) offsets(%dma_start3A_168 : memref<128xi32, #tpu.memory_space<vmem>>) semaphore(%arg10 : memref<!tpu.dma_semaphore, #tpu.memory_space<semaphore_mem>>)
      } else {
      }
    }
    %scan3A_54 = arith.constant 40 : i32
    return
  }
}

#map = affine_map<(d0, d1) -> (0, 0)>
#map1 = affine_map<(d0, d1) -> (0, 0, 0)>
module attributes {stable_mosaic.version = 14 : i64} {
  func.func @gather_kernel(%arg0: i32, %arg1: i32, %arg2: memref<32768x16xf32, #tpu.memory_space<hbm>>, %arg3: memref<32x160x128xi32, #tpu.memory_space<hbm>>, %arg4: memref<655360x16xf32, #tpu.memory_space<hbm>>, %arg5: memref<160x128xi32, #tpu.memory_space<vmem>>, %arg6: memref<4x128x16xf32, #tpu.memory_space<vmem>>, %arg7: memref<!tpu.dma_semaphore, #tpu.memory_space<semaphore_mem>>, %arg8: memref<!tpu.dma_semaphore, #tpu.memory_space<semaphore_mem>>, %arg9: memref<!tpu.dma_semaphore, #tpu.memory_space<semaphore_mem>>, %arg10: memref<!tpu.dma_semaphore, #tpu.memory_space<semaphore_mem>>) attributes {dimension_semantics = [#tpu.dimension_semantics<core_parallel>, #tpu.dimension_semantics<subcore_parallel>], iteration_bounds = array<i64: 2, 16>, scalar_prefetch = 0 : i64, scratch_operands = 6 : i64, tpu.core_type = #tpu.core_type<sc_vector_subcore>, window_params = [{transform_indices = #map}, {transform_indices = #map1}, {transform_indices = #map}]} {
    %mul3A = arith.constant 2 : i32
    %mul3A_0 = arith.muli %arg1, %mul3A : i32
    %add3A = arith.addi %mul3A_0, %arg0 : i32
    %mul3A_1 = arith.constant 20480 : i32
    %mul3A_2 = arith.muli %add3A, %mul3A_1 : i32
    "tpu.region"() ({
      %run_scoped3A = tpu.sem_alloc : memref<!tpu.dma_semaphore, #tpu.memory_space<semaphore_mem>>
      %dma_start3A_55 = arith.constant 0 : i32
      %dma_start3A_56 = arith.constant 0 : i32
      %dma_start3A_57 = tpu.memref_slice %arg3[%add3A, %dma_start3A_55, %dma_start3A_56] : memref<32x160x128xi32, #tpu.memory_space<hbm>> -> memref<1x160x128xi32, #tpu.memory_space<hbm>>
      %dma_start3A_58 = tpu.memref_squeeze %dma_start3A_57 : memref<1x160x128xi32, #tpu.memory_space<hbm>> -> memref<160x128xi32, #tpu.memory_space<hbm>>
      %dma_start3A_59 = arith.constant 0 : i32
      %dma_start3A_60 = arith.constant 0 : i32
      %dma_start3A_61 = tpu.memref_slice %arg3[%add3A, %dma_start3A_59, %dma_start3A_60] : memref<32x160x128xi32, #tpu.memory_space<hbm>> -> memref<1x160x128xi32, #tpu.memory_space<hbm>>
      %dma_start3A_62 = tpu.memref_squeeze %dma_start3A_61 : memref<1x160x128xi32, #tpu.memory_space<hbm>> -> memref<160x128xi32, #tpu.memory_space<hbm>>
      tpu.enqueue_dma source(%dma_start3A_62 : memref<160x128xi32, #tpu.memory_space<hbm>>) target(%arg5 : memref<160x128xi32, #tpu.memory_space<vmem>>) target_semaphore(%run_scoped3A : memref<!tpu.dma_semaphore, #tpu.memory_space<semaphore_mem>>)
      %dma_wait3A = arith.constant 0 : i32
      %dma_wait3A_63 = arith.constant 0 : i32
      %dma_wait3A_64 = tpu.memref_slice %arg3[%add3A, %dma_wait3A, %dma_wait3A_63] : memref<32x160x128xi32, #tpu.memory_space<hbm>> -> memref<1x160x128xi32, #tpu.memory_space<hbm>>
      %dma_wait3A_65 = tpu.memref_squeeze %dma_wait3A_64 : memref<1x160x128xi32, #tpu.memory_space<hbm>> -> memref<160x128xi32, #tpu.memory_space<hbm>>
      %dma_wait3A_66 = arith.constant 0 : i32
      %dma_wait3A_67 = arith.constant 0 : i32
      %dma_wait3A_68 = tpu.memref_slice %arg3[%add3A, %dma_wait3A_66, %dma_wait3A_67] : memref<32x160x128xi32, #tpu.memory_space<hbm>> -> memref<1x160x128xi32, #tpu.memory_space<hbm>>
      %dma_wait3A_69 = tpu.memref_squeeze %dma_wait3A_68 : memref<1x160x128xi32, #tpu.memory_space<hbm>> -> memref<160x128xi32, #tpu.memory_space<hbm>>
      tpu.wait_dma2 semaphore(%run_scoped3A : memref<!tpu.dma_semaphore, #tpu.memory_space<semaphore_mem>>) src(%dma_wait3A_69 : memref<160x128xi32, #tpu.memory_space<hbm>>) dst(%arg5 : memref<160x128xi32, #tpu.memory_space<vmem>>)
      tpu.yield
    }) : () -> ()
    %dma_start3A = arith.constant 0 : i32
    %dma_start3A_3 = arith.constant 0 : i32
    %dma_start3A_4 = arith.constant 0 : i32
    %dma_start3A_5 = arith.constant 0 : i32
    %dma_start3A_6 = tpu.memref_slice %arg6[%dma_start3A_3, %dma_start3A_4, %dma_start3A_5] : memref<4x128x16xf32, #tpu.memory_space<vmem>> -> memref<1x128x16xf32, #tpu.memory_space<vmem>>
    %dma_start3A_7 = tpu.memref_squeeze %dma_start3A_6 : memref<1x128x16xf32, #tpu.memory_space<vmem>> -> memref<128x16xf32, #tpu.memory_space<vmem>>
    %dma_start3A_8 = arith.constant 0 : i32
    %dma_start3A_9 = tpu.memref_slice %arg5[%dma_start3A, %dma_start3A_8] : memref<160x128xi32, #tpu.memory_space<vmem>> -> memref<1x128xi32, #tpu.memory_space<vmem>>
    %dma_start3A_10 = tpu.memref_squeeze %dma_start3A_9 : memref<1x128xi32, #tpu.memory_space<vmem>> -> memref<128xi32, #tpu.memory_space<vmem>>
    %dma_start3A_11 = arith.constant 0 : i32
    %dma_start3A_12 = arith.constant 0 : i32
    %dma_start3A_13 = tpu.memref_slice %arg2[%dma_start3A_11, %dma_start3A_12] : memref<32768x16xf32, #tpu.memory_space<hbm>> -> memref<32768x16xf32, #tpu.memory_space<hbm>>
    tpu.enqueue_indirect_dma source(%dma_start3A_13 : memref<32768x16xf32, #tpu.memory_space<hbm>>) target(%dma_start3A_7 : memref<128x16xf32, #tpu.memory_space<vmem>>) offsets(%dma_start3A_10 : memref<128xi32, #tpu.memory_space<vmem>>) semaphore(%arg7 : memref<!tpu.dma_semaphore, #tpu.memory_space<semaphore_mem>>)
    %dma_start3A_14 = arith.constant 1 : i32
    %dma_start3A_15 = arith.constant 1 : i32
    %dma_start3A_16 = arith.constant 0 : i32
    %dma_start3A_17 = arith.constant 0 : i32
    %dma_start3A_18 = tpu.memref_slice %arg6[%dma_start3A_15, %dma_start3A_16, %dma_start3A_17] : memref<4x128x16xf32, #tpu.memory_space<vmem>> -> memref<1x128x16xf32, #tpu.memory_space<vmem>>
    %dma_start3A_19 = tpu.memref_squeeze %dma_start3A_18 : memref<1x128x16xf32, #tpu.memory_space<vmem>> -> memref<128x16xf32, #tpu.memory_space<vmem>>
    %dma_start3A_20 = arith.constant 0 : i32
    %dma_start3A_21 = tpu.memref_slice %arg5[%dma_start3A_14, %dma_start3A_20] : memref<160x128xi32, #tpu.memory_space<vmem>> -> memref<1x128xi32, #tpu.memory_space<vmem>>
    %dma_start3A_22 = tpu.memref_squeeze %dma_start3A_21 : memref<1x128xi32, #tpu.memory_space<vmem>> -> memref<128xi32, #tpu.memory_space<vmem>>
    %dma_start3A_23 = arith.constant 0 : i32
    %dma_start3A_24 = arith.constant 0 : i32
    %dma_start3A_25 = tpu.memref_slice %arg2[%dma_start3A_23, %dma_start3A_24] : memref<32768x16xf32, #tpu.memory_space<hbm>> -> memref<32768x16xf32, #tpu.memory_space<hbm>>
    tpu.enqueue_indirect_dma source(%dma_start3A_25 : memref<32768x16xf32, #tpu.memory_space<hbm>>) target(%dma_start3A_19 : memref<128x16xf32, #tpu.memory_space<vmem>>) offsets(%dma_start3A_22 : memref<128xi32, #tpu.memory_space<vmem>>) semaphore(%arg8 : memref<!tpu.dma_semaphore, #tpu.memory_space<semaphore_mem>>)
    %dma_start3A_26 = arith.constant 2 : i32
    %dma_start3A_27 = arith.constant 2 : i32
    %dma_start3A_28 = arith.constant 0 : i32
    %dma_start3A_29 = arith.constant 0 : i32
    %dma_start3A_30 = tpu.memref_slice %arg6[%dma_start3A_27, %dma_start3A_28, %dma_start3A_29] : memref<4x128x16xf32, #tpu.memory_space<vmem>> -> memref<1x128x16xf32, #tpu.memory_space<vmem>>
    %dma_start3A_31 = tpu.memref_squeeze %dma_start3A_30 : memref<1x128x16xf32, #tpu.memory_space<vmem>> -> memref<128x16xf32, #tpu.memory_space<vmem>>
    %dma_start3A_32 = arith.constant 0 : i32
    %dma_start3A_33 = tpu.memref_slice %arg5[%dma_start3A_26, %dma_start3A_32] : memref<160x128xi32, #tpu.memory_space<vmem>> -> memref<1x128xi32, #tpu.memory_space<vmem>>
    %dma_start3A_34 = tpu.memref_squeeze %dma_start3A_33 : memref<1x128xi32, #tpu.memory_space<vmem>> -> memref<128xi32, #tpu.memory_space<vmem>>
    %dma_start3A_35 = arith.constant 0 : i32
    %dma_start3A_36 = arith.constant 0 : i32
    %dma_start3A_37 = tpu.memref_slice %arg2[%dma_start3A_35, %dma_start3A_36] : memref<32768x16xf32, #tpu.memory_space<hbm>> -> memref<32768x16xf32, #tpu.memory_space<hbm>>
    tpu.enqueue_indirect_dma source(%dma_start3A_37 : memref<32768x16xf32, #tpu.memory_space<hbm>>) target(%dma_start3A_31 : memref<128x16xf32, #tpu.memory_space<vmem>>) offsets(%dma_start3A_34 : memref<128xi32, #tpu.memory_space<vmem>>) semaphore(%arg9 : memref<!tpu.dma_semaphore, #tpu.memory_space<semaphore_mem>>)
    %dma_start3A_38 = arith.constant 3 : i32
    %dma_start3A_39 = arith.constant 3 : i32
    %dma_start3A_40 = arith.constant 0 : i32
    %dma_start3A_41 = arith.constant 0 : i32
    %dma_start3A_42 = tpu.memref_slice %arg6[%dma_start3A_39, %dma_start3A_40, %dma_start3A_41] : memref<4x128x16xf32, #tpu.memory_space<vmem>> -> memref<1x128x16xf32, #tpu.memory_space<vmem>>
    %dma_start3A_43 = tpu.memref_squeeze %dma_start3A_42 : memref<1x128x16xf32, #tpu.memory_space<vmem>> -> memref<128x16xf32, #tpu.memory_space<vmem>>
    %dma_start3A_44 = arith.constant 0 : i32
    %dma_start3A_45 = tpu.memref_slice %arg5[%dma_start3A_38, %dma_start3A_44] : memref<160x128xi32, #tpu.memory_space<vmem>> -> memref<1x128xi32, #tpu.memory_space<vmem>>
    %dma_start3A_46 = tpu.memref_squeeze %dma_start3A_45 : memref<1x128xi32, #tpu.memory_space<vmem>> -> memref<128xi32, #tpu.memory_space<vmem>>
    %dma_start3A_47 = arith.constant 0 : i32
    %dma_start3A_48 = arith.constant 0 : i32
    %dma_start3A_49 = tpu.memref_slice %arg2[%dma_start3A_47, %dma_start3A_48] : memref<32768x16xf32, #tpu.memory_space<hbm>> -> memref<32768x16xf32, #tpu.memory_space<hbm>>
    tpu.enqueue_indirect_dma source(%dma_start3A_49 : memref<32768x16xf32, #tpu.memory_space<hbm>>) target(%dma_start3A_43 : memref<128x16xf32, #tpu.memory_space<vmem>>) offsets(%dma_start3A_46 : memref<128xi32, #tpu.memory_space<vmem>>) semaphore(%arg10 : memref<!tpu.dma_semaphore, #tpu.memory_space<semaphore_mem>>)
    %scan3A = arith.constant 0 : i32
    %scan3A_50 = arith.constant 0 : i32
    %scan3A_51 = arith.constant 40 : i32
    %scan3A_52 = arith.addi %scan3A_50, %scan3A_51 : i32
    %scan3A_53 = arith.constant 1 : i32
    scf.for %scan3A_55 = %scan3A_50 to %scan3A_52 step %scan3A_53  : i32 {
      %mul3A_56 = arith.constant 4 : i32
      %mul3A_57 = arith.muli %scan3A_55, %mul3A_56 : i32
      %add3A_58 = arith.constant 0 : i32
      %add3A_59 = arith.addi %mul3A_57, %add3A_58 : i32
      %dma_wait3A = arith.constant 0 : i32
      %dma_wait3A_60 = arith.constant 0 : i32
      %dma_wait3A_61 = arith.constant 0 : i32
      %dma_wait3A_62 = arith.constant 0 : i32
      %dma_wait3A_63 = tpu.memref_slice %arg6[%dma_wait3A_60, %dma_wait3A_61, %dma_wait3A_62] : memref<4x128x16xf32, #tpu.memory_space<vmem>> -> memref<1x128x16xf32, #tpu.memory_space<vmem>>
      %dma_wait3A_64 = tpu.memref_squeeze %dma_wait3A_63 : memref<1x128x16xf32, #tpu.memory_space<vmem>> -> memref<128x16xf32, #tpu.memory_space<vmem>>
      %dma_wait3A_65 = arith.constant 0 : i32
      %dma_wait3A_66 = tpu.memref_slice %arg5[%dma_wait3A, %dma_wait3A_65] : memref<160x128xi32, #tpu.memory_space<vmem>> -> memref<1x128xi32, #tpu.memory_space<vmem>>
      %dma_wait3A_67 = tpu.memref_squeeze %dma_wait3A_66 : memref<1x128xi32, #tpu.memory_space<vmem>> -> memref<128xi32, #tpu.memory_space<vmem>>
      %dma_wait3A_68 = arith.constant 0 : i32
      %dma_wait3A_69 = arith.constant 0 : i32
      %dma_wait3A_70 = tpu.memref_slice %arg2[%dma_wait3A_68, %dma_wait3A_69] : memref<32768x16xf32, #tpu.memory_space<hbm>> -> memref<32768x16xf32, #tpu.memory_space<hbm>>
      tpu.wait_indirect_dma semaphore(%arg7 : memref<!tpu.dma_semaphore, #tpu.memory_space<semaphore_mem>>) src(%dma_wait3A_70 : memref<32768x16xf32, #tpu.memory_space<hbm>>) dst(%dma_wait3A_64 : memref<128x16xf32, #tpu.memory_space<vmem>>)
      %mul3A_71 = arith.constant 128 : i32
      %mul3A_72 = arith.muli %add3A_59, %mul3A_71 : i32
      %add3A_73 = arith.addi %mul3A_2, %mul3A_72 : i32
      %run_scoped3A = arith.constant 0 : i32
      "tpu.region"() ({
        %run_scoped3A_159 = tpu.sem_alloc : memref<!tpu.dma_semaphore, #tpu.memory_space<semaphore_mem>>
        %dma_start3A_160 = arith.constant 0 : i32
        %dma_start3A_161 = arith.constant 0 : i32
        %dma_start3A_162 = tpu.memref_slice %arg6[%run_scoped3A, %dma_start3A_160, %dma_start3A_161] : memref<4x128x16xf32, #tpu.memory_space<vmem>> -> memref<1x128x16xf32, #tpu.memory_space<vmem>>
        %dma_start3A_163 = tpu.memref_squeeze %dma_start3A_162 : memref<1x128x16xf32, #tpu.memory_space<vmem>> -> memref<128x16xf32, #tpu.memory_space<vmem>>
        %dma_start3A_164 = arith.constant 0 : i32
        %dma_start3A_165 = tpu.memref_slice %arg4[%add3A_73, %dma_start3A_164] : memref<655360x16xf32, #tpu.memory_space<hbm>> -> memref<128x16xf32, #tpu.memory_space<hbm>>
        %dma_start3A_166 = arith.constant 0 : i32
        %dma_start3A_167 = tpu.memref_slice %arg4[%add3A_73, %dma_start3A_166] : memref<655360x16xf32, #tpu.memory_space<hbm>> -> memref<128x16xf32, #tpu.memory_space<hbm>>
        %dma_start3A_168 = arith.constant 0 : i32
        %dma_start3A_169 = arith.constant 0 : i32
        %dma_start3A_170 = tpu.memref_slice %arg6[%run_scoped3A, %dma_start3A_168, %dma_start3A_169] : memref<4x128x16xf32, #tpu.memory_space<vmem>> -> memref<1x128x16xf32, #tpu.memory_space<vmem>>
        %dma_start3A_171 = tpu.memref_squeeze %dma_start3A_170 : memref<1x128x16xf32, #tpu.memory_space<vmem>> -> memref<128x16xf32, #tpu.memory_space<vmem>>
        tpu.enqueue_dma source(%dma_start3A_171 : memref<128x16xf32, #tpu.memory_space<vmem>>) target(%dma_start3A_167 : memref<128x16xf32, #tpu.memory_space<hbm>>) target_semaphore(%run_scoped3A_159 : memref<!tpu.dma_semaphore, #tpu.memory_space<semaphore_mem>>)
        %dma_wait3A_172 = arith.constant 0 : i32
        %dma_wait3A_173 = arith.constant 0 : i32
        %dma_wait3A_174 = tpu.memref_slice %arg6[%run_scoped3A, %dma_wait3A_172, %dma_wait3A_173] : memref<4x128x16xf32, #tpu.memory_space<vmem>> -> memref<1x128x16xf32, #tpu.memory_space<vmem>>
        %dma_wait3A_175 = tpu.memref_squeeze %dma_wait3A_174 : memref<1x128x16xf32, #tpu.memory_space<vmem>> -> memref<128x16xf32, #tpu.memory_space<vmem>>
        %dma_wait3A_176 = arith.constant 0 : i32
        %dma_wait3A_177 = tpu.memref_slice %arg4[%add3A_73, %dma_wait3A_176] : memref<655360x16xf32, #tpu.memory_space<hbm>> -> memref<128x16xf32, #tpu.memory_space<hbm>>
        %dma_wait3A_178 = arith.constant 0 : i32
        %dma_wait3A_179 = tpu.memref_slice %arg4[%add3A_73, %dma_wait3A_178] : memref<655360x16xf32, #tpu.memory_space<hbm>> -> memref<128x16xf32, #tpu.memory_space<hbm>>
        %dma_wait3A_180 = arith.constant 0 : i32
        %dma_wait3A_181 = arith.constant 0 : i32
        %dma_wait3A_182 = tpu.memref_slice %arg6[%run_scoped3A, %dma_wait3A_180, %dma_wait3A_181] : memref<4x128x16xf32, #tpu.memory_space<vmem>> -> memref<1x128x16xf32, #tpu.memory_space<vmem>>
        %dma_wait3A_183 = tpu.memref_squeeze %dma_wait3A_182 : memref<1x128x16xf32, #tpu.memory_space<vmem>> -> memref<128x16xf32, #tpu.memory_space<vmem>>
        tpu.wait_dma2 semaphore(%run_scoped3A_159 : memref<!tpu.dma_semaphore, #tpu.memory_space<semaphore_mem>>) src(%dma_wait3A_183 : memref<128x16xf32, #tpu.memory_space<vmem>>) dst(%dma_wait3A_179 : memref<128x16xf32, #tpu.memory_space<hbm>>)
        tpu.yield
      }) : () -> ()
      %add3A_74 = arith.constant 4 : i32
      %add3A_75 = arith.addi %add3A_59, %add3A_74 : i32
      %lt3A = arith.constant 160 : i32
      %lt3A_76 = arith.cmpi slt, %add3A_75, %lt3A : i32
      %convert_element_type3A = arith.extui %lt3A_76 : i1 to i32
      %cond3A = arith.constant 0 : i32
      %cond3A_77 = arith.cmpi ne, %convert_element_type3A, %cond3A : i32
      scf.if %cond3A_77 {
        %add3A_159 = arith.constant 4 : i32
        %add3A_160 = arith.addi %add3A_59, %add3A_159 : i32
        %dma_start3A_161 = arith.constant 0 : i32
        %dma_start3A_162 = arith.constant 0 : i32
        %dma_start3A_163 = arith.constant 0 : i32
        %dma_start3A_164 = tpu.memref_slice %arg6[%dma_start3A_161, %dma_start3A_162, %dma_start3A_163] : memref<4x128x16xf32, #tpu.memory_space<vmem>> -> memref<1x128x16xf32, #tpu.memory_space<vmem>>
        %dma_start3A_165 = tpu.memref_squeeze %dma_start3A_164 : memref<1x128x16xf32, #tpu.memory_space<vmem>> -> memref<128x16xf32, #tpu.memory_space<vmem>>
        %dma_start3A_166 = arith.constant 0 : i32
        %dma_start3A_167 = tpu.memref_slice %arg5[%add3A_160, %dma_start3A_166] : memref<160x128xi32, #tpu.memory_space<vmem>> -> memref<1x128xi32, #tpu.memory_space<vmem>>
        %dma_start3A_168 = tpu.memref_squeeze %dma_start3A_167 : memref<1x128xi32, #tpu.memory_space<vmem>> -> memref<128xi32, #tpu.memory_space<vmem>>
        %dma_start3A_169 = arith.constant 0 : i32
        %dma_start3A_170 = arith.constant 0 : i32
        %dma_start3A_171 = tpu.memref_slice %arg2[%dma_start3A_169, %dma_start3A_170] : memref<32768x16xf32, #tpu.memory_space<hbm>> -> memref<32768x16xf32, #tpu.memory_space<hbm>>
        tpu.enqueue_indirect_dma source(%dma_start3A_171 : memref<32768x16xf32, #tpu.memory_space<hbm>>) target(%dma_start3A_165 : memref<128x16xf32, #tpu.memory_space<vmem>>) offsets(%dma_start3A_168 : memref<128xi32, #tpu.memory_space<vmem>>) semaphore(%arg7 : memref<!tpu.dma_semaphore, #tpu.memory_space<semaphore_mem>>)
      } else {
      }
      %mul3A_78 = arith.constant 4 : i32
      %mul3A_79 = arith.muli %scan3A_55, %mul3A_78 : i32
      %add3A_80 = arith.constant 1 : i32
      %add3A_81 = arith.addi %mul3A_79, %add3A_80 : i32
      %dma_wait3A_82 = arith.constant 0 : i32
      %dma_wait3A_83 = arith.constant 1 : i32
      %dma_wait3A_84 = arith.constant 0 : i32
      %dma_wait3A_85 = arith.constant 0 : i32
      %dma_wait3A_86 = tpu.memref_slice %arg6[%dma_wait3A_83, %dma_wait3A_84, %dma_wait3A_85] : memref<4x128x16xf32, #tpu.memory_space<vmem>> -> memref<1x128x16xf32, #tpu.memory_space<vmem>>
      %dma_wait3A_87 = tpu.memref_squeeze %dma_wait3A_86 : memref<1x128x16xf32, #tpu.memory_space<vmem>> -> memref<128x16xf32, #tpu.memory_space<vmem>>
      %dma_wait3A_88 = arith.constant 0 : i32
      %dma_wait3A_89 = tpu.memref_slice %arg5[%dma_wait3A_82, %dma_wait3A_88] : memref<160x128xi32, #tpu.memory_space<vmem>> -> memref<1x128xi32, #tpu.memory_space<vmem>>
      %dma_wait3A_90 = tpu.memref_squeeze %dma_wait3A_89 : memref<1x128xi32, #tpu.memory_space<vmem>> -> memref<128xi32, #tpu.memory_space<vmem>>
      %dma_wait3A_91 = arith.constant 0 : i32
      %dma_wait3A_92 = arith.constant 0 : i32
      %dma_wait3A_93 = tpu.memref_slice %arg2[%dma_wait3A_91, %dma_wait3A_92] : memref<32768x16xf32, #tpu.memory_space<hbm>> -> memref<32768x16xf32, #tpu.memory_space<hbm>>
      tpu.wait_indirect_dma semaphore(%arg8 : memref<!tpu.dma_semaphore, #tpu.memory_space<semaphore_mem>>) src(%dma_wait3A_93 : memref<32768x16xf32, #tpu.memory_space<hbm>>) dst(%dma_wait3A_87 : memref<128x16xf32, #tpu.memory_space<vmem>>)
      %mul3A_94 = arith.constant 128 : i32
      %mul3A_95 = arith.muli %add3A_81, %mul3A_94 : i32
      %add3A_96 = arith.addi %mul3A_2, %mul3A_95 : i32
      %run_scoped3A_97 = arith.constant 1 : i32
      "tpu.region"() ({
        %run_scoped3A_159 = tpu.sem_alloc : memref<!tpu.dma_semaphore, #tpu.memory_space<semaphore_mem>>
        %dma_start3A_160 = arith.constant 0 : i32
        %dma_start3A_161 = arith.constant 0 : i32
        %dma_start3A_162 = tpu.memref_slice %arg6[%run_scoped3A_97, %dma_start3A_160, %dma_start3A_161] : memref<4x128x16xf32, #tpu.memory_space<vmem>> -> memref<1x128x16xf32, #tpu.memory_space<vmem>>
        %dma_start3A_163 = tpu.memref_squeeze %dma_start3A_162 : memref<1x128x16xf32, #tpu.memory_space<vmem>> -> memref<128x16xf32, #tpu.memory_space<vmem>>
        %dma_start3A_164 = arith.constant 0 : i32
        %dma_start3A_165 = tpu.memref_slice %arg4[%add3A_96, %dma_start3A_164] : memref<655360x16xf32, #tpu.memory_space<hbm>> -> memref<128x16xf32, #tpu.memory_space<hbm>>
        %dma_start3A_166 = arith.constant 0 : i32
        %dma_start3A_167 = tpu.memref_slice %arg4[%add3A_96, %dma_start3A_166] : memref<655360x16xf32, #tpu.memory_space<hbm>> -> memref<128x16xf32, #tpu.memory_space<hbm>>
        %dma_start3A_168 = arith.constant 0 : i32
        %dma_start3A_169 = arith.constant 0 : i32
        %dma_start3A_170 = tpu.memref_slice %arg6[%run_scoped3A_97, %dma_start3A_168, %dma_start3A_169] : memref<4x128x16xf32, #tpu.memory_space<vmem>> -> memref<1x128x16xf32, #tpu.memory_space<vmem>>
        %dma_start3A_171 = tpu.memref_squeeze %dma_start3A_170 : memref<1x128x16xf32, #tpu.memory_space<vmem>> -> memref<128x16xf32, #tpu.memory_space<vmem>>
        tpu.enqueue_dma source(%dma_start3A_171 : memref<128x16xf32, #tpu.memory_space<vmem>>) target(%dma_start3A_167 : memref<128x16xf32, #tpu.memory_space<hbm>>) target_semaphore(%run_scoped3A_159 : memref<!tpu.dma_semaphore, #tpu.memory_space<semaphore_mem>>)
        %dma_wait3A_172 = arith.constant 0 : i32
        %dma_wait3A_173 = arith.constant 0 : i32
        %dma_wait3A_174 = tpu.memref_slice %arg6[%run_scoped3A_97, %dma_wait3A_172, %dma_wait3A_173] : memref<4x128x16xf32, #tpu.memory_space<vmem>> -> memref<1x128x16xf32, #tpu.memory_space<vmem>>
        %dma_wait3A_175 = tpu.memref_squeeze %dma_wait3A_174 : memref<1x128x16xf32, #tpu.memory_space<vmem>> -> memref<128x16xf32, #tpu.memory_space<vmem>>
        %dma_wait3A_176 = arith.constant 0 : i32
        %dma_wait3A_177 = tpu.memref_slice %arg4[%add3A_96, %dma_wait3A_176] : memref<655360x16xf32, #tpu.memory_space<hbm>> -> memref<128x16xf32, #tpu.memory_space<hbm>>
        %dma_wait3A_178 = arith.constant 0 : i32
        %dma_wait3A_179 = tpu.memref_slice %arg4[%add3A_96, %dma_wait3A_178] : memref<655360x16xf32, #tpu.memory_space<hbm>> -> memref<128x16xf32, #tpu.memory_space<hbm>>
        %dma_wait3A_180 = arith.constant 0 : i32
        %dma_wait3A_181 = arith.constant 0 : i32
        %dma_wait3A_182 = tpu.memref_slice %arg6[%run_scoped3A_97, %dma_wait3A_180, %dma_wait3A_181] : memref<4x128x16xf32, #tpu.memory_space<vmem>> -> memref<1x128x16xf32, #tpu.memory_space<vmem>>
        %dma_wait3A_183 = tpu.memref_squeeze %dma_wait3A_182 : memref<1x128x16xf32, #tpu.memory_space<vmem>> -> memref<128x16xf32, #tpu.memory_space<vmem>>
        tpu.wait_dma2 semaphore(%run_scoped3A_159 : memref<!tpu.dma_semaphore, #tpu.memory_space<semaphore_mem>>) src(%dma_wait3A_183 : memref<128x16xf32, #tpu.memory_space<vmem>>) dst(%dma_wait3A_179 : memref<128x16xf32, #tpu.memory_space<hbm>>)
        tpu.yield
      }) : () -> ()
      %add3A_98 = arith.constant 4 : i32
      %add3A_99 = arith.addi %add3A_81, %add3A_98 : i32
      %lt3A_100 = arith.constant 160 : i32
      %lt3A_101 = arith.cmpi slt, %add3A_99, %lt3A_100 : i32
      %convert_element_type3A_102 = arith.extui %lt3A_101 : i1 to i32
      %cond3A_103 = arith.constant 0 : i32
      %cond3A_104 = arith.cmpi ne, %convert_element_type3A_102, %cond3A_103 : i32
      scf.if %cond3A_104 {
        %add3A_159 = arith.constant 4 : i32
        %add3A_160 = arith.addi %add3A_81, %add3A_159 : i32
        %dma_start3A_161 = arith.constant 1 : i32
        %dma_start3A_162 = arith.constant 0 : i32
        %dma_start3A_163 = arith.constant 0 : i32
        %dma_start3A_164 = tpu.memref_slice %arg6[%dma_start3A_161, %dma_start3A_162, %dma_start3A_163] : memref<4x128x16xf32, #tpu.memory_space<vmem>> -> memref<1x128x16xf32, #tpu.memory_space<vmem>>
        %dma_start3A_165 = tpu.memref_squeeze %dma_start3A_164 : memref<1x128x16xf32, #tpu.memory_space<vmem>> -> memref<128x16xf32, #tpu.memory_space<vmem>>
        %dma_start3A_166 = arith.constant 0 : i32
        %dma_start3A_167 = tpu.memref_slice %arg5[%add3A_160, %dma_start3A_166] : memref<160x128xi32, #tpu.memory_space<vmem>> -> memref<1x128xi32, #tpu.memory_space<vmem>>
        %dma_start3A_168 = tpu.memref_squeeze %dma_start3A_167 : memref<1x128xi32, #tpu.memory_space<vmem>> -> memref<128xi32, #tpu.memory_space<vmem>>
        %dma_start3A_169 = arith.constant 0 : i32
        %dma_start3A_170 = arith.constant 0 : i32
        %dma_start3A_171 = tpu.memref_slice %arg2[%dma_start3A_169, %dma_start3A_170] : memref<32768x16xf32, #tpu.memory_space<hbm>> -> memref<32768x16xf32, #tpu.memory_space<hbm>>
        tpu.enqueue_indirect_dma source(%dma_start3A_171 : memref<32768x16xf32, #tpu.memory_space<hbm>>) target(%dma_start3A_165 : memref<128x16xf32, #tpu.memory_space<vmem>>) offsets(%dma_start3A_168 : memref<128xi32, #tpu.memory_space<vmem>>) semaphore(%arg8 : memref<!tpu.dma_semaphore, #tpu.memory_space<semaphore_mem>>)
      } else {
      }
      %mul3A_105 = arith.constant 4 : i32
      %mul3A_106 = arith.muli %scan3A_55, %mul3A_105 : i32
      %add3A_107 = arith.constant 2 : i32
      %add3A_108 = arith.addi %mul3A_106, %add3A_107 : i32
      %dma_wait3A_109 = arith.constant 0 : i32
      %dma_wait3A_110 = arith.constant 2 : i32
      %dma_wait3A_111 = arith.constant 0 : i32
      %dma_wait3A_112 = arith.constant 0 : i32
      %dma_wait3A_113 = tpu.memref_slice %arg6[%dma_wait3A_110, %dma_wait3A_111, %dma_wait3A_112] : memref<4x128x16xf32, #tpu.memory_space<vmem>> -> memref<1x128x16xf32, #tpu.memory_space<vmem>>
      %dma_wait3A_114 = tpu.memref_squeeze %dma_wait3A_113 : memref<1x128x16xf32, #tpu.memory_space<vmem>> -> memref<128x16xf32, #tpu.memory_space<vmem>>
      %dma_wait3A_115 = arith.constant 0 : i32
      %dma_wait3A_116 = tpu.memref_slice %arg5[%dma_wait3A_109, %dma_wait3A_115] : memref<160x128xi32, #tpu.memory_space<vmem>> -> memref<1x128xi32, #tpu.memory_space<vmem>>
      %dma_wait3A_117 = tpu.memref_squeeze %dma_wait3A_116 : memref<1x128xi32, #tpu.memory_space<vmem>> -> memref<128xi32, #tpu.memory_space<vmem>>
      %dma_wait3A_118 = arith.constant 0 : i32
      %dma_wait3A_119 = arith.constant 0 : i32
      %dma_wait3A_120 = tpu.memref_slice %arg2[%dma_wait3A_118, %dma_wait3A_119] : memref<32768x16xf32, #tpu.memory_space<hbm>> -> memref<32768x16xf32, #tpu.memory_space<hbm>>
      tpu.wait_indirect_dma semaphore(%arg9 : memref<!tpu.dma_semaphore, #tpu.memory_space<semaphore_mem>>) src(%dma_wait3A_120 : memref<32768x16xf32, #tpu.memory_space<hbm>>) dst(%dma_wait3A_114 : memref<128x16xf32, #tpu.memory_space<vmem>>)
      %mul3A_121 = arith.constant 128 : i32
      %mul3A_122 = arith.muli %add3A_108, %mul3A_121 : i32
      %add3A_123 = arith.addi %mul3A_2, %mul3A_122 : i32
      %run_scoped3A_124 = arith.constant 2 : i32
      "tpu.region"() ({
        %run_scoped3A_159 = tpu.sem_alloc : memref<!tpu.dma_semaphore, #tpu.memory_space<semaphore_mem>>
        %dma_start3A_160 = arith.constant 0 : i32
        %dma_start3A_161 = arith.constant 0 : i32
        %dma_start3A_162 = tpu.memref_slice %arg6[%run_scoped3A_124, %dma_start3A_160, %dma_start3A_161] : memref<4x128x16xf32, #tpu.memory_space<vmem>> -> memref<1x128x16xf32, #tpu.memory_space<vmem>>
        %dma_start3A_163 = tpu.memref_squeeze %dma_start3A_162 : memref<1x128x16xf32, #tpu.memory_space<vmem>> -> memref<128x16xf32, #tpu.memory_space<vmem>>
        %dma_start3A_164 = arith.constant 0 : i32
        %dma_start3A_165 = tpu.memref_slice %arg4[%add3A_123, %dma_start3A_164] : memref<655360x16xf32, #tpu.memory_space<hbm>> -> memref<128x16xf32, #tpu.memory_space<hbm>>
        %dma_start3A_166 = arith.constant 0 : i32
        %dma_start3A_167 = tpu.memref_slice %arg4[%add3A_123, %dma_start3A_166] : memref<655360x16xf32, #tpu.memory_space<hbm>> -> memref<128x16xf32, #tpu.memory_space<hbm>>
        %dma_start3A_168 = arith.constant 0 : i32
        %dma_start3A_169 = arith.constant 0 : i32
        %dma_start3A_170 = tpu.memref_slice %arg6[%run_scoped3A_124, %dma_start3A_168, %dma_start3A_169] : memref<4x128x16xf32, #tpu.memory_space<vmem>> -> memref<1x128x16xf32, #tpu.memory_space<vmem>>
        %dma_start3A_171 = tpu.memref_squeeze %dma_start3A_170 : memref<1x128x16xf32, #tpu.memory_space<vmem>> -> memref<128x16xf32, #tpu.memory_space<vmem>>
        tpu.enqueue_dma source(%dma_start3A_171 : memref<128x16xf32, #tpu.memory_space<vmem>>) target(%dma_start3A_167 : memref<128x16xf32, #tpu.memory_space<hbm>>) target_semaphore(%run_scoped3A_159 : memref<!tpu.dma_semaphore, #tpu.memory_space<semaphore_mem>>)
        %dma_wait3A_172 = arith.constant 0 : i32
        %dma_wait3A_173 = arith.constant 0 : i32
        %dma_wait3A_174 = tpu.memref_slice %arg6[%run_scoped3A_124, %dma_wait3A_172, %dma_wait3A_173] : memref<4x128x16xf32, #tpu.memory_space<vmem>> -> memref<1x128x16xf32, #tpu.memory_space<vmem>>
        %dma_wait3A_175 = tpu.memref_squeeze %dma_wait3A_174 : memref<1x128x16xf32, #tpu.memory_space<vmem>> -> memref<128x16xf32, #tpu.memory_space<vmem>>
        %dma_wait3A_176 = arith.constant 0 : i32
        %dma_wait3A_177 = tpu.memref_slice %arg4[%add3A_123, %dma_wait3A_176] : memref<655360x16xf32, #tpu.memory_space<hbm>> -> memref<128x16xf32, #tpu.memory_space<hbm>>
        %dma_wait3A_178 = arith.constant 0 : i32
        %dma_wait3A_179 = tpu.memref_slice %arg4[%add3A_123, %dma_wait3A_178] : memref<655360x16xf32, #tpu.memory_space<hbm>> -> memref<128x16xf32, #tpu.memory_space<hbm>>
        %dma_wait3A_180 = arith.constant 0 : i32
        %dma_wait3A_181 = arith.constant 0 : i32
        %dma_wait3A_182 = tpu.memref_slice %arg6[%run_scoped3A_124, %dma_wait3A_180, %dma_wait3A_181] : memref<4x128x16xf32, #tpu.memory_space<vmem>> -> memref<1x128x16xf32, #tpu.memory_space<vmem>>
        %dma_wait3A_183 = tpu.memref_squeeze %dma_wait3A_182 : memref<1x128x16xf32, #tpu.memory_space<vmem>> -> memref<128x16xf32, #tpu.memory_space<vmem>>
        tpu.wait_dma2 semaphore(%run_scoped3A_159 : memref<!tpu.dma_semaphore, #tpu.memory_space<semaphore_mem>>) src(%dma_wait3A_183 : memref<128x16xf32, #tpu.memory_space<vmem>>) dst(%dma_wait3A_179 : memref<128x16xf32, #tpu.memory_space<hbm>>)
        tpu.yield
      }) : () -> ()
      %add3A_125 = arith.constant 4 : i32
      %add3A_126 = arith.addi %add3A_108, %add3A_125 : i32
      %lt3A_127 = arith.constant 160 : i32
      %lt3A_128 = arith.cmpi slt, %add3A_126, %lt3A_127 : i32
      %convert_element_type3A_129 = arith.extui %lt3A_128 : i1 to i32
      %cond3A_130 = arith.constant 0 : i32
      %cond3A_131 = arith.cmpi ne, %convert_element_type3A_129, %cond3A_130 : i32
      scf.if %cond3A_131 {
        %add3A_159 = arith.constant 4 : i32
        %add3A_160 = arith.addi %add3A_108, %add3A_159 : i32
        %dma_start3A_161 = arith.constant 2 : i32
        %dma_start3A_162 = arith.constant 0 : i32
        %dma_start3A_163 = arith.constant 0 : i32
        %dma_start3A_164 = tpu.memref_slice %arg6[%dma_start3A_161, %dma_start3A_162, %dma_start3A_163] : memref<4x128x16xf32, #tpu.memory_space<vmem>> -> memref<1x128x16xf32, #tpu.memory_space<vmem>>
        %dma_start3A_165 = tpu.memref_squeeze %dma_start3A_164 : memref<1x128x16xf32, #tpu.memory_space<vmem>> -> memref<128x16xf32, #tpu.memory_space<vmem>>
        %dma_start3A_166 = arith.constant 0 : i32
        %dma_start3A_167 = tpu.memref_slice %arg5[%add3A_160, %dma_start3A_166] : memref<160x128xi32, #tpu.memory_space<vmem>> -> memref<1x128xi32, #tpu.memory_space<vmem>>
        %dma_start3A_168 = tpu.memref_squeeze %dma_start3A_167 : memref<1x128xi32, #tpu.memory_space<vmem>> -> memref<128xi32, #tpu.memory_space<vmem>>
        %dma_start3A_169 = arith.constant 0 : i32
        %dma_start3A_170 = arith.constant 0 : i32
        %dma_start3A_171 = tpu.memref_slice %arg2[%dma_start3A_169, %dma_start3A_170] : memref<32768x16xf32, #tpu.memory_space<hbm>> -> memref<32768x16xf32, #tpu.memory_space<hbm>>
        tpu.enqueue_indirect_dma source(%dma_start3A_171 : memref<32768x16xf32, #tpu.memory_space<hbm>>) target(%dma_start3A_165 : memref<128x16xf32, #tpu.memory_space<vmem>>) offsets(%dma_start3A_168 : memref<128xi32, #tpu.memory_space<vmem>>) semaphore(%arg9 : memref<!tpu.dma_semaphore, #tpu.memory_space<semaphore_mem>>)
      } else {
      }
      %mul3A_132 = arith.constant 4 : i32
      %mul3A_133 = arith.muli %scan3A_55, %mul3A_132 : i32
      %add3A_134 = arith.constant 3 : i32
      %add3A_135 = arith.addi %mul3A_133, %add3A_134 : i32
      %dma_wait3A_136 = arith.constant 0 : i32
      %dma_wait3A_137 = arith.constant 3 : i32
      %dma_wait3A_138 = arith.constant 0 : i32
      %dma_wait3A_139 = arith.constant 0 : i32
      %dma_wait3A_140 = tpu.memref_slice %arg6[%dma_wait3A_137, %dma_wait3A_138, %dma_wait3A_139] : memref<4x128x16xf32, #tpu.memory_space<vmem>> -> memref<1x128x16xf32, #tpu.memory_space<vmem>>
      %dma_wait3A_141 = tpu.memref_squeeze %dma_wait3A_140 : memref<1x128x16xf32, #tpu.memory_space<vmem>> -> memref<128x16xf32, #tpu.memory_space<vmem>>
      %dma_wait3A_142 = arith.constant 0 : i32
      %dma_wait3A_143 = tpu.memref_slice %arg5[%dma_wait3A_136, %dma_wait3A_142] : memref<160x128xi32, #tpu.memory_space<vmem>> -> memref<1x128xi32, #tpu.memory_space<vmem>>
      %dma_wait3A_144 = tpu.memref_squeeze %dma_wait3A_143 : memref<1x128xi32, #tpu.memory_space<vmem>> -> memref<128xi32, #tpu.memory_space<vmem>>
      %dma_wait3A_145 = arith.constant 0 : i32
      %dma_wait3A_146 = arith.constant 0 : i32
      %dma_wait3A_147 = tpu.memref_slice %arg2[%dma_wait3A_145, %dma_wait3A_146] : memref<32768x16xf32, #tpu.memory_space<hbm>> -> memref<32768x16xf32, #tpu.memory_space<hbm>>
      tpu.wait_indirect_dma semaphore(%arg10 : memref<!tpu.dma_semaphore, #tpu.memory_space<semaphore_mem>>) src(%dma_wait3A_147 : memref<32768x16xf32, #tpu.memory_space<hbm>>) dst(%dma_wait3A_141 : memref<128x16xf32, #tpu.memory_space<vmem>>)
      %mul3A_148 = arith.constant 128 : i32
      %mul3A_149 = arith.muli %add3A_135, %mul3A_148 : i32
      %add3A_150 = arith.addi %mul3A_2, %mul3A_149 : i32
      %run_scoped3A_151 = arith.constant 3 : i32
      "tpu.region"() ({
        %run_scoped3A_159 = tpu.sem_alloc : memref<!tpu.dma_semaphore, #tpu.memory_space<semaphore_mem>>
        %dma_start3A_160 = arith.constant 0 : i32
        %dma_start3A_161 = arith.constant 0 : i32
        %dma_start3A_162 = tpu.memref_slice %arg6[%run_scoped3A_151, %dma_start3A_160, %dma_start3A_161] : memref<4x128x16xf32, #tpu.memory_space<vmem>> -> memref<1x128x16xf32, #tpu.memory_space<vmem>>
        %dma_start3A_163 = tpu.memref_squeeze %dma_start3A_162 : memref<1x128x16xf32, #tpu.memory_space<vmem>> -> memref<128x16xf32, #tpu.memory_space<vmem>>
        %dma_start3A_164 = arith.constant 0 : i32
        %dma_start3A_165 = tpu.memref_slice %arg4[%add3A_150, %dma_start3A_164] : memref<655360x16xf32, #tpu.memory_space<hbm>> -> memref<128x16xf32, #tpu.memory_space<hbm>>
        %dma_start3A_166 = arith.constant 0 : i32
        %dma_start3A_167 = tpu.memref_slice %arg4[%add3A_150, %dma_start3A_166] : memref<655360x16xf32, #tpu.memory_space<hbm>> -> memref<128x16xf32, #tpu.memory_space<hbm>>
        %dma_start3A_168 = arith.constant 0 : i32
        %dma_start3A_169 = arith.constant 0 : i32
        %dma_start3A_170 = tpu.memref_slice %arg6[%run_scoped3A_151, %dma_start3A_168, %dma_start3A_169] : memref<4x128x16xf32, #tpu.memory_space<vmem>> -> memref<1x128x16xf32, #tpu.memory_space<vmem>>
        %dma_start3A_171 = tpu.memref_squeeze %dma_start3A_170 : memref<1x128x16xf32, #tpu.memory_space<vmem>> -> memref<128x16xf32, #tpu.memory_space<vmem>>
        tpu.enqueue_dma source(%dma_start3A_171 : memref<128x16xf32, #tpu.memory_space<vmem>>) target(%dma_start3A_167 : memref<128x16xf32, #tpu.memory_space<hbm>>) target_semaphore(%run_scoped3A_159 : memref<!tpu.dma_semaphore, #tpu.memory_space<semaphore_mem>>)
        %dma_wait3A_172 = arith.constant 0 : i32
        %dma_wait3A_173 = arith.constant 0 : i32
        %dma_wait3A_174 = tpu.memref_slice %arg6[%run_scoped3A_151, %dma_wait3A_172, %dma_wait3A_173] : memref<4x128x16xf32, #tpu.memory_space<vmem>> -> memref<1x128x16xf32, #tpu.memory_space<vmem>>
        %dma_wait3A_175 = tpu.memref_squeeze %dma_wait3A_174 : memref<1x128x16xf32, #tpu.memory_space<vmem>> -> memref<128x16xf32, #tpu.memory_space<vmem>>
        %dma_wait3A_176 = arith.constant 0 : i32
        %dma_wait3A_177 = tpu.memref_slice %arg4[%add3A_150, %dma_wait3A_176] : memref<655360x16xf32, #tpu.memory_space<hbm>> -> memref<128x16xf32, #tpu.memory_space<hbm>>
        %dma_wait3A_178 = arith.constant 0 : i32
        %dma_wait3A_179 = tpu.memref_slice %arg4[%add3A_150, %dma_wait3A_178] : memref<655360x16xf32, #tpu.memory_space<hbm>> -> memref<128x16xf32, #tpu.memory_space<hbm>>
        %dma_wait3A_180 = arith.constant 0 : i32
        %dma_wait3A_181 = arith.constant 0 : i32
        %dma_wait3A_182 = tpu.memref_slice %arg6[%run_scoped3A_151, %dma_wait3A_180, %dma_wait3A_181] : memref<4x128x16xf32, #tpu.memory_space<vmem>> -> memref<1x128x16xf32, #tpu.memory_space<vmem>>
        %dma_wait3A_183 = tpu.memref_squeeze %dma_wait3A_182 : memref<1x128x16xf32, #tpu.memory_space<vmem>> -> memref<128x16xf32, #tpu.memory_space<vmem>>
        tpu.wait_dma2 semaphore(%run_scoped3A_159 : memref<!tpu.dma_semaphore, #tpu.memory_space<semaphore_mem>>) src(%dma_wait3A_183 : memref<128x16xf32, #tpu.memory_space<vmem>>) dst(%dma_wait3A_179 : memref<128x16xf32, #tpu.memory_space<hbm>>)
        tpu.yield
      }) : () -> ()
      %add3A_152 = arith.constant 4 : i32
      %add3A_153 = arith.addi %add3A_135, %add3A_152 : i32
      %lt3A_154 = arith.constant 160 : i32
      %lt3A_155 = arith.cmpi slt, %add3A_153, %lt3A_154 : i32
      %convert_element_type3A_156 = arith.extui %lt3A_155 : i1 to i32
      %cond3A_157 = arith.constant 0 : i32
      %cond3A_158 = arith.cmpi ne, %convert_element_type3A_156, %cond3A_157 : i32
      scf.if %cond3A_158 {
        %add3A_159 = arith.constant 4 : i32
        %add3A_160 = arith.addi %add3A_135, %add3A_159 : i32
        %dma_start3A_161 = arith.constant 3 : i32
        %dma_start3A_162 = arith.constant 0 : i32
        %dma_start3A_163 = arith.constant 0 : i32
        %dma_start3A_164 = tpu.memref_slice %arg6[%dma_start3A_161, %dma_start3A_162, %dma_start3A_163] : memref<4x128x16xf32, #tpu.memory_space<vmem>> -> memref<1x128x16xf32, #tpu.memory_space<vmem>>
        %dma_start3A_165 = tpu.memref_squeeze %dma_start3A_164 : memref<1x128x16xf32, #tpu.memory_space<vmem>> -> memref<128x16xf32, #tpu.memory_space<vmem>>
        %dma_start3A_166 = arith.constant 0 : i32
        %dma_start3A_167 = tpu.memref_slice %arg5[%add3A_160, %dma_start3A_166] : memref<160x128xi32, #tpu.memory_space<vmem>> -> memref<1x128xi32, #tpu.memory_space<vmem>>
        %dma_start3A_168 = tpu.memref_squeeze %dma_start3A_167 : memref<1x128xi32, #tpu.memory_space<vmem>> -> memref<128xi32, #tpu.memory_space<vmem>>
        %dma_start3A_169 = arith.constant 0 : i32
        %dma_start3A_170 = arith.constant 0 : i32
        %dma_start3A_171 = tpu.memref_slice %arg2[%dma_start3A_169, %dma_start3A_170] : memref<32768x16xf32, #tpu.memory_space<hbm>> -> memref<32768x16xf32, #tpu.memory_space<hbm>>
        tpu.enqueue_indirect_dma source(%dma_start3A_171 : memref<32768x16xf32, #tpu.memory_space<hbm>>) target(%dma_start3A_165 : memref<128x16xf32, #tpu.memory_space<vmem>>) offsets(%dma_start3A_168 : memref<128xi32, #tpu.memory_space<vmem>>) semaphore(%arg10 : memref<!tpu.dma_semaphore, #tpu.memory_space<semaphore_mem>>)
      } else {
      }
    }
    %scan3A_54 = arith.constant 40 : i32
    return
  }
}

#map = affine_map<(d0, d1) -> (0, 0)>
#map1 = affine_map<(d0, d1) -> (0, 0, 0)>
module attributes {stable_mosaic.version = 14 : i64} {
  func.func @gather_kernel(%arg0: i32, %arg1: i32, %arg2: memref<32768x16xf32, #tpu.memory_space<hbm>>, %arg3: memref<32x160x128xi32, #tpu.memory_space<hbm>>, %arg4: memref<655360x16xf32, #tpu.memory_space<hbm>>, %arg5: memref<160x128xi32, #tpu.memory_space<vmem>>, %arg6: memref<4x128x16xf32, #tpu.memory_space<vmem>>, %arg7: memref<!tpu.dma_semaphore, #tpu.memory_space<semaphore_mem>>, %arg8: memref<!tpu.dma_semaphore, #tpu.memory_space<semaphore_mem>>, %arg9: memref<!tpu.dma_semaphore, #tpu.memory_space<semaphore_mem>>, %arg10: memref<!tpu.dma_semaphore, #tpu.memory_space<semaphore_mem>>) attributes {dimension_semantics = [#tpu.dimension_semantics<core_parallel>, #tpu.dimension_semantics<subcore_parallel>], iteration_bounds = array<i64: 2, 16>, scalar_prefetch = 0 : i64, scratch_operands = 6 : i64, tpu.core_type = #tpu.core_type<sc_vector_subcore>, window_params = [{transform_indices = #map}, {transform_indices = #map1}, {transform_indices = #map}]} {
    %mul3A = arith.constant 2 : i32
    %mul3A_0 = arith.muli %arg1, %mul3A : i32
    %add3A = arith.addi %mul3A_0, %arg0 : i32
    %mul3A_1 = arith.constant 20480 : i32
    %mul3A_2 = arith.muli %add3A, %mul3A_1 : i32
    "tpu.region"() ({
      %run_scoped3A = tpu.sem_alloc : memref<!tpu.dma_semaphore, #tpu.memory_space<semaphore_mem>>
      %dma_start3A_55 = arith.constant 0 : i32
      %dma_start3A_56 = arith.constant 0 : i32
      %dma_start3A_57 = tpu.memref_slice %arg3[%add3A, %dma_start3A_55, %dma_start3A_56] : memref<32x160x128xi32, #tpu.memory_space<hbm>> -> memref<1x160x128xi32, #tpu.memory_space<hbm>>
      %dma_start3A_58 = tpu.memref_squeeze %dma_start3A_57 : memref<1x160x128xi32, #tpu.memory_space<hbm>> -> memref<160x128xi32, #tpu.memory_space<hbm>>
      %dma_start3A_59 = arith.constant 0 : i32
      %dma_start3A_60 = arith.constant 0 : i32
      %dma_start3A_61 = tpu.memref_slice %arg3[%add3A, %dma_start3A_59, %dma_start3A_60] : memref<32x160x128xi32, #tpu.memory_space<hbm>> -> memref<1x160x128xi32, #tpu.memory_space<hbm>>
      %dma_start3A_62 = tpu.memref_squeeze %dma_start3A_61 : memref<1x160x128xi32, #tpu.memory_space<hbm>> -> memref<160x128xi32, #tpu.memory_space<hbm>>
      tpu.enqueue_dma source(%dma_start3A_62 : memref<160x128xi32, #tpu.memory_space<hbm>>) target(%arg5 : memref<160x128xi32, #tpu.memory_space<vmem>>) target_semaphore(%run_scoped3A : memref<!tpu.dma_semaphore, #tpu.memory_space<semaphore_mem>>)
      %dma_wait3A = arith.constant 0 : i32
      %dma_wait3A_63 = arith.constant 0 : i32
      %dma_wait3A_64 = tpu.memref_slice %arg3[%add3A, %dma_wait3A, %dma_wait3A_63] : memref<32x160x128xi32, #tpu.memory_space<hbm>> -> memref<1x160x128xi32, #tpu.memory_space<hbm>>
      %dma_wait3A_65 = tpu.memref_squeeze %dma_wait3A_64 : memref<1x160x128xi32, #tpu.memory_space<hbm>> -> memref<160x128xi32, #tpu.memory_space<hbm>>
      %dma_wait3A_66 = arith.constant 0 : i32
      %dma_wait3A_67 = arith.constant 0 : i32
      %dma_wait3A_68 = tpu.memref_slice %arg3[%add3A, %dma_wait3A_66, %dma_wait3A_67] : memref<32x160x128xi32, #tpu.memory_space<hbm>> -> memref<1x160x128xi32, #tpu.memory_space<hbm>>
      %dma_wait3A_69 = tpu.memref_squeeze %dma_wait3A_68 : memref<1x160x128xi32, #tpu.memory_space<hbm>> -> memref<160x128xi32, #tpu.memory_space<hbm>>
      tpu.wait_dma2 semaphore(%run_scoped3A : memref<!tpu.dma_semaphore, #tpu.memory_space<semaphore_mem>>) src(%dma_wait3A_69 : memref<160x128xi32, #tpu.memory_space<hbm>>) dst(%arg5 : memref<160x128xi32, #tpu.memory_space<vmem>>)
      tpu.yield
    }) : () -> ()
    %dma_start3A = arith.constant 0 : i32
    %dma_start3A_3 = arith.constant 0 : i32
    %dma_start3A_4 = arith.constant 0 : i32
    %dma_start3A_5 = arith.constant 0 : i32
    %dma_start3A_6 = tpu.memref_slice %arg6[%dma_start3A_3, %dma_start3A_4, %dma_start3A_5] : memref<4x128x16xf32, #tpu.memory_space<vmem>> -> memref<1x128x16xf32, #tpu.memory_space<vmem>>
    %dma_start3A_7 = tpu.memref_squeeze %dma_start3A_6 : memref<1x128x16xf32, #tpu.memory_space<vmem>> -> memref<128x16xf32, #tpu.memory_space<vmem>>
    %dma_start3A_8 = arith.constant 0 : i32
    %dma_start3A_9 = tpu.memref_slice %arg5[%dma_start3A, %dma_start3A_8] : memref<160x128xi32, #tpu.memory_space<vmem>> -> memref<1x128xi32, #tpu.memory_space<vmem>>
    %dma_start3A_10 = tpu.memref_squeeze %dma_start3A_9 : memref<1x128xi32, #tpu.memory_space<vmem>> -> memref<128xi32, #tpu.memory_space<vmem>>
    %dma_start3A_11 = arith.constant 0 : i32
    %dma_start3A_12 = arith.constant 0 : i32
    %dma_start3A_13 = tpu.memref_slice %arg2[%dma_start3A_11, %dma_start3A_12] : memref<32768x16xf32, #tpu.memory_space<hbm>> -> memref<32768x16xf32, #tpu.memory_space<hbm>>
    tpu.enqueue_indirect_dma source(%dma_start3A_13 : memref<32768x16xf32, #tpu.memory_space<hbm>>) target(%dma_start3A_7 : memref<128x16xf32, #tpu.memory_space<vmem>>) offsets(%dma_start3A_10 : memref<128xi32, #tpu.memory_space<vmem>>) semaphore(%arg7 : memref<!tpu.dma_semaphore, #tpu.memory_space<semaphore_mem>>)
    %dma_start3A_14 = arith.constant 1 : i32
    %dma_start3A_15 = arith.constant 1 : i32
    %dma_start3A_16 = arith.constant 0 : i32
    %dma_start3A_17 = arith.constant 0 : i32
    %dma_start3A_18 = tpu.memref_slice %arg6[%dma_start3A_15, %dma_start3A_16, %dma_start3A_17] : memref<4x128x16xf32, #tpu.memory_space<vmem>> -> memref<1x128x16xf32, #tpu.memory_space<vmem>>
    %dma_start3A_19 = tpu.memref_squeeze %dma_start3A_18 : memref<1x128x16xf32, #tpu.memory_space<vmem>> -> memref<128x16xf32, #tpu.memory_space<vmem>>
    %dma_start3A_20 = arith.constant 0 : i32
    %dma_start3A_21 = tpu.memref_slice %arg5[%dma_start3A_14, %dma_start3A_20] : memref<160x128xi32, #tpu.memory_space<vmem>> -> memref<1x128xi32, #tpu.memory_space<vmem>>
    %dma_start3A_22 = tpu.memref_squeeze %dma_start3A_21 : memref<1x128xi32, #tpu.memory_space<vmem>> -> memref<128xi32, #tpu.memory_space<vmem>>
    %dma_start3A_23 = arith.constant 0 : i32
    %dma_start3A_24 = arith.constant 0 : i32
    %dma_start3A_25 = tpu.memref_slice %arg2[%dma_start3A_23, %dma_start3A_24] : memref<32768x16xf32, #tpu.memory_space<hbm>> -> memref<32768x16xf32, #tpu.memory_space<hbm>>
    tpu.enqueue_indirect_dma source(%dma_start3A_25 : memref<32768x16xf32, #tpu.memory_space<hbm>>) target(%dma_start3A_19 : memref<128x16xf32, #tpu.memory_space<vmem>>) offsets(%dma_start3A_22 : memref<128xi32, #tpu.memory_space<vmem>>) semaphore(%arg8 : memref<!tpu.dma_semaphore, #tpu.memory_space<semaphore_mem>>)
    %dma_start3A_26 = arith.constant 2 : i32
    %dma_start3A_27 = arith.constant 2 : i32
    %dma_start3A_28 = arith.constant 0 : i32
    %dma_start3A_29 = arith.constant 0 : i32
    %dma_start3A_30 = tpu.memref_slice %arg6[%dma_start3A_27, %dma_start3A_28, %dma_start3A_29] : memref<4x128x16xf32, #tpu.memory_space<vmem>> -> memref<1x128x16xf32, #tpu.memory_space<vmem>>
    %dma_start3A_31 = tpu.memref_squeeze %dma_start3A_30 : memref<1x128x16xf32, #tpu.memory_space<vmem>> -> memref<128x16xf32, #tpu.memory_space<vmem>>
    %dma_start3A_32 = arith.constant 0 : i32
    %dma_start3A_33 = tpu.memref_slice %arg5[%dma_start3A_26, %dma_start3A_32] : memref<160x128xi32, #tpu.memory_space<vmem>> -> memref<1x128xi32, #tpu.memory_space<vmem>>
    %dma_start3A_34 = tpu.memref_squeeze %dma_start3A_33 : memref<1x128xi32, #tpu.memory_space<vmem>> -> memref<128xi32, #tpu.memory_space<vmem>>
    %dma_start3A_35 = arith.constant 0 : i32
    %dma_start3A_36 = arith.constant 0 : i32
    %dma_start3A_37 = tpu.memref_slice %arg2[%dma_start3A_35, %dma_start3A_36] : memref<32768x16xf32, #tpu.memory_space<hbm>> -> memref<32768x16xf32, #tpu.memory_space<hbm>>
    tpu.enqueue_indirect_dma source(%dma_start3A_37 : memref<32768x16xf32, #tpu.memory_space<hbm>>) target(%dma_start3A_31 : memref<128x16xf32, #tpu.memory_space<vmem>>) offsets(%dma_start3A_34 : memref<128xi32, #tpu.memory_space<vmem>>) semaphore(%arg9 : memref<!tpu.dma_semaphore, #tpu.memory_space<semaphore_mem>>)
    %dma_start3A_38 = arith.constant 3 : i32
    %dma_start3A_39 = arith.constant 3 : i32
    %dma_start3A_40 = arith.constant 0 : i32
    %dma_start3A_41 = arith.constant 0 : i32
    %dma_start3A_42 = tpu.memref_slice %arg6[%dma_start3A_39, %dma_start3A_40, %dma_start3A_41] : memref<4x128x16xf32, #tpu.memory_space<vmem>> -> memref<1x128x16xf32, #tpu.memory_space<vmem>>
    %dma_start3A_43 = tpu.memref_squeeze %dma_start3A_42 : memref<1x128x16xf32, #tpu.memory_space<vmem>> -> memref<128x16xf32, #tpu.memory_space<vmem>>
    %dma_start3A_44 = arith.constant 0 : i32
    %dma_start3A_45 = tpu.memref_slice %arg5[%dma_start3A_38, %dma_start3A_44] : memref<160x128xi32, #tpu.memory_space<vmem>> -> memref<1x128xi32, #tpu.memory_space<vmem>>
    %dma_start3A_46 = tpu.memref_squeeze %dma_start3A_45 : memref<1x128xi32, #tpu.memory_space<vmem>> -> memref<128xi32, #tpu.memory_space<vmem>>
    %dma_start3A_47 = arith.constant 0 : i32
    %dma_start3A_48 = arith.constant 0 : i32
    %dma_start3A_49 = tpu.memref_slice %arg2[%dma_start3A_47, %dma_start3A_48] : memref<32768x16xf32, #tpu.memory_space<hbm>> -> memref<32768x16xf32, #tpu.memory_space<hbm>>
    tpu.enqueue_indirect_dma source(%dma_start3A_49 : memref<32768x16xf32, #tpu.memory_space<hbm>>) target(%dma_start3A_43 : memref<128x16xf32, #tpu.memory_space<vmem>>) offsets(%dma_start3A_46 : memref<128xi32, #tpu.memory_space<vmem>>) semaphore(%arg10 : memref<!tpu.dma_semaphore, #tpu.memory_space<semaphore_mem>>)
    %scan3A = arith.constant 0 : i32
    %scan3A_50 = arith.constant 0 : i32
    %scan3A_51 = arith.constant 40 : i32
    %scan3A_52 = arith.addi %scan3A_50, %scan3A_51 : i32
    %scan3A_53 = arith.constant 1 : i32
    scf.for %scan3A_55 = %scan3A_50 to %scan3A_52 step %scan3A_53  : i32 {
      %mul3A_56 = arith.constant 4 : i32
      %mul3A_57 = arith.muli %scan3A_55, %mul3A_56 : i32
      %add3A_58 = arith.constant 0 : i32
      %add3A_59 = arith.addi %mul3A_57, %add3A_58 : i32
      %dma_wait3A = arith.constant 0 : i32
      %dma_wait3A_60 = arith.constant 0 : i32
      %dma_wait3A_61 = arith.constant 0 : i32
      %dma_wait3A_62 = arith.constant 0 : i32
      %dma_wait3A_63 = tpu.memref_slice %arg6[%dma_wait3A_60, %dma_wait3A_61, %dma_wait3A_62] : memref<4x128x16xf32, #tpu.memory_space<vmem>> -> memref<1x128x16xf32, #tpu.memory_space<vmem>>
      %dma_wait3A_64 = tpu.memref_squeeze %dma_wait3A_63 : memref<1x128x16xf32, #tpu.memory_space<vmem>> -> memref<128x16xf32, #tpu.memory_space<vmem>>
      %dma_wait3A_65 = arith.constant 0 : i32
      %dma_wait3A_66 = tpu.memref_slice %arg5[%dma_wait3A, %dma_wait3A_65] : memref<160x128xi32, #tpu.memory_space<vmem>> -> memref<1x128xi32, #tpu.memory_space<vmem>>
      %dma_wait3A_67 = tpu.memref_squeeze %dma_wait3A_66 : memref<1x128xi32, #tpu.memory_space<vmem>> -> memref<128xi32, #tpu.memory_space<vmem>>
      %dma_wait3A_68 = arith.constant 0 : i32
      %dma_wait3A_69 = arith.constant 0 : i32
      %dma_wait3A_70 = tpu.memref_slice %arg2[%dma_wait3A_68, %dma_wait3A_69] : memref<32768x16xf32, #tpu.memory_space<hbm>> -> memref<32768x16xf32, #tpu.memory_space<hbm>>
      tpu.wait_indirect_dma semaphore(%arg7 : memref<!tpu.dma_semaphore, #tpu.memory_space<semaphore_mem>>) src(%dma_wait3A_70 : memref<32768x16xf32, #tpu.memory_space<hbm>>) dst(%dma_wait3A_64 : memref<128x16xf32, #tpu.memory_space<vmem>>)
      %mul3A_71 = arith.constant 128 : i32
      %mul3A_72 = arith.muli %add3A_59, %mul3A_71 : i32
      %add3A_73 = arith.addi %mul3A_2, %mul3A_72 : i32
      %run_scoped3A = arith.constant 0 : i32
      "tpu.region"() ({
        %run_scoped3A_159 = tpu.sem_alloc : memref<!tpu.dma_semaphore, #tpu.memory_space<semaphore_mem>>
        %dma_start3A_160 = arith.constant 0 : i32
        %dma_start3A_161 = arith.constant 0 : i32
        %dma_start3A_162 = tpu.memref_slice %arg6[%run_scoped3A, %dma_start3A_160, %dma_start3A_161] : memref<4x128x16xf32, #tpu.memory_space<vmem>> -> memref<1x128x16xf32, #tpu.memory_space<vmem>>
        %dma_start3A_163 = tpu.memref_squeeze %dma_start3A_162 : memref<1x128x16xf32, #tpu.memory_space<vmem>> -> memref<128x16xf32, #tpu.memory_space<vmem>>
        %dma_start3A_164 = arith.constant 0 : i32
        %dma_start3A_165 = tpu.memref_slice %arg4[%add3A_73, %dma_start3A_164] : memref<655360x16xf32, #tpu.memory_space<hbm>> -> memref<128x16xf32, #tpu.memory_space<hbm>>
        %dma_start3A_166 = arith.constant 0 : i32
        %dma_start3A_167 = tpu.memref_slice %arg4[%add3A_73, %dma_start3A_166] : memref<655360x16xf32, #tpu.memory_space<hbm>> -> memref<128x16xf32, #tpu.memory_space<hbm>>
        %dma_start3A_168 = arith.constant 0 : i32
        %dma_start3A_169 = arith.constant 0 : i32
        %dma_start3A_170 = tpu.memref_slice %arg6[%run_scoped3A, %dma_start3A_168, %dma_start3A_169] : memref<4x128x16xf32, #tpu.memory_space<vmem>> -> memref<1x128x16xf32, #tpu.memory_space<vmem>>
        %dma_start3A_171 = tpu.memref_squeeze %dma_start3A_170 : memref<1x128x16xf32, #tpu.memory_space<vmem>> -> memref<128x16xf32, #tpu.memory_space<vmem>>
        tpu.enqueue_dma source(%dma_start3A_171 : memref<128x16xf32, #tpu.memory_space<vmem>>) target(%dma_start3A_167 : memref<128x16xf32, #tpu.memory_space<hbm>>) target_semaphore(%run_scoped3A_159 : memref<!tpu.dma_semaphore, #tpu.memory_space<semaphore_mem>>)
        %dma_wait3A_172 = arith.constant 0 : i32
        %dma_wait3A_173 = arith.constant 0 : i32
        %dma_wait3A_174 = tpu.memref_slice %arg6[%run_scoped3A, %dma_wait3A_172, %dma_wait3A_173] : memref<4x128x16xf32, #tpu.memory_space<vmem>> -> memref<1x128x16xf32, #tpu.memory_space<vmem>>
        %dma_wait3A_175 = tpu.memref_squeeze %dma_wait3A_174 : memref<1x128x16xf32, #tpu.memory_space<vmem>> -> memref<128x16xf32, #tpu.memory_space<vmem>>
        %dma_wait3A_176 = arith.constant 0 : i32
        %dma_wait3A_177 = tpu.memref_slice %arg4[%add3A_73, %dma_wait3A_176] : memref<655360x16xf32, #tpu.memory_space<hbm>> -> memref<128x16xf32, #tpu.memory_space<hbm>>
        %dma_wait3A_178 = arith.constant 0 : i32
        %dma_wait3A_179 = tpu.memref_slice %arg4[%add3A_73, %dma_wait3A_178] : memref<655360x16xf32, #tpu.memory_space<hbm>> -> memref<128x16xf32, #tpu.memory_space<hbm>>
        %dma_wait3A_180 = arith.constant 0 : i32
        %dma_wait3A_181 = arith.constant 0 : i32
        %dma_wait3A_182 = tpu.memref_slice %arg6[%run_scoped3A, %dma_wait3A_180, %dma_wait3A_181] : memref<4x128x16xf32, #tpu.memory_space<vmem>> -> memref<1x128x16xf32, #tpu.memory_space<vmem>>
        %dma_wait3A_183 = tpu.memref_squeeze %dma_wait3A_182 : memref<1x128x16xf32, #tpu.memory_space<vmem>> -> memref<128x16xf32, #tpu.memory_space<vmem>>
        tpu.wait_dma2 semaphore(%run_scoped3A_159 : memref<!tpu.dma_semaphore, #tpu.memory_space<semaphore_mem>>) src(%dma_wait3A_183 : memref<128x16xf32, #tpu.memory_space<vmem>>) dst(%dma_wait3A_179 : memref<128x16xf32, #tpu.memory_space<hbm>>)
        tpu.yield
      }) : () -> ()
      %add3A_74 = arith.constant 4 : i32
      %add3A_75 = arith.addi %add3A_59, %add3A_74 : i32
      %lt3A = arith.constant 160 : i32
      %lt3A_76 = arith.cmpi slt, %add3A_75, %lt3A : i32
      %convert_element_type3A = arith.extui %lt3A_76 : i1 to i32
      %cond3A = arith.constant 0 : i32
      %cond3A_77 = arith.cmpi ne, %convert_element_type3A, %cond3A : i32
      scf.if %cond3A_77 {
        %add3A_159 = arith.constant 4 : i32
        %add3A_160 = arith.addi %add3A_59, %add3A_159 : i32
        %dma_start3A_161 = arith.constant 0 : i32
        %dma_start3A_162 = arith.constant 0 : i32
        %dma_start3A_163 = arith.constant 0 : i32
        %dma_start3A_164 = tpu.memref_slice %arg6[%dma_start3A_161, %dma_start3A_162, %dma_start3A_163] : memref<4x128x16xf32, #tpu.memory_space<vmem>> -> memref<1x128x16xf32, #tpu.memory_space<vmem>>
        %dma_start3A_165 = tpu.memref_squeeze %dma_start3A_164 : memref<1x128x16xf32, #tpu.memory_space<vmem>> -> memref<128x16xf32, #tpu.memory_space<vmem>>
        %dma_start3A_166 = arith.constant 0 : i32
        %dma_start3A_167 = tpu.memref_slice %arg5[%add3A_160, %dma_start3A_166] : memref<160x128xi32, #tpu.memory_space<vmem>> -> memref<1x128xi32, #tpu.memory_space<vmem>>
        %dma_start3A_168 = tpu.memref_squeeze %dma_start3A_167 : memref<1x128xi32, #tpu.memory_space<vmem>> -> memref<128xi32, #tpu.memory_space<vmem>>
        %dma_start3A_169 = arith.constant 0 : i32
        %dma_start3A_170 = arith.constant 0 : i32
        %dma_start3A_171 = tpu.memref_slice %arg2[%dma_start3A_169, %dma_start3A_170] : memref<32768x16xf32, #tpu.memory_space<hbm>> -> memref<32768x16xf32, #tpu.memory_space<hbm>>
        tpu.enqueue_indirect_dma source(%dma_start3A_171 : memref<32768x16xf32, #tpu.memory_space<hbm>>) target(%dma_start3A_165 : memref<128x16xf32, #tpu.memory_space<vmem>>) offsets(%dma_start3A_168 : memref<128xi32, #tpu.memory_space<vmem>>) semaphore(%arg7 : memref<!tpu.dma_semaphore, #tpu.memory_space<semaphore_mem>>)
      } else {
      }
      %mul3A_78 = arith.constant 4 : i32
      %mul3A_79 = arith.muli %scan3A_55, %mul3A_78 : i32
      %add3A_80 = arith.constant 1 : i32
      %add3A_81 = arith.addi %mul3A_79, %add3A_80 : i32
      %dma_wait3A_82 = arith.constant 0 : i32
      %dma_wait3A_83 = arith.constant 1 : i32
      %dma_wait3A_84 = arith.constant 0 : i32
      %dma_wait3A_85 = arith.constant 0 : i32
      %dma_wait3A_86 = tpu.memref_slice %arg6[%dma_wait3A_83, %dma_wait3A_84, %dma_wait3A_85] : memref<4x128x16xf32, #tpu.memory_space<vmem>> -> memref<1x128x16xf32, #tpu.memory_space<vmem>>
      %dma_wait3A_87 = tpu.memref_squeeze %dma_wait3A_86 : memref<1x128x16xf32, #tpu.memory_space<vmem>> -> memref<128x16xf32, #tpu.memory_space<vmem>>
      %dma_wait3A_88 = arith.constant 0 : i32
      %dma_wait3A_89 = tpu.memref_slice %arg5[%dma_wait3A_82, %dma_wait3A_88] : memref<160x128xi32, #tpu.memory_space<vmem>> -> memref<1x128xi32, #tpu.memory_space<vmem>>
      %dma_wait3A_90 = tpu.memref_squeeze %dma_wait3A_89 : memref<1x128xi32, #tpu.memory_space<vmem>> -> memref<128xi32, #tpu.memory_space<vmem>>
      %dma_wait3A_91 = arith.constant 0 : i32
      %dma_wait3A_92 = arith.constant 0 : i32
      %dma_wait3A_93 = tpu.memref_slice %arg2[%dma_wait3A_91, %dma_wait3A_92] : memref<32768x16xf32, #tpu.memory_space<hbm>> -> memref<32768x16xf32, #tpu.memory_space<hbm>>
      tpu.wait_indirect_dma semaphore(%arg8 : memref<!tpu.dma_semaphore, #tpu.memory_space<semaphore_mem>>) src(%dma_wait3A_93 : memref<32768x16xf32, #tpu.memory_space<hbm>>) dst(%dma_wait3A_87 : memref<128x16xf32, #tpu.memory_space<vmem>>)
      %mul3A_94 = arith.constant 128 : i32
      %mul3A_95 = arith.muli %add3A_81, %mul3A_94 : i32
      %add3A_96 = arith.addi %mul3A_2, %mul3A_95 : i32
      %run_scoped3A_97 = arith.constant 1 : i32
      "tpu.region"() ({
        %run_scoped3A_159 = tpu.sem_alloc : memref<!tpu.dma_semaphore, #tpu.memory_space<semaphore_mem>>
        %dma_start3A_160 = arith.constant 0 : i32
        %dma_start3A_161 = arith.constant 0 : i32
        %dma_start3A_162 = tpu.memref_slice %arg6[%run_scoped3A_97, %dma_start3A_160, %dma_start3A_161] : memref<4x128x16xf32, #tpu.memory_space<vmem>> -> memref<1x128x16xf32, #tpu.memory_space<vmem>>
        %dma_start3A_163 = tpu.memref_squeeze %dma_start3A_162 : memref<1x128x16xf32, #tpu.memory_space<vmem>> -> memref<128x16xf32, #tpu.memory_space<vmem>>
        %dma_start3A_164 = arith.constant 0 : i32
        %dma_start3A_165 = tpu.memref_slice %arg4[%add3A_96, %dma_start3A_164] : memref<655360x16xf32, #tpu.memory_space<hbm>> -> memref<128x16xf32, #tpu.memory_space<hbm>>
        %dma_start3A_166 = arith.constant 0 : i32
        %dma_start3A_167 = tpu.memref_slice %arg4[%add3A_96, %dma_start3A_166] : memref<655360x16xf32, #tpu.memory_space<hbm>> -> memref<128x16xf32, #tpu.memory_space<hbm>>
        %dma_start3A_168 = arith.constant 0 : i32
        %dma_start3A_169 = arith.constant 0 : i32
        %dma_start3A_170 = tpu.memref_slice %arg6[%run_scoped3A_97, %dma_start3A_168, %dma_start3A_169] : memref<4x128x16xf32, #tpu.memory_space<vmem>> -> memref<1x128x16xf32, #tpu.memory_space<vmem>>
        %dma_start3A_171 = tpu.memref_squeeze %dma_start3A_170 : memref<1x128x16xf32, #tpu.memory_space<vmem>> -> memref<128x16xf32, #tpu.memory_space<vmem>>
        tpu.enqueue_dma source(%dma_start3A_171 : memref<128x16xf32, #tpu.memory_space<vmem>>) target(%dma_start3A_167 : memref<128x16xf32, #tpu.memory_space<hbm>>) target_semaphore(%run_scoped3A_159 : memref<!tpu.dma_semaphore, #tpu.memory_space<semaphore_mem>>)
        %dma_wait3A_172 = arith.constant 0 : i32
        %dma_wait3A_173 = arith.constant 0 : i32
        %dma_wait3A_174 = tpu.memref_slice %arg6[%run_scoped3A_97, %dma_wait3A_172, %dma_wait3A_173] : memref<4x128x16xf32, #tpu.memory_space<vmem>> -> memref<1x128x16xf32, #tpu.memory_space<vmem>>
        %dma_wait3A_175 = tpu.memref_squeeze %dma_wait3A_174 : memref<1x128x16xf32, #tpu.memory_space<vmem>> -> memref<128x16xf32, #tpu.memory_space<vmem>>
        %dma_wait3A_176 = arith.constant 0 : i32
        %dma_wait3A_177 = tpu.memref_slice %arg4[%add3A_96, %dma_wait3A_176] : memref<655360x16xf32, #tpu.memory_space<hbm>> -> memref<128x16xf32, #tpu.memory_space<hbm>>
        %dma_wait3A_178 = arith.constant 0 : i32
        %dma_wait3A_179 = tpu.memref_slice %arg4[%add3A_96, %dma_wait3A_178] : memref<655360x16xf32, #tpu.memory_space<hbm>> -> memref<128x16xf32, #tpu.memory_space<hbm>>
        %dma_wait3A_180 = arith.constant 0 : i32
        %dma_wait3A_181 = arith.constant 0 : i32
        %dma_wait3A_182 = tpu.memref_slice %arg6[%run_scoped3A_97, %dma_wait3A_180, %dma_wait3A_181] : memref<4x128x16xf32, #tpu.memory_space<vmem>> -> memref<1x128x16xf32, #tpu.memory_space<vmem>>
        %dma_wait3A_183 = tpu.memref_squeeze %dma_wait3A_182 : memref<1x128x16xf32, #tpu.memory_space<vmem>> -> memref<128x16xf32, #tpu.memory_space<vmem>>
        tpu.wait_dma2 semaphore(%run_scoped3A_159 : memref<!tpu.dma_semaphore, #tpu.memory_space<semaphore_mem>>) src(%dma_wait3A_183 : memref<128x16xf32, #tpu.memory_space<vmem>>) dst(%dma_wait3A_179 : memref<128x16xf32, #tpu.memory_space<hbm>>)
        tpu.yield
      }) : () -> ()
      %add3A_98 = arith.constant 4 : i32
      %add3A_99 = arith.addi %add3A_81, %add3A_98 : i32
      %lt3A_100 = arith.constant 160 : i32
      %lt3A_101 = arith.cmpi slt, %add3A_99, %lt3A_100 : i32
      %convert_element_type3A_102 = arith.extui %lt3A_101 : i1 to i32
      %cond3A_103 = arith.constant 0 : i32
      %cond3A_104 = arith.cmpi ne, %convert_element_type3A_102, %cond3A_103 : i32
      scf.if %cond3A_104 {
        %add3A_159 = arith.constant 4 : i32
        %add3A_160 = arith.addi %add3A_81, %add3A_159 : i32
        %dma_start3A_161 = arith.constant 1 : i32
        %dma_start3A_162 = arith.constant 0 : i32
        %dma_start3A_163 = arith.constant 0 : i32
        %dma_start3A_164 = tpu.memref_slice %arg6[%dma_start3A_161, %dma_start3A_162, %dma_start3A_163] : memref<4x128x16xf32, #tpu.memory_space<vmem>> -> memref<1x128x16xf32, #tpu.memory_space<vmem>>
        %dma_start3A_165 = tpu.memref_squeeze %dma_start3A_164 : memref<1x128x16xf32, #tpu.memory_space<vmem>> -> memref<128x16xf32, #tpu.memory_space<vmem>>
        %dma_start3A_166 = arith.constant 0 : i32
        %dma_start3A_167 = tpu.memref_slice %arg5[%add3A_160, %dma_start3A_166] : memref<160x128xi32, #tpu.memory_space<vmem>> -> memref<1x128xi32, #tpu.memory_space<vmem>>
        %dma_start3A_168 = tpu.memref_squeeze %dma_start3A_167 : memref<1x128xi32, #tpu.memory_space<vmem>> -> memref<128xi32, #tpu.memory_space<vmem>>
        %dma_start3A_169 = arith.constant 0 : i32
        %dma_start3A_170 = arith.constant 0 : i32
        %dma_start3A_171 = tpu.memref_slice %arg2[%dma_start3A_169, %dma_start3A_170] : memref<32768x16xf32, #tpu.memory_space<hbm>> -> memref<32768x16xf32, #tpu.memory_space<hbm>>
        tpu.enqueue_indirect_dma source(%dma_start3A_171 : memref<32768x16xf32, #tpu.memory_space<hbm>>) target(%dma_start3A_165 : memref<128x16xf32, #tpu.memory_space<vmem>>) offsets(%dma_start3A_168 : memref<128xi32, #tpu.memory_space<vmem>>) semaphore(%arg8 : memref<!tpu.dma_semaphore, #tpu.memory_space<semaphore_mem>>)
      } else {
      }
      %mul3A_105 = arith.constant 4 : i32
      %mul3A_106 = arith.muli %scan3A_55, %mul3A_105 : i32
      %add3A_107 = arith.constant 2 : i32
      %add3A_108 = arith.addi %mul3A_106, %add3A_107 : i32
      %dma_wait3A_109 = arith.constant 0 : i32
      %dma_wait3A_110 = arith.constant 2 : i32
      %dma_wait3A_111 = arith.constant 0 : i32
      %dma_wait3A_112 = arith.constant 0 : i32
      %dma_wait3A_113 = tpu.memref_slice %arg6[%dma_wait3A_110, %dma_wait3A_111, %dma_wait3A_112] : memref<4x128x16xf32, #tpu.memory_space<vmem>> -> memref<1x128x16xf32, #tpu.memory_space<vmem>>
      %dma_wait3A_114 = tpu.memref_squeeze %dma_wait3A_113 : memref<1x128x16xf32, #tpu.memory_space<vmem>> -> memref<128x16xf32, #tpu.memory_space<vmem>>
      %dma_wait3A_115 = arith.constant 0 : i32
      %dma_wait3A_116 = tpu.memref_slice %arg5[%dma_wait3A_109, %dma_wait3A_115] : memref<160x128xi32, #tpu.memory_space<vmem>> -> memref<1x128xi32, #tpu.memory_space<vmem>>
      %dma_wait3A_117 = tpu.memref_squeeze %dma_wait3A_116 : memref<1x128xi32, #tpu.memory_space<vmem>> -> memref<128xi32, #tpu.memory_space<vmem>>
      %dma_wait3A_118 = arith.constant 0 : i32
      %dma_wait3A_119 = arith.constant 0 : i32
      %dma_wait3A_120 = tpu.memref_slice %arg2[%dma_wait3A_118, %dma_wait3A_119] : memref<32768x16xf32, #tpu.memory_space<hbm>> -> memref<32768x16xf32, #tpu.memory_space<hbm>>
      tpu.wait_indirect_dma semaphore(%arg9 : memref<!tpu.dma_semaphore, #tpu.memory_space<semaphore_mem>>) src(%dma_wait3A_120 : memref<32768x16xf32, #tpu.memory_space<hbm>>) dst(%dma_wait3A_114 : memref<128x16xf32, #tpu.memory_space<vmem>>)
      %mul3A_121 = arith.constant 128 : i32
      %mul3A_122 = arith.muli %add3A_108, %mul3A_121 : i32
      %add3A_123 = arith.addi %mul3A_2, %mul3A_122 : i32
      %run_scoped3A_124 = arith.constant 2 : i32
      "tpu.region"() ({
        %run_scoped3A_159 = tpu.sem_alloc : memref<!tpu.dma_semaphore, #tpu.memory_space<semaphore_mem>>
        %dma_start3A_160 = arith.constant 0 : i32
        %dma_start3A_161 = arith.constant 0 : i32
        %dma_start3A_162 = tpu.memref_slice %arg6[%run_scoped3A_124, %dma_start3A_160, %dma_start3A_161] : memref<4x128x16xf32, #tpu.memory_space<vmem>> -> memref<1x128x16xf32, #tpu.memory_space<vmem>>
        %dma_start3A_163 = tpu.memref_squeeze %dma_start3A_162 : memref<1x128x16xf32, #tpu.memory_space<vmem>> -> memref<128x16xf32, #tpu.memory_space<vmem>>
        %dma_start3A_164 = arith.constant 0 : i32
        %dma_start3A_165 = tpu.memref_slice %arg4[%add3A_123, %dma_start3A_164] : memref<655360x16xf32, #tpu.memory_space<hbm>> -> memref<128x16xf32, #tpu.memory_space<hbm>>
        %dma_start3A_166 = arith.constant 0 : i32
        %dma_start3A_167 = tpu.memref_slice %arg4[%add3A_123, %dma_start3A_166] : memref<655360x16xf32, #tpu.memory_space<hbm>> -> memref<128x16xf32, #tpu.memory_space<hbm>>
        %dma_start3A_168 = arith.constant 0 : i32
        %dma_start3A_169 = arith.constant 0 : i32
        %dma_start3A_170 = tpu.memref_slice %arg6[%run_scoped3A_124, %dma_start3A_168, %dma_start3A_169] : memref<4x128x16xf32, #tpu.memory_space<vmem>> -> memref<1x128x16xf32, #tpu.memory_space<vmem>>
        %dma_start3A_171 = tpu.memref_squeeze %dma_start3A_170 : memref<1x128x16xf32, #tpu.memory_space<vmem>> -> memref<128x16xf32, #tpu.memory_space<vmem>>
        tpu.enqueue_dma source(%dma_start3A_171 : memref<128x16xf32, #tpu.memory_space<vmem>>) target(%dma_start3A_167 : memref<128x16xf32, #tpu.memory_space<hbm>>) target_semaphore(%run_scoped3A_159 : memref<!tpu.dma_semaphore, #tpu.memory_space<semaphore_mem>>)
        %dma_wait3A_172 = arith.constant 0 : i32
        %dma_wait3A_173 = arith.constant 0 : i32
        %dma_wait3A_174 = tpu.memref_slice %arg6[%run_scoped3A_124, %dma_wait3A_172, %dma_wait3A_173] : memref<4x128x16xf32, #tpu.memory_space<vmem>> -> memref<1x128x16xf32, #tpu.memory_space<vmem>>
        %dma_wait3A_175 = tpu.memref_squeeze %dma_wait3A_174 : memref<1x128x16xf32, #tpu.memory_space<vmem>> -> memref<128x16xf32, #tpu.memory_space<vmem>>
        %dma_wait3A_176 = arith.constant 0 : i32
        %dma_wait3A_177 = tpu.memref_slice %arg4[%add3A_123, %dma_wait3A_176] : memref<655360x16xf32, #tpu.memory_space<hbm>> -> memref<128x16xf32, #tpu.memory_space<hbm>>
        %dma_wait3A_178 = arith.constant 0 : i32
        %dma_wait3A_179 = tpu.memref_slice %arg4[%add3A_123, %dma_wait3A_178] : memref<655360x16xf32, #tpu.memory_space<hbm>> -> memref<128x16xf32, #tpu.memory_space<hbm>>
        %dma_wait3A_180 = arith.constant 0 : i32
        %dma_wait3A_181 = arith.constant 0 : i32
        %dma_wait3A_182 = tpu.memref_slice %arg6[%run_scoped3A_124, %dma_wait3A_180, %dma_wait3A_181] : memref<4x128x16xf32, #tpu.memory_space<vmem>> -> memref<1x128x16xf32, #tpu.memory_space<vmem>>
        %dma_wait3A_183 = tpu.memref_squeeze %dma_wait3A_182 : memref<1x128x16xf32, #tpu.memory_space<vmem>> -> memref<128x16xf32, #tpu.memory_space<vmem>>
        tpu.wait_dma2 semaphore(%run_scoped3A_159 : memref<!tpu.dma_semaphore, #tpu.memory_space<semaphore_mem>>) src(%dma_wait3A_183 : memref<128x16xf32, #tpu.memory_space<vmem>>) dst(%dma_wait3A_179 : memref<128x16xf32, #tpu.memory_space<hbm>>)
        tpu.yield
      }) : () -> ()
      %add3A_125 = arith.constant 4 : i32
      %add3A_126 = arith.addi %add3A_108, %add3A_125 : i32
      %lt3A_127 = arith.constant 160 : i32
      %lt3A_128 = arith.cmpi slt, %add3A_126, %lt3A_127 : i32
      %convert_element_type3A_129 = arith.extui %lt3A_128 : i1 to i32
      %cond3A_130 = arith.constant 0 : i32
      %cond3A_131 = arith.cmpi ne, %convert_element_type3A_129, %cond3A_130 : i32
      scf.if %cond3A_131 {
        %add3A_159 = arith.constant 4 : i32
        %add3A_160 = arith.addi %add3A_108, %add3A_159 : i32
        %dma_start3A_161 = arith.constant 2 : i32
        %dma_start3A_162 = arith.constant 0 : i32
        %dma_start3A_163 = arith.constant 0 : i32
        %dma_start3A_164 = tpu.memref_slice %arg6[%dma_start3A_161, %dma_start3A_162, %dma_start3A_163] : memref<4x128x16xf32, #tpu.memory_space<vmem>> -> memref<1x128x16xf32, #tpu.memory_space<vmem>>
        %dma_start3A_165 = tpu.memref_squeeze %dma_start3A_164 : memref<1x128x16xf32, #tpu.memory_space<vmem>> -> memref<128x16xf32, #tpu.memory_space<vmem>>
        %dma_start3A_166 = arith.constant 0 : i32
        %dma_start3A_167 = tpu.memref_slice %arg5[%add3A_160, %dma_start3A_166] : memref<160x128xi32, #tpu.memory_space<vmem>> -> memref<1x128xi32, #tpu.memory_space<vmem>>
        %dma_start3A_168 = tpu.memref_squeeze %dma_start3A_167 : memref<1x128xi32, #tpu.memory_space<vmem>> -> memref<128xi32, #tpu.memory_space<vmem>>
        %dma_start3A_169 = arith.constant 0 : i32
        %dma_start3A_170 = arith.constant 0 : i32
        %dma_start3A_171 = tpu.memref_slice %arg2[%dma_start3A_169, %dma_start3A_170] : memref<32768x16xf32, #tpu.memory_space<hbm>> -> memref<32768x16xf32, #tpu.memory_space<hbm>>
        tpu.enqueue_indirect_dma source(%dma_start3A_171 : memref<32768x16xf32, #tpu.memory_space<hbm>>) target(%dma_start3A_165 : memref<128x16xf32, #tpu.memory_space<vmem>>) offsets(%dma_start3A_168 : memref<128xi32, #tpu.memory_space<vmem>>) semaphore(%arg9 : memref<!tpu.dma_semaphore, #tpu.memory_space<semaphore_mem>>)
      } else {
      }
      %mul3A_132 = arith.constant 4 : i32
      %mul3A_133 = arith.muli %scan3A_55, %mul3A_132 : i32
      %add3A_134 = arith.constant 3 : i32
      %add3A_135 = arith.addi %mul3A_133, %add3A_134 : i32
      %dma_wait3A_136 = arith.constant 0 : i32
      %dma_wait3A_137 = arith.constant 3 : i32
      %dma_wait3A_138 = arith.constant 0 : i32
      %dma_wait3A_139 = arith.constant 0 : i32
      %dma_wait3A_140 = tpu.memref_slice %arg6[%dma_wait3A_137, %dma_wait3A_138, %dma_wait3A_139] : memref<4x128x16xf32, #tpu.memory_space<vmem>> -> memref<1x128x16xf32, #tpu.memory_space<vmem>>
      %dma_wait3A_141 = tpu.memref_squeeze %dma_wait3A_140 : memref<1x128x16xf32, #tpu.memory_space<vmem>> -> memref<128x16xf32, #tpu.memory_space<vmem>>
      %dma_wait3A_142 = arith.constant 0 : i32
      %dma_wait3A_143 = tpu.memref_slice %arg5[%dma_wait3A_136, %dma_wait3A_142] : memref<160x128xi32, #tpu.memory_space<vmem>> -> memref<1x128xi32, #tpu.memory_space<vmem>>
      %dma_wait3A_144 = tpu.memref_squeeze %dma_wait3A_143 : memref<1x128xi32, #tpu.memory_space<vmem>> -> memref<128xi32, #tpu.memory_space<vmem>>
      %dma_wait3A_145 = arith.constant 0 : i32
      %dma_wait3A_146 = arith.constant 0 : i32
      %dma_wait3A_147 = tpu.memref_slice %arg2[%dma_wait3A_145, %dma_wait3A_146] : memref<32768x16xf32, #tpu.memory_space<hbm>> -> memref<32768x16xf32, #tpu.memory_space<hbm>>
      tpu.wait_indirect_dma semaphore(%arg10 : memref<!tpu.dma_semaphore, #tpu.memory_space<semaphore_mem>>) src(%dma_wait3A_147 : memref<32768x16xf32, #tpu.memory_space<hbm>>) dst(%dma_wait3A_141 : memref<128x16xf32, #tpu.memory_space<vmem>>)
      %mul3A_148 = arith.constant 128 : i32
      %mul3A_149 = arith.muli %add3A_135, %mul3A_148 : i32
      %add3A_150 = arith.addi %mul3A_2, %mul3A_149 : i32
      %run_scoped3A_151 = arith.constant 3 : i32
      "tpu.region"() ({
        %run_scoped3A_159 = tpu.sem_alloc : memref<!tpu.dma_semaphore, #tpu.memory_space<semaphore_mem>>
        %dma_start3A_160 = arith.constant 0 : i32
        %dma_start3A_161 = arith.constant 0 : i32
        %dma_start3A_162 = tpu.memref_slice %arg6[%run_scoped3A_151, %dma_start3A_160, %dma_start3A_161] : memref<4x128x16xf32, #tpu.memory_space<vmem>> -> memref<1x128x16xf32, #tpu.memory_space<vmem>>
        %dma_start3A_163 = tpu.memref_squeeze %dma_start3A_162 : memref<1x128x16xf32, #tpu.memory_space<vmem>> -> memref<128x16xf32, #tpu.memory_space<vmem>>
        %dma_start3A_164 = arith.constant 0 : i32
        %dma_start3A_165 = tpu.memref_slice %arg4[%add3A_150, %dma_start3A_164] : memref<655360x16xf32, #tpu.memory_space<hbm>> -> memref<128x16xf32, #tpu.memory_space<hbm>>
        %dma_start3A_166 = arith.constant 0 : i32
        %dma_start3A_167 = tpu.memref_slice %arg4[%add3A_150, %dma_start3A_166] : memref<655360x16xf32, #tpu.memory_space<hbm>> -> memref<128x16xf32, #tpu.memory_space<hbm>>
        %dma_start3A_168 = arith.constant 0 : i32
        %dma_start3A_169 = arith.constant 0 : i32
        %dma_start3A_170 = tpu.memref_slice %arg6[%run_scoped3A_151, %dma_start3A_168, %dma_start3A_169] : memref<4x128x16xf32, #tpu.memory_space<vmem>> -> memref<1x128x16xf32, #tpu.memory_space<vmem>>
        %dma_start3A_171 = tpu.memref_squeeze %dma_start3A_170 : memref<1x128x16xf32, #tpu.memory_space<vmem>> -> memref<128x16xf32, #tpu.memory_space<vmem>>
        tpu.enqueue_dma source(%dma_start3A_171 : memref<128x16xf32, #tpu.memory_space<vmem>>) target(%dma_start3A_167 : memref<128x16xf32, #tpu.memory_space<hbm>>) target_semaphore(%run_scoped3A_159 : memref<!tpu.dma_semaphore, #tpu.memory_space<semaphore_mem>>)
        %dma_wait3A_172 = arith.constant 0 : i32
        %dma_wait3A_173 = arith.constant 0 : i32
        %dma_wait3A_174 = tpu.memref_slice %arg6[%run_scoped3A_151, %dma_wait3A_172, %dma_wait3A_173] : memref<4x128x16xf32, #tpu.memory_space<vmem>> -> memref<1x128x16xf32, #tpu.memory_space<vmem>>
        %dma_wait3A_175 = tpu.memref_squeeze %dma_wait3A_174 : memref<1x128x16xf32, #tpu.memory_space<vmem>> -> memref<128x16xf32, #tpu.memory_space<vmem>>
        %dma_wait3A_176 = arith.constant 0 : i32
        %dma_wait3A_177 = tpu.memref_slice %arg4[%add3A_150, %dma_wait3A_176] : memref<655360x16xf32, #tpu.memory_space<hbm>> -> memref<128x16xf32, #tpu.memory_space<hbm>>
        %dma_wait3A_178 = arith.constant 0 : i32
        %dma_wait3A_179 = tpu.memref_slice %arg4[%add3A_150, %dma_wait3A_178] : memref<655360x16xf32, #tpu.memory_space<hbm>> -> memref<128x16xf32, #tpu.memory_space<hbm>>
        %dma_wait3A_180 = arith.constant 0 : i32
        %dma_wait3A_181 = arith.constant 0 : i32
        %dma_wait3A_182 = tpu.memref_slice %arg6[%run_scoped3A_151, %dma_wait3A_180, %dma_wait3A_181] : memref<4x128x16xf32, #tpu.memory_space<vmem>> -> memref<1x128x16xf32, #tpu.memory_space<vmem>>
        %dma_wait3A_183 = tpu.memref_squeeze %dma_wait3A_182 : memref<1x128x16xf32, #tpu.memory_space<vmem>> -> memref<128x16xf32, #tpu.memory_space<vmem>>
        tpu.wait_dma2 semaphore(%run_scoped3A_159 : memref<!tpu.dma_semaphore, #tpu.memory_space<semaphore_mem>>) src(%dma_wait3A_183 : memref<128x16xf32, #tpu.memory_space<vmem>>) dst(%dma_wait3A_179 : memref<128x16xf32, #tpu.memory_space<hbm>>)
        tpu.yield
      }) : () -> ()
      %add3A_152 = arith.constant 4 : i32
      %add3A_153 = arith.addi %add3A_135, %add3A_152 : i32
      %lt3A_154 = arith.constant 160 : i32
      %lt3A_155 = arith.cmpi slt, %add3A_153, %lt3A_154 : i32
      %convert_element_type3A_156 = arith.extui %lt3A_155 : i1 to i32
      %cond3A_157 = arith.constant 0 : i32
      %cond3A_158 = arith.cmpi ne, %convert_element_type3A_156, %cond3A_157 : i32
      scf.if %cond3A_158 {
        %add3A_159 = arith.constant 4 : i32
        %add3A_160 = arith.addi %add3A_135, %add3A_159 : i32
        %dma_start3A_161 = arith.constant 3 : i32
        %dma_start3A_162 = arith.constant 0 : i32
        %dma_start3A_163 = arith.constant 0 : i32
        %dma_start3A_164 = tpu.memref_slice %arg6[%dma_start3A_161, %dma_start3A_162, %dma_start3A_163] : memref<4x128x16xf32, #tpu.memory_space<vmem>> -> memref<1x128x16xf32, #tpu.memory_space<vmem>>
        %dma_start3A_165 = tpu.memref_squeeze %dma_start3A_164 : memref<1x128x16xf32, #tpu.memory_space<vmem>> -> memref<128x16xf32, #tpu.memory_space<vmem>>
        %dma_start3A_166 = arith.constant 0 : i32
        %dma_start3A_167 = tpu.memref_slice %arg5[%add3A_160, %dma_start3A_166] : memref<160x128xi32, #tpu.memory_space<vmem>> -> memref<1x128xi32, #tpu.memory_space<vmem>>
        %dma_start3A_168 = tpu.memref_squeeze %dma_start3A_167 : memref<1x128xi32, #tpu.memory_space<vmem>> -> memref<128xi32, #tpu.memory_space<vmem>>
        %dma_start3A_169 = arith.constant 0 : i32
        %dma_start3A_170 = arith.constant 0 : i32
        %dma_start3A_171 = tpu.memref_slice %arg2[%dma_start3A_169, %dma_start3A_170] : memref<32768x16xf32, #tpu.memory_space<hbm>> -> memref<32768x16xf32, #tpu.memory_space<hbm>>
        tpu.enqueue_indirect_dma source(%dma_start3A_171 : memref<32768x16xf32, #tpu.memory_space<hbm>>) target(%dma_start3A_165 : memref<128x16xf32, #tpu.memory_space<vmem>>) offsets(%dma_start3A_168 : memref<128xi32, #tpu.memory_space<vmem>>) semaphore(%arg10 : memref<!tpu.dma_semaphore, #tpu.memory_space<semaphore_mem>>)
      } else {
      }
    }
    %scan3A_54 = arith.constant 40 : i32
    return
  }
}

#map = affine_map<(d0, d1) -> (0, 0)>
#map1 = affine_map<(d0, d1) -> (0, 0, 0)>
module attributes {stable_mosaic.version = 14 : i64} {
  func.func @gather_kernel(%arg0: i32, %arg1: i32, %arg2: memref<32768x32xf32, #tpu.memory_space<hbm>>, %arg3: memref<32x160x128xi32, #tpu.memory_space<hbm>>, %arg4: memref<655360x32xf32, #tpu.memory_space<hbm>>, %arg5: memref<160x128xi32, #tpu.memory_space<vmem>>, %arg6: memref<4x128x32xf32, #tpu.memory_space<vmem>>, %arg7: memref<!tpu.dma_semaphore, #tpu.memory_space<semaphore_mem>>, %arg8: memref<!tpu.dma_semaphore, #tpu.memory_space<semaphore_mem>>, %arg9: memref<!tpu.dma_semaphore, #tpu.memory_space<semaphore_mem>>, %arg10: memref<!tpu.dma_semaphore, #tpu.memory_space<semaphore_mem>>) attributes {dimension_semantics = [#tpu.dimension_semantics<core_parallel>, #tpu.dimension_semantics<subcore_parallel>], iteration_bounds = array<i64: 2, 16>, scalar_prefetch = 0 : i64, scratch_operands = 6 : i64, tpu.core_type = #tpu.core_type<sc_vector_subcore>, window_params = [{transform_indices = #map}, {transform_indices = #map1}, {transform_indices = #map}]} {
    %mul3A = arith.constant 2 : i32
    %mul3A_0 = arith.muli %arg1, %mul3A : i32
    %add3A = arith.addi %mul3A_0, %arg0 : i32
    %mul3A_1 = arith.constant 20480 : i32
    %mul3A_2 = arith.muli %add3A, %mul3A_1 : i32
    "tpu.region"() ({
      %run_scoped3A = tpu.sem_alloc : memref<!tpu.dma_semaphore, #tpu.memory_space<semaphore_mem>>
      %dma_start3A_55 = arith.constant 0 : i32
      %dma_start3A_56 = arith.constant 0 : i32
      %dma_start3A_57 = tpu.memref_slice %arg3[%add3A, %dma_start3A_55, %dma_start3A_56] : memref<32x160x128xi32, #tpu.memory_space<hbm>> -> memref<1x160x128xi32, #tpu.memory_space<hbm>>
      %dma_start3A_58 = tpu.memref_squeeze %dma_start3A_57 : memref<1x160x128xi32, #tpu.memory_space<hbm>> -> memref<160x128xi32, #tpu.memory_space<hbm>>
      %dma_start3A_59 = arith.constant 0 : i32
      %dma_start3A_60 = arith.constant 0 : i32
      %dma_start3A_61 = tpu.memref_slice %arg3[%add3A, %dma_start3A_59, %dma_start3A_60] : memref<32x160x128xi32, #tpu.memory_space<hbm>> -> memref<1x160x128xi32, #tpu.memory_space<hbm>>
      %dma_start3A_62 = tpu.memref_squeeze %dma_start3A_61 : memref<1x160x128xi32, #tpu.memory_space<hbm>> -> memref<160x128xi32, #tpu.memory_space<hbm>>
      tpu.enqueue_dma source(%dma_start3A_62 : memref<160x128xi32, #tpu.memory_space<hbm>>) target(%arg5 : memref<160x128xi32, #tpu.memory_space<vmem>>) target_semaphore(%run_scoped3A : memref<!tpu.dma_semaphore, #tpu.memory_space<semaphore_mem>>)
      %dma_wait3A = arith.constant 0 : i32
      %dma_wait3A_63 = arith.constant 0 : i32
      %dma_wait3A_64 = tpu.memref_slice %arg3[%add3A, %dma_wait3A, %dma_wait3A_63] : memref<32x160x128xi32, #tpu.memory_space<hbm>> -> memref<1x160x128xi32, #tpu.memory_space<hbm>>
      %dma_wait3A_65 = tpu.memref_squeeze %dma_wait3A_64 : memref<1x160x128xi32, #tpu.memory_space<hbm>> -> memref<160x128xi32, #tpu.memory_space<hbm>>
      %dma_wait3A_66 = arith.constant 0 : i32
      %dma_wait3A_67 = arith.constant 0 : i32
      %dma_wait3A_68 = tpu.memref_slice %arg3[%add3A, %dma_wait3A_66, %dma_wait3A_67] : memref<32x160x128xi32, #tpu.memory_space<hbm>> -> memref<1x160x128xi32, #tpu.memory_space<hbm>>
      %dma_wait3A_69 = tpu.memref_squeeze %dma_wait3A_68 : memref<1x160x128xi32, #tpu.memory_space<hbm>> -> memref<160x128xi32, #tpu.memory_space<hbm>>
      tpu.wait_dma2 semaphore(%run_scoped3A : memref<!tpu.dma_semaphore, #tpu.memory_space<semaphore_mem>>) src(%dma_wait3A_69 : memref<160x128xi32, #tpu.memory_space<hbm>>) dst(%arg5 : memref<160x128xi32, #tpu.memory_space<vmem>>)
      tpu.yield
    }) : () -> ()
    %dma_start3A = arith.constant 0 : i32
    %dma_start3A_3 = arith.constant 0 : i32
    %dma_start3A_4 = arith.constant 0 : i32
    %dma_start3A_5 = arith.constant 0 : i32
    %dma_start3A_6 = tpu.memref_slice %arg6[%dma_start3A_3, %dma_start3A_4, %dma_start3A_5] : memref<4x128x32xf32, #tpu.memory_space<vmem>> -> memref<1x128x32xf32, #tpu.memory_space<vmem>>
    %dma_start3A_7 = tpu.memref_squeeze %dma_start3A_6 : memref<1x128x32xf32, #tpu.memory_space<vmem>> -> memref<128x32xf32, #tpu.memory_space<vmem>>
    %dma_start3A_8 = arith.constant 0 : i32
    %dma_start3A_9 = tpu.memref_slice %arg5[%dma_start3A, %dma_start3A_8] : memref<160x128xi32, #tpu.memory_space<vmem>> -> memref<1x128xi32, #tpu.memory_space<vmem>>
    %dma_start3A_10 = tpu.memref_squeeze %dma_start3A_9 : memref<1x128xi32, #tpu.memory_space<vmem>> -> memref<128xi32, #tpu.memory_space<vmem>>
    %dma_start3A_11 = arith.constant 0 : i32
    %dma_start3A_12 = arith.constant 0 : i32
    %dma_start3A_13 = tpu.memref_slice %arg2[%dma_start3A_11, %dma_start3A_12] : memref<32768x32xf32, #tpu.memory_space<hbm>> -> memref<32768x32xf32, #tpu.memory_space<hbm>>
    tpu.enqueue_indirect_dma source(%dma_start3A_13 : memref<32768x32xf32, #tpu.memory_space<hbm>>) target(%dma_start3A_7 : memref<128x32xf32, #tpu.memory_space<vmem>>) offsets(%dma_start3A_10 : memref<128xi32, #tpu.memory_space<vmem>>) semaphore(%arg7 : memref<!tpu.dma_semaphore, #tpu.memory_space<semaphore_mem>>)
    %dma_start3A_14 = arith.constant 1 : i32
    %dma_start3A_15 = arith.constant 1 : i32
    %dma_start3A_16 = arith.constant 0 : i32
    %dma_start3A_17 = arith.constant 0 : i32
    %dma_start3A_18 = tpu.memref_slice %arg6[%dma_start3A_15, %dma_start3A_16, %dma_start3A_17] : memref<4x128x32xf32, #tpu.memory_space<vmem>> -> memref<1x128x32xf32, #tpu.memory_space<vmem>>
    %dma_start3A_19 = tpu.memref_squeeze %dma_start3A_18 : memref<1x128x32xf32, #tpu.memory_space<vmem>> -> memref<128x32xf32, #tpu.memory_space<vmem>>
    %dma_start3A_20 = arith.constant 0 : i32
    %dma_start3A_21 = tpu.memref_slice %arg5[%dma_start3A_14, %dma_start3A_20] : memref<160x128xi32, #tpu.memory_space<vmem>> -> memref<1x128xi32, #tpu.memory_space<vmem>>
    %dma_start3A_22 = tpu.memref_squeeze %dma_start3A_21 : memref<1x128xi32, #tpu.memory_space<vmem>> -> memref<128xi32, #tpu.memory_space<vmem>>
    %dma_start3A_23 = arith.constant 0 : i32
    %dma_start3A_24 = arith.constant 0 : i32
    %dma_start3A_25 = tpu.memref_slice %arg2[%dma_start3A_23, %dma_start3A_24] : memref<32768x32xf32, #tpu.memory_space<hbm>> -> memref<32768x32xf32, #tpu.memory_space<hbm>>
    tpu.enqueue_indirect_dma source(%dma_start3A_25 : memref<32768x32xf32, #tpu.memory_space<hbm>>) target(%dma_start3A_19 : memref<128x32xf32, #tpu.memory_space<vmem>>) offsets(%dma_start3A_22 : memref<128xi32, #tpu.memory_space<vmem>>) semaphore(%arg8 : memref<!tpu.dma_semaphore, #tpu.memory_space<semaphore_mem>>)
    %dma_start3A_26 = arith.constant 2 : i32
    %dma_start3A_27 = arith.constant 2 : i32
    %dma_start3A_28 = arith.constant 0 : i32
    %dma_start3A_29 = arith.constant 0 : i32
    %dma_start3A_30 = tpu.memref_slice %arg6[%dma_start3A_27, %dma_start3A_28, %dma_start3A_29] : memref<4x128x32xf32, #tpu.memory_space<vmem>> -> memref<1x128x32xf32, #tpu.memory_space<vmem>>
    %dma_start3A_31 = tpu.memref_squeeze %dma_start3A_30 : memref<1x128x32xf32, #tpu.memory_space<vmem>> -> memref<128x32xf32, #tpu.memory_space<vmem>>
    %dma_start3A_32 = arith.constant 0 : i32
    %dma_start3A_33 = tpu.memref_slice %arg5[%dma_start3A_26, %dma_start3A_32] : memref<160x128xi32, #tpu.memory_space<vmem>> -> memref<1x128xi32, #tpu.memory_space<vmem>>
    %dma_start3A_34 = tpu.memref_squeeze %dma_start3A_33 : memref<1x128xi32, #tpu.memory_space<vmem>> -> memref<128xi32, #tpu.memory_space<vmem>>
    %dma_start3A_35 = arith.constant 0 : i32
    %dma_start3A_36 = arith.constant 0 : i32
    %dma_start3A_37 = tpu.memref_slice %arg2[%dma_start3A_35, %dma_start3A_36] : memref<32768x32xf32, #tpu.memory_space<hbm>> -> memref<32768x32xf32, #tpu.memory_space<hbm>>
    tpu.enqueue_indirect_dma source(%dma_start3A_37 : memref<32768x32xf32, #tpu.memory_space<hbm>>) target(%dma_start3A_31 : memref<128x32xf32, #tpu.memory_space<vmem>>) offsets(%dma_start3A_34 : memref<128xi32, #tpu.memory_space<vmem>>) semaphore(%arg9 : memref<!tpu.dma_semaphore, #tpu.memory_space<semaphore_mem>>)
    %dma_start3A_38 = arith.constant 3 : i32
    %dma_start3A_39 = arith.constant 3 : i32
    %dma_start3A_40 = arith.constant 0 : i32
    %dma_start3A_41 = arith.constant 0 : i32
    %dma_start3A_42 = tpu.memref_slice %arg6[%dma_start3A_39, %dma_start3A_40, %dma_start3A_41] : memref<4x128x32xf32, #tpu.memory_space<vmem>> -> memref<1x128x32xf32, #tpu.memory_space<vmem>>
    %dma_start3A_43 = tpu.memref_squeeze %dma_start3A_42 : memref<1x128x32xf32, #tpu.memory_space<vmem>> -> memref<128x32xf32, #tpu.memory_space<vmem>>
    %dma_start3A_44 = arith.constant 0 : i32
    %dma_start3A_45 = tpu.memref_slice %arg5[%dma_start3A_38, %dma_start3A_44] : memref<160x128xi32, #tpu.memory_space<vmem>> -> memref<1x128xi32, #tpu.memory_space<vmem>>
    %dma_start3A_46 = tpu.memref_squeeze %dma_start3A_45 : memref<1x128xi32, #tpu.memory_space<vmem>> -> memref<128xi32, #tpu.memory_space<vmem>>
    %dma_start3A_47 = arith.constant 0 : i32
    %dma_start3A_48 = arith.constant 0 : i32
    %dma_start3A_49 = tpu.memref_slice %arg2[%dma_start3A_47, %dma_start3A_48] : memref<32768x32xf32, #tpu.memory_space<hbm>> -> memref<32768x32xf32, #tpu.memory_space<hbm>>
    tpu.enqueue_indirect_dma source(%dma_start3A_49 : memref<32768x32xf32, #tpu.memory_space<hbm>>) target(%dma_start3A_43 : memref<128x32xf32, #tpu.memory_space<vmem>>) offsets(%dma_start3A_46 : memref<128xi32, #tpu.memory_space<vmem>>) semaphore(%arg10 : memref<!tpu.dma_semaphore, #tpu.memory_space<semaphore_mem>>)
    %scan3A = arith.constant 0 : i32
    %scan3A_50 = arith.constant 0 : i32
    %scan3A_51 = arith.constant 40 : i32
    %scan3A_52 = arith.addi %scan3A_50, %scan3A_51 : i32
    %scan3A_53 = arith.constant 1 : i32
    scf.for %scan3A_55 = %scan3A_50 to %scan3A_52 step %scan3A_53  : i32 {
      %mul3A_56 = arith.constant 4 : i32
      %mul3A_57 = arith.muli %scan3A_55, %mul3A_56 : i32
      %add3A_58 = arith.constant 0 : i32
      %add3A_59 = arith.addi %mul3A_57, %add3A_58 : i32
      %dma_wait3A = arith.constant 0 : i32
      %dma_wait3A_60 = arith.constant 0 : i32
      %dma_wait3A_61 = arith.constant 0 : i32
      %dma_wait3A_62 = arith.constant 0 : i32
      %dma_wait3A_63 = tpu.memref_slice %arg6[%dma_wait3A_60, %dma_wait3A_61, %dma_wait3A_62] : memref<4x128x32xf32, #tpu.memory_space<vmem>> -> memref<1x128x32xf32, #tpu.memory_space<vmem>>
      %dma_wait3A_64 = tpu.memref_squeeze %dma_wait3A_63 : memref<1x128x32xf32, #tpu.memory_space<vmem>> -> memref<128x32xf32, #tpu.memory_space<vmem>>
      %dma_wait3A_65 = arith.constant 0 : i32
      %dma_wait3A_66 = tpu.memref_slice %arg5[%dma_wait3A, %dma_wait3A_65] : memref<160x128xi32, #tpu.memory_space<vmem>> -> memref<1x128xi32, #tpu.memory_space<vmem>>
      %dma_wait3A_67 = tpu.memref_squeeze %dma_wait3A_66 : memref<1x128xi32, #tpu.memory_space<vmem>> -> memref<128xi32, #tpu.memory_space<vmem>>
      %dma_wait3A_68 = arith.constant 0 : i32
      %dma_wait3A_69 = arith.constant 0 : i32
      %dma_wait3A_70 = tpu.memref_slice %arg2[%dma_wait3A_68, %dma_wait3A_69] : memref<32768x32xf32, #tpu.memory_space<hbm>> -> memref<32768x32xf32, #tpu.memory_space<hbm>>
      tpu.wait_indirect_dma semaphore(%arg7 : memref<!tpu.dma_semaphore, #tpu.memory_space<semaphore_mem>>) src(%dma_wait3A_70 : memref<32768x32xf32, #tpu.memory_space<hbm>>) dst(%dma_wait3A_64 : memref<128x32xf32, #tpu.memory_space<vmem>>)
      %mul3A_71 = arith.constant 128 : i32
      %mul3A_72 = arith.muli %add3A_59, %mul3A_71 : i32
      %add3A_73 = arith.addi %mul3A_2, %mul3A_72 : i32
      %run_scoped3A = arith.constant 0 : i32
      "tpu.region"() ({
        %run_scoped3A_159 = tpu.sem_alloc : memref<!tpu.dma_semaphore, #tpu.memory_space<semaphore_mem>>
        %dma_start3A_160 = arith.constant 0 : i32
        %dma_start3A_161 = arith.constant 0 : i32
        %dma_start3A_162 = tpu.memref_slice %arg6[%run_scoped3A, %dma_start3A_160, %dma_start3A_161] : memref<4x128x32xf32, #tpu.memory_space<vmem>> -> memref<1x128x32xf32, #tpu.memory_space<vmem>>
        %dma_start3A_163 = tpu.memref_squeeze %dma_start3A_162 : memref<1x128x32xf32, #tpu.memory_space<vmem>> -> memref<128x32xf32, #tpu.memory_space<vmem>>
        %dma_start3A_164 = arith.constant 0 : i32
        %dma_start3A_165 = tpu.memref_slice %arg4[%add3A_73, %dma_start3A_164] : memref<655360x32xf32, #tpu.memory_space<hbm>> -> memref<128x32xf32, #tpu.memory_space<hbm>>
        %dma_start3A_166 = arith.constant 0 : i32
        %dma_start3A_167 = tpu.memref_slice %arg4[%add3A_73, %dma_start3A_166] : memref<655360x32xf32, #tpu.memory_space<hbm>> -> memref<128x32xf32, #tpu.memory_space<hbm>>
        %dma_start3A_168 = arith.constant 0 : i32
        %dma_start3A_169 = arith.constant 0 : i32
        %dma_start3A_170 = tpu.memref_slice %arg6[%run_scoped3A, %dma_start3A_168, %dma_start3A_169] : memref<4x128x32xf32, #tpu.memory_space<vmem>> -> memref<1x128x32xf32, #tpu.memory_space<vmem>>
        %dma_start3A_171 = tpu.memref_squeeze %dma_start3A_170 : memref<1x128x32xf32, #tpu.memory_space<vmem>> -> memref<128x32xf32, #tpu.memory_space<vmem>>
        tpu.enqueue_dma source(%dma_start3A_171 : memref<128x32xf32, #tpu.memory_space<vmem>>) target(%dma_start3A_167 : memref<128x32xf32, #tpu.memory_space<hbm>>) target_semaphore(%run_scoped3A_159 : memref<!tpu.dma_semaphore, #tpu.memory_space<semaphore_mem>>)
        %dma_wait3A_172 = arith.constant 0 : i32
        %dma_wait3A_173 = arith.constant 0 : i32
        %dma_wait3A_174 = tpu.memref_slice %arg6[%run_scoped3A, %dma_wait3A_172, %dma_wait3A_173] : memref<4x128x32xf32, #tpu.memory_space<vmem>> -> memref<1x128x32xf32, #tpu.memory_space<vmem>>
        %dma_wait3A_175 = tpu.memref_squeeze %dma_wait3A_174 : memref<1x128x32xf32, #tpu.memory_space<vmem>> -> memref<128x32xf32, #tpu.memory_space<vmem>>
        %dma_wait3A_176 = arith.constant 0 : i32
        %dma_wait3A_177 = tpu.memref_slice %arg4[%add3A_73, %dma_wait3A_176] : memref<655360x32xf32, #tpu.memory_space<hbm>> -> memref<128x32xf32, #tpu.memory_space<hbm>>
        %dma_wait3A_178 = arith.constant 0 : i32
        %dma_wait3A_179 = tpu.memref_slice %arg4[%add3A_73, %dma_wait3A_178] : memref<655360x32xf32, #tpu.memory_space<hbm>> -> memref<128x32xf32, #tpu.memory_space<hbm>>
        %dma_wait3A_180 = arith.constant 0 : i32
        %dma_wait3A_181 = arith.constant 0 : i32
        %dma_wait3A_182 = tpu.memref_slice %arg6[%run_scoped3A, %dma_wait3A_180, %dma_wait3A_181] : memref<4x128x32xf32, #tpu.memory_space<vmem>> -> memref<1x128x32xf32, #tpu.memory_space<vmem>>
        %dma_wait3A_183 = tpu.memref_squeeze %dma_wait3A_182 : memref<1x128x32xf32, #tpu.memory_space<vmem>> -> memref<128x32xf32, #tpu.memory_space<vmem>>
        tpu.wait_dma2 semaphore(%run_scoped3A_159 : memref<!tpu.dma_semaphore, #tpu.memory_space<semaphore_mem>>) src(%dma_wait3A_183 : memref<128x32xf32, #tpu.memory_space<vmem>>) dst(%dma_wait3A_179 : memref<128x32xf32, #tpu.memory_space<hbm>>)
        tpu.yield
      }) : () -> ()
      %add3A_74 = arith.constant 4 : i32
      %add3A_75 = arith.addi %add3A_59, %add3A_74 : i32
      %lt3A = arith.constant 160 : i32
      %lt3A_76 = arith.cmpi slt, %add3A_75, %lt3A : i32
      %convert_element_type3A = arith.extui %lt3A_76 : i1 to i32
      %cond3A = arith.constant 0 : i32
      %cond3A_77 = arith.cmpi ne, %convert_element_type3A, %cond3A : i32
      scf.if %cond3A_77 {
        %add3A_159 = arith.constant 4 : i32
        %add3A_160 = arith.addi %add3A_59, %add3A_159 : i32
        %dma_start3A_161 = arith.constant 0 : i32
        %dma_start3A_162 = arith.constant 0 : i32
        %dma_start3A_163 = arith.constant 0 : i32
        %dma_start3A_164 = tpu.memref_slice %arg6[%dma_start3A_161, %dma_start3A_162, %dma_start3A_163] : memref<4x128x32xf32, #tpu.memory_space<vmem>> -> memref<1x128x32xf32, #tpu.memory_space<vmem>>
        %dma_start3A_165 = tpu.memref_squeeze %dma_start3A_164 : memref<1x128x32xf32, #tpu.memory_space<vmem>> -> memref<128x32xf32, #tpu.memory_space<vmem>>
        %dma_start3A_166 = arith.constant 0 : i32
        %dma_start3A_167 = tpu.memref_slice %arg5[%add3A_160, %dma_start3A_166] : memref<160x128xi32, #tpu.memory_space<vmem>> -> memref<1x128xi32, #tpu.memory_space<vmem>>
        %dma_start3A_168 = tpu.memref_squeeze %dma_start3A_167 : memref<1x128xi32, #tpu.memory_space<vmem>> -> memref<128xi32, #tpu.memory_space<vmem>>
        %dma_start3A_169 = arith.constant 0 : i32
        %dma_start3A_170 = arith.constant 0 : i32
        %dma_start3A_171 = tpu.memref_slice %arg2[%dma_start3A_169, %dma_start3A_170] : memref<32768x32xf32, #tpu.memory_space<hbm>> -> memref<32768x32xf32, #tpu.memory_space<hbm>>
        tpu.enqueue_indirect_dma source(%dma_start3A_171 : memref<32768x32xf32, #tpu.memory_space<hbm>>) target(%dma_start3A_165 : memref<128x32xf32, #tpu.memory_space<vmem>>) offsets(%dma_start3A_168 : memref<128xi32, #tpu.memory_space<vmem>>) semaphore(%arg7 : memref<!tpu.dma_semaphore, #tpu.memory_space<semaphore_mem>>)
      } else {
      }
      %mul3A_78 = arith.constant 4 : i32
      %mul3A_79 = arith.muli %scan3A_55, %mul3A_78 : i32
      %add3A_80 = arith.constant 1 : i32
      %add3A_81 = arith.addi %mul3A_79, %add3A_80 : i32
      %dma_wait3A_82 = arith.constant 0 : i32
      %dma_wait3A_83 = arith.constant 1 : i32
      %dma_wait3A_84 = arith.constant 0 : i32
      %dma_wait3A_85 = arith.constant 0 : i32
      %dma_wait3A_86 = tpu.memref_slice %arg6[%dma_wait3A_83, %dma_wait3A_84, %dma_wait3A_85] : memref<4x128x32xf32, #tpu.memory_space<vmem>> -> memref<1x128x32xf32, #tpu.memory_space<vmem>>
      %dma_wait3A_87 = tpu.memref_squeeze %dma_wait3A_86 : memref<1x128x32xf32, #tpu.memory_space<vmem>> -> memref<128x32xf32, #tpu.memory_space<vmem>>
      %dma_wait3A_88 = arith.constant 0 : i32
      %dma_wait3A_89 = tpu.memref_slice %arg5[%dma_wait3A_82, %dma_wait3A_88] : memref<160x128xi32, #tpu.memory_space<vmem>> -> memref<1x128xi32, #tpu.memory_space<vmem>>
      %dma_wait3A_90 = tpu.memref_squeeze %dma_wait3A_89 : memref<1x128xi32, #tpu.memory_space<vmem>> -> memref<128xi32, #tpu.memory_space<vmem>>
      %dma_wait3A_91 = arith.constant 0 : i32
      %dma_wait3A_92 = arith.constant 0 : i32
      %dma_wait3A_93 = tpu.memref_slice %arg2[%dma_wait3A_91, %dma_wait3A_92] : memref<32768x32xf32, #tpu.memory_space<hbm>> -> memref<32768x32xf32, #tpu.memory_space<hbm>>
      tpu.wait_indirect_dma semaphore(%arg8 : memref<!tpu.dma_semaphore, #tpu.memory_space<semaphore_mem>>) src(%dma_wait3A_93 : memref<32768x32xf32, #tpu.memory_space<hbm>>) dst(%dma_wait3A_87 : memref<128x32xf32, #tpu.memory_space<vmem>>)
      %mul3A_94 = arith.constant 128 : i32
      %mul3A_95 = arith.muli %add3A_81, %mul3A_94 : i32
      %add3A_96 = arith.addi %mul3A_2, %mul3A_95 : i32
      %run_scoped3A_97 = arith.constant 1 : i32
      "tpu.region"() ({
        %run_scoped3A_159 = tpu.sem_alloc : memref<!tpu.dma_semaphore, #tpu.memory_space<semaphore_mem>>
        %dma_start3A_160 = arith.constant 0 : i32
        %dma_start3A_161 = arith.constant 0 : i32
        %dma_start3A_162 = tpu.memref_slice %arg6[%run_scoped3A_97, %dma_start3A_160, %dma_start3A_161] : memref<4x128x32xf32, #tpu.memory_space<vmem>> -> memref<1x128x32xf32, #tpu.memory_space<vmem>>
        %dma_start3A_163 = tpu.memref_squeeze %dma_start3A_162 : memref<1x128x32xf32, #tpu.memory_space<vmem>> -> memref<128x32xf32, #tpu.memory_space<vmem>>
        %dma_start3A_164 = arith.constant 0 : i32
        %dma_start3A_165 = tpu.memref_slice %arg4[%add3A_96, %dma_start3A_164] : memref<655360x32xf32, #tpu.memory_space<hbm>> -> memref<128x32xf32, #tpu.memory_space<hbm>>
        %dma_start3A_166 = arith.constant 0 : i32
        %dma_start3A_167 = tpu.memref_slice %arg4[%add3A_96, %dma_start3A_166] : memref<655360x32xf32, #tpu.memory_space<hbm>> -> memref<128x32xf32, #tpu.memory_space<hbm>>
        %dma_start3A_168 = arith.constant 0 : i32
        %dma_start3A_169 = arith.constant 0 : i32
        %dma_start3A_170 = tpu.memref_slice %arg6[%run_scoped3A_97, %dma_start3A_168, %dma_start3A_169] : memref<4x128x32xf32, #tpu.memory_space<vmem>> -> memref<1x128x32xf32, #tpu.memory_space<vmem>>
        %dma_start3A_171 = tpu.memref_squeeze %dma_start3A_170 : memref<1x128x32xf32, #tpu.memory_space<vmem>> -> memref<128x32xf32, #tpu.memory_space<vmem>>
        tpu.enqueue_dma source(%dma_start3A_171 : memref<128x32xf32, #tpu.memory_space<vmem>>) target(%dma_start3A_167 : memref<128x32xf32, #tpu.memory_space<hbm>>) target_semaphore(%run_scoped3A_159 : memref<!tpu.dma_semaphore, #tpu.memory_space<semaphore_mem>>)
        %dma_wait3A_172 = arith.constant 0 : i32
        %dma_wait3A_173 = arith.constant 0 : i32
        %dma_wait3A_174 = tpu.memref_slice %arg6[%run_scoped3A_97, %dma_wait3A_172, %dma_wait3A_173] : memref<4x128x32xf32, #tpu.memory_space<vmem>> -> memref<1x128x32xf32, #tpu.memory_space<vmem>>
        %dma_wait3A_175 = tpu.memref_squeeze %dma_wait3A_174 : memref<1x128x32xf32, #tpu.memory_space<vmem>> -> memref<128x32xf32, #tpu.memory_space<vmem>>
        %dma_wait3A_176 = arith.constant 0 : i32
        %dma_wait3A_177 = tpu.memref_slice %arg4[%add3A_96, %dma_wait3A_176] : memref<655360x32xf32, #tpu.memory_space<hbm>> -> memref<128x32xf32, #tpu.memory_space<hbm>>
        %dma_wait3A_178 = arith.constant 0 : i32
        %dma_wait3A_179 = tpu.memref_slice %arg4[%add3A_96, %dma_wait3A_178] : memref<655360x32xf32, #tpu.memory_space<hbm>> -> memref<128x32xf32, #tpu.memory_space<hbm>>
        %dma_wait3A_180 = arith.constant 0 : i32
        %dma_wait3A_181 = arith.constant 0 : i32
        %dma_wait3A_182 = tpu.memref_slice %arg6[%run_scoped3A_97, %dma_wait3A_180, %dma_wait3A_181] : memref<4x128x32xf32, #tpu.memory_space<vmem>> -> memref<1x128x32xf32, #tpu.memory_space<vmem>>
        %dma_wait3A_183 = tpu.memref_squeeze %dma_wait3A_182 : memref<1x128x32xf32, #tpu.memory_space<vmem>> -> memref<128x32xf32, #tpu.memory_space<vmem>>
        tpu.wait_dma2 semaphore(%run_scoped3A_159 : memref<!tpu.dma_semaphore, #tpu.memory_space<semaphore_mem>>) src(%dma_wait3A_183 : memref<128x32xf32, #tpu.memory_space<vmem>>) dst(%dma_wait3A_179 : memref<128x32xf32, #tpu.memory_space<hbm>>)
        tpu.yield
      }) : () -> ()
      %add3A_98 = arith.constant 4 : i32
      %add3A_99 = arith.addi %add3A_81, %add3A_98 : i32
      %lt3A_100 = arith.constant 160 : i32
      %lt3A_101 = arith.cmpi slt, %add3A_99, %lt3A_100 : i32
      %convert_element_type3A_102 = arith.extui %lt3A_101 : i1 to i32
      %cond3A_103 = arith.constant 0 : i32
      %cond3A_104 = arith.cmpi ne, %convert_element_type3A_102, %cond3A_103 : i32
      scf.if %cond3A_104 {
        %add3A_159 = arith.constant 4 : i32
        %add3A_160 = arith.addi %add3A_81, %add3A_159 : i32
        %dma_start3A_161 = arith.constant 1 : i32
        %dma_start3A_162 = arith.constant 0 : i32
        %dma_start3A_163 = arith.constant 0 : i32
        %dma_start3A_164 = tpu.memref_slice %arg6[%dma_start3A_161, %dma_start3A_162, %dma_start3A_163] : memref<4x128x32xf32, #tpu.memory_space<vmem>> -> memref<1x128x32xf32, #tpu.memory_space<vmem>>
        %dma_start3A_165 = tpu.memref_squeeze %dma_start3A_164 : memref<1x128x32xf32, #tpu.memory_space<vmem>> -> memref<128x32xf32, #tpu.memory_space<vmem>>
        %dma_start3A_166 = arith.constant 0 : i32
        %dma_start3A_167 = tpu.memref_slice %arg5[%add3A_160, %dma_start3A_166] : memref<160x128xi32, #tpu.memory_space<vmem>> -> memref<1x128xi32, #tpu.memory_space<vmem>>
        %dma_start3A_168 = tpu.memref_squeeze %dma_start3A_167 : memref<1x128xi32, #tpu.memory_space<vmem>> -> memref<128xi32, #tpu.memory_space<vmem>>
        %dma_start3A_169 = arith.constant 0 : i32
        %dma_start3A_170 = arith.constant 0 : i32
        %dma_start3A_171 = tpu.memref_slice %arg2[%dma_start3A_169, %dma_start3A_170] : memref<32768x32xf32, #tpu.memory_space<hbm>> -> memref<32768x32xf32, #tpu.memory_space<hbm>>
        tpu.enqueue_indirect_dma source(%dma_start3A_171 : memref<32768x32xf32, #tpu.memory_space<hbm>>) target(%dma_start3A_165 : memref<128x32xf32, #tpu.memory_space<vmem>>) offsets(%dma_start3A_168 : memref<128xi32, #tpu.memory_space<vmem>>) semaphore(%arg8 : memref<!tpu.dma_semaphore, #tpu.memory_space<semaphore_mem>>)
      } else {
      }
      %mul3A_105 = arith.constant 4 : i32
      %mul3A_106 = arith.muli %scan3A_55, %mul3A_105 : i32
      %add3A_107 = arith.constant 2 : i32
      %add3A_108 = arith.addi %mul3A_106, %add3A_107 : i32
      %dma_wait3A_109 = arith.constant 0 : i32
      %dma_wait3A_110 = arith.constant 2 : i32
      %dma_wait3A_111 = arith.constant 0 : i32
      %dma_wait3A_112 = arith.constant 0 : i32
      %dma_wait3A_113 = tpu.memref_slice %arg6[%dma_wait3A_110, %dma_wait3A_111, %dma_wait3A_112] : memref<4x128x32xf32, #tpu.memory_space<vmem>> -> memref<1x128x32xf32, #tpu.memory_space<vmem>>
      %dma_wait3A_114 = tpu.memref_squeeze %dma_wait3A_113 : memref<1x128x32xf32, #tpu.memory_space<vmem>> -> memref<128x32xf32, #tpu.memory_space<vmem>>
      %dma_wait3A_115 = arith.constant 0 : i32
      %dma_wait3A_116 = tpu.memref_slice %arg5[%dma_wait3A_109, %dma_wait3A_115] : memref<160x128xi32, #tpu.memory_space<vmem>> -> memref<1x128xi32, #tpu.memory_space<vmem>>
      %dma_wait3A_117 = tpu.memref_squeeze %dma_wait3A_116 : memref<1x128xi32, #tpu.memory_space<vmem>> -> memref<128xi32, #tpu.memory_space<vmem>>
      %dma_wait3A_118 = arith.constant 0 : i32
      %dma_wait3A_119 = arith.constant 0 : i32
      %dma_wait3A_120 = tpu.memref_slice %arg2[%dma_wait3A_118, %dma_wait3A_119] : memref<32768x32xf32, #tpu.memory_space<hbm>> -> memref<32768x32xf32, #tpu.memory_space<hbm>>
      tpu.wait_indirect_dma semaphore(%arg9 : memref<!tpu.dma_semaphore, #tpu.memory_space<semaphore_mem>>) src(%dma_wait3A_120 : memref<32768x32xf32, #tpu.memory_space<hbm>>) dst(%dma_wait3A_114 : memref<128x32xf32, #tpu.memory_space<vmem>>)
      %mul3A_121 = arith.constant 128 : i32
      %mul3A_122 = arith.muli %add3A_108, %mul3A_121 : i32
      %add3A_123 = arith.addi %mul3A_2, %mul3A_122 : i32
      %run_scoped3A_124 = arith.constant 2 : i32
      "tpu.region"() ({
        %run_scoped3A_159 = tpu.sem_alloc : memref<!tpu.dma_semaphore, #tpu.memory_space<semaphore_mem>>
        %dma_start3A_160 = arith.constant 0 : i32
        %dma_start3A_161 = arith.constant 0 : i32
        %dma_start3A_162 = tpu.memref_slice %arg6[%run_scoped3A_124, %dma_start3A_160, %dma_start3A_161] : memref<4x128x32xf32, #tpu.memory_space<vmem>> -> memref<1x128x32xf32, #tpu.memory_space<vmem>>
        %dma_start3A_163 = tpu.memref_squeeze %dma_start3A_162 : memref<1x128x32xf32, #tpu.memory_space<vmem>> -> memref<128x32xf32, #tpu.memory_space<vmem>>
        %dma_start3A_164 = arith.constant 0 : i32
        %dma_start3A_165 = tpu.memref_slice %arg4[%add3A_123, %dma_start3A_164] : memref<655360x32xf32, #tpu.memory_space<hbm>> -> memref<128x32xf32, #tpu.memory_space<hbm>>
        %dma_start3A_166 = arith.constant 0 : i32
        %dma_start3A_167 = tpu.memref_slice %arg4[%add3A_123, %dma_start3A_166] : memref<655360x32xf32, #tpu.memory_space<hbm>> -> memref<128x32xf32, #tpu.memory_space<hbm>>
        %dma_start3A_168 = arith.constant 0 : i32
        %dma_start3A_169 = arith.constant 0 : i32
        %dma_start3A_170 = tpu.memref_slice %arg6[%run_scoped3A_124, %dma_start3A_168, %dma_start3A_169] : memref<4x128x32xf32, #tpu.memory_space<vmem>> -> memref<1x128x32xf32, #tpu.memory_space<vmem>>
        %dma_start3A_171 = tpu.memref_squeeze %dma_start3A_170 : memref<1x128x32xf32, #tpu.memory_space<vmem>> -> memref<128x32xf32, #tpu.memory_space<vmem>>
        tpu.enqueue_dma source(%dma_start3A_171 : memref<128x32xf32, #tpu.memory_space<vmem>>) target(%dma_start3A_167 : memref<128x32xf32, #tpu.memory_space<hbm>>) target_semaphore(%run_scoped3A_159 : memref<!tpu.dma_semaphore, #tpu.memory_space<semaphore_mem>>)
        %dma_wait3A_172 = arith.constant 0 : i32
        %dma_wait3A_173 = arith.constant 0 : i32
        %dma_wait3A_174 = tpu.memref_slice %arg6[%run_scoped3A_124, %dma_wait3A_172, %dma_wait3A_173] : memref<4x128x32xf32, #tpu.memory_space<vmem>> -> memref<1x128x32xf32, #tpu.memory_space<vmem>>
        %dma_wait3A_175 = tpu.memref_squeeze %dma_wait3A_174 : memref<1x128x32xf32, #tpu.memory_space<vmem>> -> memref<128x32xf32, #tpu.memory_space<vmem>>
        %dma_wait3A_176 = arith.constant 0 : i32
        %dma_wait3A_177 = tpu.memref_slice %arg4[%add3A_123, %dma_wait3A_176] : memref<655360x32xf32, #tpu.memory_space<hbm>> -> memref<128x32xf32, #tpu.memory_space<hbm>>
        %dma_wait3A_178 = arith.constant 0 : i32
        %dma_wait3A_179 = tpu.memref_slice %arg4[%add3A_123, %dma_wait3A_178] : memref<655360x32xf32, #tpu.memory_space<hbm>> -> memref<128x32xf32, #tpu.memory_space<hbm>>
        %dma_wait3A_180 = arith.constant 0 : i32
        %dma_wait3A_181 = arith.constant 0 : i32
        %dma_wait3A_182 = tpu.memref_slice %arg6[%run_scoped3A_124, %dma_wait3A_180, %dma_wait3A_181] : memref<4x128x32xf32, #tpu.memory_space<vmem>> -> memref<1x128x32xf32, #tpu.memory_space<vmem>>
        %dma_wait3A_183 = tpu.memref_squeeze %dma_wait3A_182 : memref<1x128x32xf32, #tpu.memory_space<vmem>> -> memref<128x32xf32, #tpu.memory_space<vmem>>
        tpu.wait_dma2 semaphore(%run_scoped3A_159 : memref<!tpu.dma_semaphore, #tpu.memory_space<semaphore_mem>>) src(%dma_wait3A_183 : memref<128x32xf32, #tpu.memory_space<vmem>>) dst(%dma_wait3A_179 : memref<128x32xf32, #tpu.memory_space<hbm>>)
        tpu.yield
      }) : () -> ()
      %add3A_125 = arith.constant 4 : i32
      %add3A_126 = arith.addi %add3A_108, %add3A_125 : i32
      %lt3A_127 = arith.constant 160 : i32
      %lt3A_128 = arith.cmpi slt, %add3A_126, %lt3A_127 : i32
      %convert_element_type3A_129 = arith.extui %lt3A_128 : i1 to i32
      %cond3A_130 = arith.constant 0 : i32
      %cond3A_131 = arith.cmpi ne, %convert_element_type3A_129, %cond3A_130 : i32
      scf.if %cond3A_131 {
        %add3A_159 = arith.constant 4 : i32
        %add3A_160 = arith.addi %add3A_108, %add3A_159 : i32
        %dma_start3A_161 = arith.constant 2 : i32
        %dma_start3A_162 = arith.constant 0 : i32
        %dma_start3A_163 = arith.constant 0 : i32
        %dma_start3A_164 = tpu.memref_slice %arg6[%dma_start3A_161, %dma_start3A_162, %dma_start3A_163] : memref<4x128x32xf32, #tpu.memory_space<vmem>> -> memref<1x128x32xf32, #tpu.memory_space<vmem>>
        %dma_start3A_165 = tpu.memref_squeeze %dma_start3A_164 : memref<1x128x32xf32, #tpu.memory_space<vmem>> -> memref<128x32xf32, #tpu.memory_space<vmem>>
        %dma_start3A_166 = arith.constant 0 : i32
        %dma_start3A_167 = tpu.memref_slice %arg5[%add3A_160, %dma_start3A_166] : memref<160x128xi32, #tpu.memory_space<vmem>> -> memref<1x128xi32, #tpu.memory_space<vmem>>
        %dma_start3A_168 = tpu.memref_squeeze %dma_start3A_167 : memref<1x128xi32, #tpu.memory_space<vmem>> -> memref<128xi32, #tpu.memory_space<vmem>>
        %dma_start3A_169 = arith.constant 0 : i32
        %dma_start3A_170 = arith.constant 0 : i32
        %dma_start3A_171 = tpu.memref_slice %arg2[%dma_start3A_169, %dma_start3A_170] : memref<32768x32xf32, #tpu.memory_space<hbm>> -> memref<32768x32xf32, #tpu.memory_space<hbm>>
        tpu.enqueue_indirect_dma source(%dma_start3A_171 : memref<32768x32xf32, #tpu.memory_space<hbm>>) target(%dma_start3A_165 : memref<128x32xf32, #tpu.memory_space<vmem>>) offsets(%dma_start3A_168 : memref<128xi32, #tpu.memory_space<vmem>>) semaphore(%arg9 : memref<!tpu.dma_semaphore, #tpu.memory_space<semaphore_mem>>)
      } else {
      }
      %mul3A_132 = arith.constant 4 : i32
      %mul3A_133 = arith.muli %scan3A_55, %mul3A_132 : i32
      %add3A_134 = arith.constant 3 : i32
      %add3A_135 = arith.addi %mul3A_133, %add3A_134 : i32
      %dma_wait3A_136 = arith.constant 0 : i32
      %dma_wait3A_137 = arith.constant 3 : i32
      %dma_wait3A_138 = arith.constant 0 : i32
      %dma_wait3A_139 = arith.constant 0 : i32
      %dma_wait3A_140 = tpu.memref_slice %arg6[%dma_wait3A_137, %dma_wait3A_138, %dma_wait3A_139] : memref<4x128x32xf32, #tpu.memory_space<vmem>> -> memref<1x128x32xf32, #tpu.memory_space<vmem>>
      %dma_wait3A_141 = tpu.memref_squeeze %dma_wait3A_140 : memref<1x128x32xf32, #tpu.memory_space<vmem>> -> memref<128x32xf32, #tpu.memory_space<vmem>>
      %dma_wait3A_142 = arith.constant 0 : i32
      %dma_wait3A_143 = tpu.memref_slice %arg5[%dma_wait3A_136, %dma_wait3A_142] : memref<160x128xi32, #tpu.memory_space<vmem>> -> memref<1x128xi32, #tpu.memory_space<vmem>>
      %dma_wait3A_144 = tpu.memref_squeeze %dma_wait3A_143 : memref<1x128xi32, #tpu.memory_space<vmem>> -> memref<128xi32, #tpu.memory_space<vmem>>
      %dma_wait3A_145 = arith.constant 0 : i32
      %dma_wait3A_146 = arith.constant 0 : i32
      %dma_wait3A_147 = tpu.memref_slice %arg2[%dma_wait3A_145, %dma_wait3A_146] : memref<32768x32xf32, #tpu.memory_space<hbm>> -> memref<32768x32xf32, #tpu.memory_space<hbm>>
      tpu.wait_indirect_dma semaphore(%arg10 : memref<!tpu.dma_semaphore, #tpu.memory_space<semaphore_mem>>) src(%dma_wait3A_147 : memref<32768x32xf32, #tpu.memory_space<hbm>>) dst(%dma_wait3A_141 : memref<128x32xf32, #tpu.memory_space<vmem>>)
      %mul3A_148 = arith.constant 128 : i32
      %mul3A_149 = arith.muli %add3A_135, %mul3A_148 : i32
      %add3A_150 = arith.addi %mul3A_2, %mul3A_149 : i32
      %run_scoped3A_151 = arith.constant 3 : i32
      "tpu.region"() ({
        %run_scoped3A_159 = tpu.sem_alloc : memref<!tpu.dma_semaphore, #tpu.memory_space<semaphore_mem>>
        %dma_start3A_160 = arith.constant 0 : i32
        %dma_start3A_161 = arith.constant 0 : i32
        %dma_start3A_162 = tpu.memref_slice %arg6[%run_scoped3A_151, %dma_start3A_160, %dma_start3A_161] : memref<4x128x32xf32, #tpu.memory_space<vmem>> -> memref<1x128x32xf32, #tpu.memory_space<vmem>>
        %dma_start3A_163 = tpu.memref_squeeze %dma_start3A_162 : memref<1x128x32xf32, #tpu.memory_space<vmem>> -> memref<128x32xf32, #tpu.memory_space<vmem>>
        %dma_start3A_164 = arith.constant 0 : i32
        %dma_start3A_165 = tpu.memref_slice %arg4[%add3A_150, %dma_start3A_164] : memref<655360x32xf32, #tpu.memory_space<hbm>> -> memref<128x32xf32, #tpu.memory_space<hbm>>
        %dma_start3A_166 = arith.constant 0 : i32
        %dma_start3A_167 = tpu.memref_slice %arg4[%add3A_150, %dma_start3A_166] : memref<655360x32xf32, #tpu.memory_space<hbm>> -> memref<128x32xf32, #tpu.memory_space<hbm>>
        %dma_start3A_168 = arith.constant 0 : i32
        %dma_start3A_169 = arith.constant 0 : i32
        %dma_start3A_170 = tpu.memref_slice %arg6[%run_scoped3A_151, %dma_start3A_168, %dma_start3A_169] : memref<4x128x32xf32, #tpu.memory_space<vmem>> -> memref<1x128x32xf32, #tpu.memory_space<vmem>>
        %dma_start3A_171 = tpu.memref_squeeze %dma_start3A_170 : memref<1x128x32xf32, #tpu.memory_space<vmem>> -> memref<128x32xf32, #tpu.memory_space<vmem>>
        tpu.enqueue_dma source(%dma_start3A_171 : memref<128x32xf32, #tpu.memory_space<vmem>>) target(%dma_start3A_167 : memref<128x32xf32, #tpu.memory_space<hbm>>) target_semaphore(%run_scoped3A_159 : memref<!tpu.dma_semaphore, #tpu.memory_space<semaphore_mem>>)
        %dma_wait3A_172 = arith.constant 0 : i32
        %dma_wait3A_173 = arith.constant 0 : i32
        %dma_wait3A_174 = tpu.memref_slice %arg6[%run_scoped3A_151, %dma_wait3A_172, %dma_wait3A_173] : memref<4x128x32xf32, #tpu.memory_space<vmem>> -> memref<1x128x32xf32, #tpu.memory_space<vmem>>
        %dma_wait3A_175 = tpu.memref_squeeze %dma_wait3A_174 : memref<1x128x32xf32, #tpu.memory_space<vmem>> -> memref<128x32xf32, #tpu.memory_space<vmem>>
        %dma_wait3A_176 = arith.constant 0 : i32
        %dma_wait3A_177 = tpu.memref_slice %arg4[%add3A_150, %dma_wait3A_176] : memref<655360x32xf32, #tpu.memory_space<hbm>> -> memref<128x32xf32, #tpu.memory_space<hbm>>
        %dma_wait3A_178 = arith.constant 0 : i32
        %dma_wait3A_179 = tpu.memref_slice %arg4[%add3A_150, %dma_wait3A_178] : memref<655360x32xf32, #tpu.memory_space<hbm>> -> memref<128x32xf32, #tpu.memory_space<hbm>>
        %dma_wait3A_180 = arith.constant 0 : i32
        %dma_wait3A_181 = arith.constant 0 : i32
        %dma_wait3A_182 = tpu.memref_slice %arg6[%run_scoped3A_151, %dma_wait3A_180, %dma_wait3A_181] : memref<4x128x32xf32, #tpu.memory_space<vmem>> -> memref<1x128x32xf32, #tpu.memory_space<vmem>>
        %dma_wait3A_183 = tpu.memref_squeeze %dma_wait3A_182 : memref<1x128x32xf32, #tpu.memory_space<vmem>> -> memref<128x32xf32, #tpu.memory_space<vmem>>
        tpu.wait_dma2 semaphore(%run_scoped3A_159 : memref<!tpu.dma_semaphore, #tpu.memory_space<semaphore_mem>>) src(%dma_wait3A_183 : memref<128x32xf32, #tpu.memory_space<vmem>>) dst(%dma_wait3A_179 : memref<128x32xf32, #tpu.memory_space<hbm>>)
        tpu.yield
      }) : () -> ()
      %add3A_152 = arith.constant 4 : i32
      %add3A_153 = arith.addi %add3A_135, %add3A_152 : i32
      %lt3A_154 = arith.constant 160 : i32
      %lt3A_155 = arith.cmpi slt, %add3A_153, %lt3A_154 : i32
      %convert_element_type3A_156 = arith.extui %lt3A_155 : i1 to i32
      %cond3A_157 = arith.constant 0 : i32
      %cond3A_158 = arith.cmpi ne, %convert_element_type3A_156, %cond3A_157 : i32
      scf.if %cond3A_158 {
        %add3A_159 = arith.constant 4 : i32
        %add3A_160 = arith.addi %add3A_135, %add3A_159 : i32
        %dma_start3A_161 = arith.constant 3 : i32
        %dma_start3A_162 = arith.constant 0 : i32
        %dma_start3A_163 = arith.constant 0 : i32
        %dma_start3A_164 = tpu.memref_slice %arg6[%dma_start3A_161, %dma_start3A_162, %dma_start3A_163] : memref<4x128x32xf32, #tpu.memory_space<vmem>> -> memref<1x128x32xf32, #tpu.memory_space<vmem>>
        %dma_start3A_165 = tpu.memref_squeeze %dma_start3A_164 : memref<1x128x32xf32, #tpu.memory_space<vmem>> -> memref<128x32xf32, #tpu.memory_space<vmem>>
        %dma_start3A_166 = arith.constant 0 : i32
        %dma_start3A_167 = tpu.memref_slice %arg5[%add3A_160, %dma_start3A_166] : memref<160x128xi32, #tpu.memory_space<vmem>> -> memref<1x128xi32, #tpu.memory_space<vmem>>
        %dma_start3A_168 = tpu.memref_squeeze %dma_start3A_167 : memref<1x128xi32, #tpu.memory_space<vmem>> -> memref<128xi32, #tpu.memory_space<vmem>>
        %dma_start3A_169 = arith.constant 0 : i32
        %dma_start3A_170 = arith.constant 0 : i32
        %dma_start3A_171 = tpu.memref_slice %arg2[%dma_start3A_169, %dma_start3A_170] : memref<32768x32xf32, #tpu.memory_space<hbm>> -> memref<32768x32xf32, #tpu.memory_space<hbm>>
        tpu.enqueue_indirect_dma source(%dma_start3A_171 : memref<32768x32xf32, #tpu.memory_space<hbm>>) target(%dma_start3A_165 : memref<128x32xf32, #tpu.memory_space<vmem>>) offsets(%dma_start3A_168 : memref<128xi32, #tpu.memory_space<vmem>>) semaphore(%arg10 : memref<!tpu.dma_semaphore, #tpu.memory_space<semaphore_mem>>)
      } else {
      }
    }
    %scan3A_54 = arith.constant 40 : i32
    return
  }
}

module attributes {stable_mosaic.version = 14 : i64} {
  func.func @_topk_body(%arg0: i32, %arg1: i32, %arg2: memref<1x1024x3xf32, #tpu.memory_space<vmem>>, %arg3: memref<1x3x2048xf32, #tpu.memory_space<vmem>>, %arg4: memref<1x1024x20xi32, #tpu.memory_space<vmem>>, %arg5: memref<1024x16xf32, #tpu.memory_space<vmem>>) attributes {dimension_semantics = [#tpu.dimension_semantics<arbitrary>, #tpu.dimension_semantics<arbitrary>], iteration_bounds = array<i64: 16, 2>, scalar_prefetch = 0 : i64, scratch_operands = 0 : i64, tpu.core_type = #tpu.core_type<tc>, window_params = [{transform_indices = @transform_0, window_bounds = array<i64: 1, 1024, 3>}, {transform_indices = @transform_1, window_bounds = array<i64: 1, 3, 2048>}, {transform_indices = @transform_2, window_bounds = array<i64: 1, 1024, 20>}, {transform_indices = @transform_3, window_bounds = array<i64: 1024, 16>}]} {
    %get3A = arith.constant 0 : index
    %get3A_0 = arith.constant 0 : index
    %get3A_1 = arith.constant 0 : index
    %get3A_2 = vector.load %arg2[%get3A, %get3A_0, %get3A_1] : memref<1x1024x3xf32, #tpu.memory_space<vmem>>, vector<1x1024x3xf32>
    %get3A_3 = vector.shape_cast %get3A_2 : vector<1x1024x3xf32> to vector<1024x3xf32>
    %get3A_4 = arith.constant 0 : index
    %get3A_5 = arith.constant 0 : index
    %get3A_6 = arith.constant 0 : index
    %get3A_7 = vector.load %arg3[%get3A_4, %get3A_5, %get3A_6] : memref<1x3x2048xf32, #tpu.memory_space<vmem>>, vector<1x3x2048xf32>
    %get3A_8 = vector.shape_cast %get3A_7 : vector<1x3x2048xf32> to vector<3x2048xf32>
    %jit3A = arith.constant 0 : i32
    %convert_element_type3A = arith.sitofp %jit3A : i32 to f32
    %pad3A = vector.broadcast %convert_element_type3A : f32 to vector<1024x13xf32>
    %pad3A_9 = tpu.concatenate %get3A_3, %pad3A in 1 : vector<1024x3xf32>, vector<1024x13xf32> -> vector<1024x16xf32>
    %swap3A = arith.constant 0 : index
    %swap3A_10 = arith.constant 0 : index
    %swap3A_11 = vector.load %arg5[%swap3A, %swap3A_10] : memref<1024x16xf32, #tpu.memory_space<vmem>>, vector<1024x16xf32>
    tpu.vector_store %arg5[%swap3A, %swap3A_10], %pad3A_9 {strides = array<i32>} : memref<1024x16xf32, #tpu.memory_space<vmem>>, vector<1024x16xf32>,
    %mul3A = arith.mulf %get3A_3, %get3A_3 : vector<1024x3xf32>
    %reduce_sum3A = arith.constant dense<0.000000e+00> : vector<1024xf32>
    %reduce_sum3A_12 = vector.multi_reduction <add>, %mul3A, %reduce_sum3A [1] : vector<1024x3xf32> to vector<1024xf32>
    %broadcast_in_dim3A = vector.shape_cast %reduce_sum3A_12 : vector<1024xf32> to vector<1024x1xf32>
    %mul3A_13 = arith.mulf %get3A_8, %get3A_8 : vector<3x2048xf32>
    %reduce_sum3A_14 = arith.constant dense<0.000000e+00> : vector<2048xf32>
    %reduce_sum3A_15 = vector.multi_reduction <add>, %mul3A_13, %reduce_sum3A_14 [0] : vector<3x2048xf32> to vector<2048xf32>
    %broadcast_in_dim3A_16 = vector.shape_cast %reduce_sum3A_15 : vector<2048xf32> to vector<1x2048xf32>
    %add3A = vector.broadcast %broadcast_in_dim3A : vector<1024x1xf32> to vector<1024x2048xf32>
    %add3A_17 = vector.broadcast %broadcast_in_dim3A_16 : vector<1x2048xf32> to vector<1024x2048xf32>
    %add3A_18 = arith.addf %add3A, %add3A_17 : vector<1024x2048xf32>
    %dot_general3A = arith.constant dense<0.000000e+00> : vector<1024x2048xf32>
    %dot_general3A_19 = tpu.matmul %get3A_3, %get3A_8, %dot_general3A {dimension_numbers = #tpu.dot_dimension_numbers<[1], [0], [0], [1], [0, 0, 1, 1], [], []>, transpose_lhs_hint = false} : vector<1024x3xf32>, vector<3x2048xf32>, vector<1024x2048xf32> -> vector<1024x2048xf32>
    %mul3A_20 = arith.constant 2.000000e+00 : f32
    %mul3A_21 = vector.broadcast %mul3A_20 : f32 to vector<1024x2048xf32>
    %mul3A_22 = arith.mulf %mul3A_21, %dot_general3A_19 : vector<1024x2048xf32>
    %sub3A = arith.subf %add3A_18, %mul3A_22 : vector<1024x2048xf32>
    %iota3A = tpu.iota {dimensions = array<i32: 1>} : vector<1024x2048xi32>
    %max3A = arith.constant 0.000000e+00 : f32
    %max3A_23 = vector.broadcast %max3A : f32 to vector<1024x2048xf32>
    %max3A_24 = arith.maximumf %sub3A, %max3A_23 : vector<1024x2048xf32>
    %bitcast_convert_type3A = tpu.bitcast %max3A_24 : vector<1024x2048xf32> -> vector<1024x2048xi32>
    %and3A = arith.constant -2048 : i32
    %and3A_25 = vector.broadcast %and3A : i32 to vector<1024x2048xi32>
    %and3A_26 = arith.andi %bitcast_convert_type3A, %and3A_25 : vector<1024x2048xi32>
    %or3A = arith.ori %and3A_26, %iota3A : vector<1024x2048xi32>
    %broadcast_in_dim3A_27 = arith.constant -1 : i32
    %broadcast_in_dim3A_28 = vector.broadcast %broadcast_in_dim3A_27 : i32 to vector<1024x1xi32>
    %add3A_29 = arith.constant -2147483648 : i32
    %add3A_30 = arith.constant 1 : i32
    %add3A_31 = arith.addi %add3A_29, %add3A_30 : i32
    %add3A_32 = vector.broadcast %add3A_31 : i32 to vector<1024x1xi32>
    %add3A_33 = arith.addi %broadcast_in_dim3A_28, %add3A_32 : vector<1024x1xi32>
    %sub3A_34 = vector.broadcast %add3A_33 : vector<1024x1xi32> to vector<1024x2048xi32>
    %sub3A_35 = arith.subi %or3A, %sub3A_34 : vector<1024x2048xi32>
    %reduce_min3A = arith.constant dense<2147483647> : vector<1024xi32>
    %reduce_min3A_36 = vector.multi_reduction <minsi>, %sub3A_35, %reduce_min3A [1] : vector<1024x2048xi32> to vector<1024xi32>
    %broadcast_in_dim3A_37 = vector.shape_cast %reduce_min3A_36 : vector<1024xi32> to vector<1024x1xi32>
    %add3A_38 = arith.addi %broadcast_in_dim3A_37, %add3A_33 : vector<1024x1xi32>
    %and3A_39 = arith.constant 2047 : i32
    %and3A_40 = vector.broadcast %and3A_39 : i32 to vector<1024x1xi32>
    %and3A_41 = arith.andi %add3A_38, %and3A_40 : vector<1024x1xi32>
    %add3A_42 = arith.constant -2147483648 : i32
    %add3A_43 = arith.constant 1 : i32
    %add3A_44 = arith.addi %add3A_42, %add3A_43 : i32
    %add3A_45 = vector.broadcast %add3A_44 : i32 to vector<1024x1xi32>
    %add3A_46 = arith.addi %add3A_38, %add3A_45 : vector<1024x1xi32>
    %sub3A_47 = vector.broadcast %add3A_46 : vector<1024x1xi32> to vector<1024x2048xi32>
    %sub3A_48 = arith.subi %or3A, %sub3A_47 : vector<1024x2048xi32>
    %reduce_min3A_49 = arith.constant dense<2147483647> : vector<1024xi32>
    %reduce_min3A_50 = vector.multi_reduction <minsi>, %sub3A_48, %reduce_min3A_49 [1] : vector<1024x2048xi32> to vector<1024xi32>
    %broadcast_in_dim3A_51 = vector.shape_cast %reduce_min3A_50 : vector<1024xi32> to vector<1024x1xi32>
    %add3A_52 = arith.addi %broadcast_in_dim3A_51, %add3A_46 : vector<1024x1xi32>
    %and3A_53 = arith.constant 2047 : i32
    %and3A_54 = vector.broadcast %and3A_53 : i32 to vector<1024x1xi32>
    %and3A_55 = arith.andi %add3A_52, %and3A_54 : vector<1024x1xi32>
    %add3A_56 = arith.constant -2147483648 : i32
    %add3A_57 = arith.constant 1 : i32
    %add3A_58 = arith.addi %add3A_56, %add3A_57 : i32
    %add3A_59 = vector.broadcast %add3A_58 : i32 to vector<1024x1xi32>
    %add3A_60 = arith.addi %add3A_52, %add3A_59 : vector<1024x1xi32>
    %sub3A_61 = vector.broadcast %add3A_60 : vector<1024x1xi32> to vector<1024x2048xi32>
    %sub3A_62 = arith.subi %or3A, %sub3A_61 : vector<1024x2048xi32>
    %reduce_min3A_63 = arith.constant dense<2147483647> : vector<1024xi32>
    %reduce_min3A_64 = vector.multi_reduction <minsi>, %sub3A_62, %reduce_min3A_63 [1] : vector<1024x2048xi32> to vector<1024xi32>
    %broadcast_in_dim3A_65 = vector.shape_cast %reduce_min3A_64 : vector<1024xi32> to vector<1024x1xi32>
    %add3A_66 = arith.addi %broadcast_in_dim3A_65, %add3A_60 : vector<1024x1xi32>
    %and3A_67 = arith.constant 2047 : i32
    %and3A_68 = vector.broadcast %and3A_67 : i32 to vector<1024x1xi32>
    %and3A_69 = arith.andi %add3A_66, %and3A_68 : vector<1024x1xi32>
    %add3A_70 = arith.constant -2147483648 : i32
    %add3A_71 = arith.constant 1 : i32
    %add3A_72 = arith.addi %add3A_70, %add3A_71 : i32
    %add3A_73 = vector.broadcast %add3A_72 : i32 to vector<1024x1xi32>
    %add3A_74 = arith.addi %add3A_66, %add3A_73 : vector<1024x1xi32>
    %sub3A_75 = vector.broadcast %add3A_74 : vector<1024x1xi32> to vector<1024x2048xi32>
    %sub3A_76 = arith.subi %or3A, %sub3A_75 : vector<1024x2048xi32>
    %reduce_min3A_77 = arith.constant dense<2147483647> : vector<1024xi32>
    %reduce_min3A_78 = vector.multi_reduction <minsi>, %sub3A_76, %reduce_min3A_77 [1] : vector<1024x2048xi32> to vector<1024xi32>
    %broadcast_in_dim3A_79 = vector.shape_cast %reduce_min3A_78 : vector<1024xi32> to vector<1024x1xi32>
    %add3A_80 = arith.addi %broadcast_in_dim3A_79, %add3A_74 : vector<1024x1xi32>
    %and3A_81 = arith.constant 2047 : i32
    %and3A_82 = vector.broadcast %and3A_81 : i32 to vector<1024x1xi32>
    %and3A_83 = arith.andi %add3A_80, %and3A_82 : vector<1024x1xi32>
    %add3A_84 = arith.constant -2147483648 : i32
    %add3A_85 = arith.constant 1 : i32
    %add3A_86 = arith.addi %add3A_84, %add3A_85 : i32
    %add3A_87 = vector.broadcast %add3A_86 : i32 to vector<1024x1xi32>
    %add3A_88 = arith.addi %add3A_80, %add3A_87 : vector<1024x1xi32>
    %sub3A_89 = vector.broadcast %add3A_88 : vector<1024x1xi32> to vector<1024x2048xi32>
    %sub3A_90 = arith.subi %or3A, %sub3A_89 : vector<1024x2048xi32>
    %reduce_min3A_91 = arith.constant dense<2147483647> : vector<1024xi32>
    %reduce_min3A_92 = vector.multi_reduction <minsi>, %sub3A_90, %reduce_min3A_91 [1] : vector<1024x2048xi32> to vector<1024xi32>
    %broadcast_in_dim3A_93 = vector.shape_cast %reduce_min3A_92 : vector<1024xi32> to vector<1024x1xi32>
    %add3A_94 = arith.addi %broadcast_in_dim3A_93, %add3A_88 : vector<1024x1xi32>
    %and3A_95 = arith.constant 2047 : i32
    %and3A_96 = vector.broadcast %and3A_95 : i32 to vector<1024x1xi32>
    %and3A_97 = arith.andi %add3A_94, %and3A_96 : vector<1024x1xi32>
    %add3A_98 = arith.constant -2147483648 : i32
    %add3A_99 = arith.constant 1 : i32
    %add3A_100 = arith.addi %add3A_98, %add3A_99 : i32
    %add3A_101 = vector.broadcast %add3A_100 : i32 to vector<1024x1xi32>
    %add3A_102 = arith.addi %add3A_94, %add3A_101 : vector<1024x1xi32>
    %sub3A_103 = vector.broadcast %add3A_102 : vector<1024x1xi32> to vector<1024x2048xi32>
    %sub3A_104 = arith.subi %or3A, %sub3A_103 : vector<1024x2048xi32>
    %reduce_min3A_105 = arith.constant dense<2147483647> : vector<1024xi32>
    %reduce_min3A_106 = vector.multi_reduction <minsi>, %sub3A_104, %reduce_min3A_105 [1] : vector<1024x2048xi32> to vector<1024xi32>
    %broadcast_in_dim3A_107 = vector.shape_cast %reduce_min3A_106 : vector<1024xi32> to vector<1024x1xi32>
    %add3A_108 = arith.addi %broadcast_in_dim3A_107, %add3A_102 : vector<1024x1xi32>
    %and3A_109 = arith.constant 2047 : i32
    %and3A_110 = vector.broadcast %and3A_109 : i32 to vector<1024x1xi32>
    %and3A_111 = arith.andi %add3A_108, %and3A_110 : vector<1024x1xi32>
    %add3A_112 = arith.constant -2147483648 : i32
    %add3A_113 = arith.constant 1 : i32
    %add3A_114 = arith.addi %add3A_112, %add3A_113 : i32
    %add3A_115 = vector.broadcast %add3A_114 : i32 to vector<1024x1xi32>
    %add3A_116 = arith.addi %add3A_108, %add3A_115 : vector<1024x1xi32>
    %sub3A_117 = vector.broadcast %add3A_116 : vector<1024x1xi32> to vector<1024x2048xi32>
    %sub3A_118 = arith.subi %or3A, %sub3A_117 : vector<1024x2048xi32>
    %reduce_min3A_119 = arith.constant dense<2147483647> : vector<1024xi32>
    %reduce_min3A_120 = vector.multi_reduction <minsi>, %sub3A_118, %reduce_min3A_119 [1] : vector<1024x2048xi32> to vector<1024xi32>
    %broadcast_in_dim3A_121 = vector.shape_cast %reduce_min3A_120 : vector<1024xi32> to vector<1024x1xi32>
    %add3A_122 = arith.addi %broadcast_in_dim3A_121, %add3A_116 : vector<1024x1xi32>
    %and3A_123 = arith.constant 2047 : i32
    %and3A_124 = vector.broadcast %and3A_123 : i32 to vector<1024x1xi32>
    %and3A_125 = arith.andi %add3A_122, %and3A_124 : vector<1024x1xi32>
    %add3A_126 = arith.constant -2147483648 : i32
    %add3A_127 = arith.constant 1 : i32
    %add3A_128 = arith.addi %add3A_126, %add3A_127 : i32
    %add3A_129 = vector.broadcast %add3A_128 : i32 to vector<1024x1xi32>
    %add3A_130 = arith.addi %add3A_122, %add3A_129 : vector<1024x1xi32>
    %sub3A_131 = vector.broadcast %add3A_130 : vector<1024x1xi32> to vector<1024x2048xi32>
    %sub3A_132 = arith.subi %or3A, %sub3A_131 : vector<1024x2048xi32>
    %reduce_min3A_133 = arith.constant dense<2147483647> : vector<1024xi32>
    %reduce_min3A_134 = vector.multi_reduction <minsi>, %sub3A_132, %reduce_min3A_133 [1] : vector<1024x2048xi32> to vector<1024xi32>
    %broadcast_in_dim3A_135 = vector.shape_cast %reduce_min3A_134 : vector<1024xi32> to vector<1024x1xi32>
    %add3A_136 = arith.addi %broadcast_in_dim3A_135, %add3A_130 : vector<1024x1xi32>
    %and3A_137 = arith.constant 2047 : i32
    %and3A_138 = vector.broadcast %and3A_137 : i32 to vector<1024x1xi32>
    %and3A_139 = arith.andi %add3A_136, %and3A_138 : vector<1024x1xi32>
    %add3A_140 = arith.constant -2147483648 : i32
    %add3A_141 = arith.constant 1 : i32
    %add3A_142 = arith.addi %add3A_140, %add3A_141 : i32
    %add3A_143 = vector.broadcast %add3A_142 : i32 to vector<1024x1xi32>
    %add3A_144 = arith.addi %add3A_136, %add3A_143 : vector<1024x1xi32>
    %sub3A_145 = vector.broadcast %add3A_144 : vector<1024x1xi32> to vector<1024x2048xi32>
    %sub3A_146 = arith.subi %or3A, %sub3A_145 : vector<1024x2048xi32>
    %reduce_min3A_147 = arith.constant dense<2147483647> : vector<1024xi32>
    %reduce_min3A_148 = vector.multi_reduction <minsi>, %sub3A_146, %reduce_min3A_147 [1] : vector<1024x2048xi32> to vector<1024xi32>
    %broadcast_in_dim3A_149 = vector.shape_cast %reduce_min3A_148 : vector<1024xi32> to vector<1024x1xi32>
    %add3A_150 = arith.addi %broadcast_in_dim3A_149, %add3A_144 : vector<1024x1xi32>
    %and3A_151 = arith.constant 2047 : i32
    %and3A_152 = vector.broadcast %and3A_151 : i32 to vector<1024x1xi32>
    %and3A_153 = arith.andi %add3A_150, %and3A_152 : vector<1024x1xi32>
    %add3A_154 = arith.constant -2147483648 : i32
    %add3A_155 = arith.constant 1 : i32
    %add3A_156 = arith.addi %add3A_154, %add3A_155 : i32
    %add3A_157 = vector.broadcast %add3A_156 : i32 to vector<1024x1xi32>
    %add3A_158 = arith.addi %add3A_150, %add3A_157 : vector<1024x1xi32>
    %sub3A_159 = vector.broadcast %add3A_158 : vector<1024x1xi32> to vector<1024x2048xi32>
    %sub3A_160 = arith.subi %or3A, %sub3A_159 : vector<1024x2048xi32>
    %reduce_min3A_161 = arith.constant dense<2147483647> : vector<1024xi32>
    %reduce_min3A_162 = vector.multi_reduction <minsi>, %sub3A_160, %reduce_min3A_161 [1] : vector<1024x2048xi32> to vector<1024xi32>
    %broadcast_in_dim3A_163 = vector.shape_cast %reduce_min3A_162 : vector<1024xi32> to vector<1024x1xi32>
    %add3A_164 = arith.addi %broadcast_in_dim3A_163, %add3A_158 : vector<1024x1xi32>
    %and3A_165 = arith.constant 2047 : i32
    %and3A_166 = vector.broadcast %and3A_165 : i32 to vector<1024x1xi32>
    %and3A_167 = arith.andi %add3A_164, %and3A_166 : vector<1024x1xi32>
    %add3A_168 = arith.constant -2147483648 : i32
    %add3A_169 = arith.constant 1 : i32
    %add3A_170 = arith.addi %add3A_168, %add3A_169 : i32
    %add3A_171 = vector.broadcast %add3A_170 : i32 to vector<1024x1xi32>
    %add3A_172 = arith.addi %add3A_164, %add3A_171 : vector<1024x1xi32>
    %sub3A_173 = vector.broadcast %add3A_172 : vector<1024x1xi32> to vector<1024x2048xi32>
    %sub3A_174 = arith.subi %or3A, %sub3A_173 : vector<1024x2048xi32>
    %reduce_min3A_175 = arith.constant dense<2147483647> : vector<1024xi32>
    %reduce_min3A_176 = vector.multi_reduction <minsi>, %sub3A_174, %reduce_min3A_175 [1] : vector<1024x2048xi32> to vector<1024xi32>
    %broadcast_in_dim3A_177 = vector.shape_cast %reduce_min3A_176 : vector<1024xi32> to vector<1024x1xi32>
    %add3A_178 = arith.addi %broadcast_in_dim3A_177, %add3A_172 : vector<1024x1xi32>
    %and3A_179 = arith.constant 2047 : i32
    %and3A_180 = vector.broadcast %and3A_179 : i32 to vector<1024x1xi32>
    %and3A_181 = arith.andi %add3A_178, %and3A_180 : vector<1024x1xi32>
    %add3A_182 = arith.constant -2147483648 : i32
    %add3A_183 = arith.constant 1 : i32
    %add3A_184 = arith.addi %add3A_182, %add3A_183 : i32
    %add3A_185 = vector.broadcast %add3A_184 : i32 to vector<1024x1xi32>
    %add3A_186 = arith.addi %add3A_178, %add3A_185 : vector<1024x1xi32>
    %sub3A_187 = vector.broadcast %add3A_186 : vector<1024x1xi32> to vector<1024x2048xi32>
    %sub3A_188 = arith.subi %or3A, %sub3A_187 : vector<1024x2048xi32>
    %reduce_min3A_189 = arith.constant dense<2147483647> : vector<1024xi32>
    %reduce_min3A_190 = vector.multi_reduction <minsi>, %sub3A_188, %reduce_min3A_189 [1] : vector<1024x2048xi32> to vector<1024xi32>
    %broadcast_in_dim3A_191 = vector.shape_cast %reduce_min3A_190 : vector<1024xi32> to vector<1024x1xi32>
    %add3A_192 = arith.addi %broadcast_in_dim3A_191, %add3A_186 : vector<1024x1xi32>
    %and3A_193 = arith.constant 2047 : i32
    %and3A_194 = vector.broadcast %and3A_193 : i32 to vector<1024x1xi32>
    %and3A_195 = arith.andi %add3A_192, %and3A_194 : vector<1024x1xi32>
    %add3A_196 = arith.constant -2147483648 : i32
    %add3A_197 = arith.constant 1 : i32
    %add3A_198 = arith.addi %add3A_196, %add3A_197 : i32
    %add3A_199 = vector.broadcast %add3A_198 : i32 to vector<1024x1xi32>
    %add3A_200 = arith.addi %add3A_192, %add3A_199 : vector<1024x1xi32>
    %sub3A_201 = vector.broadcast %add3A_200 : vector<1024x1xi32> to vector<1024x2048xi32>
    %sub3A_202 = arith.subi %or3A, %sub3A_201 : vector<1024x2048xi32>
    %reduce_min3A_203 = arith.constant dense<2147483647> : vector<1024xi32>
    %reduce_min3A_204 = vector.multi_reduction <minsi>, %sub3A_202, %reduce_min3A_203 [1] : vector<1024x2048xi32> to vector<1024xi32>
    %broadcast_in_dim3A_205 = vector.shape_cast %reduce_min3A_204 : vector<1024xi32> to vector<1024x1xi32>
    %add3A_206 = arith.addi %broadcast_in_dim3A_205, %add3A_200 : vector<1024x1xi32>
    %and3A_207 = arith.constant 2047 : i32
    %and3A_208 = vector.broadcast %and3A_207 : i32 to vector<1024x1xi32>
    %and3A_209 = arith.andi %add3A_206, %and3A_208 : vector<1024x1xi32>
    %add3A_210 = arith.constant -2147483648 : i32
    %add3A_211 = arith.constant 1 : i32
    %add3A_212 = arith.addi %add3A_210, %add3A_211 : i32
    %add3A_213 = vector.broadcast %add3A_212 : i32 to vector<1024x1xi32>
    %add3A_214 = arith.addi %add3A_206, %add3A_213 : vector<1024x1xi32>
    %sub3A_215 = vector.broadcast %add3A_214 : vector<1024x1xi32> to vector<1024x2048xi32>
    %sub3A_216 = arith.subi %or3A, %sub3A_215 : vector<1024x2048xi32>
    %reduce_min3A_217 = arith.constant dense<2147483647> : vector<1024xi32>
    %reduce_min3A_218 = vector.multi_reduction <minsi>, %sub3A_216, %reduce_min3A_217 [1] : vector<1024x2048xi32> to vector<1024xi32>
    %broadcast_in_dim3A_219 = vector.shape_cast %reduce_min3A_218 : vector<1024xi32> to vector<1024x1xi32>
    %add3A_220 = arith.addi %broadcast_in_dim3A_219, %add3A_214 : vector<1024x1xi32>
    %and3A_221 = arith.constant 2047 : i32
    %and3A_222 = vector.broadcast %and3A_221 : i32 to vector<1024x1xi32>
    %and3A_223 = arith.andi %add3A_220, %and3A_222 : vector<1024x1xi32>
    %add3A_224 = arith.constant -2147483648 : i32
    %add3A_225 = arith.constant 1 : i32
    %add3A_226 = arith.addi %add3A_224, %add3A_225 : i32
    %add3A_227 = vector.broadcast %add3A_226 : i32 to vector<1024x1xi32>
    %add3A_228 = arith.addi %add3A_220, %add3A_227 : vector<1024x1xi32>
    %sub3A_229 = vector.broadcast %add3A_228 : vector<1024x1xi32> to vector<1024x2048xi32>
    %sub3A_230 = arith.subi %or3A, %sub3A_229 : vector<1024x2048xi32>
    %reduce_min3A_231 = arith.constant dense<2147483647> : vector<1024xi32>
    %reduce_min3A_232 = vector.multi_reduction <minsi>, %sub3A_230, %reduce_min3A_231 [1] : vector<1024x2048xi32> to vector<1024xi32>
    %broadcast_in_dim3A_233 = vector.shape_cast %reduce_min3A_232 : vector<1024xi32> to vector<1024x1xi32>
    %add3A_234 = arith.addi %broadcast_in_dim3A_233, %add3A_228 : vector<1024x1xi32>
    %and3A_235 = arith.constant 2047 : i32
    %and3A_236 = vector.broadcast %and3A_235 : i32 to vector<1024x1xi32>
    %and3A_237 = arith.andi %add3A_234, %and3A_236 : vector<1024x1xi32>
    %add3A_238 = arith.constant -2147483648 : i32
    %add3A_239 = arith.constant 1 : i32
    %add3A_240 = arith.addi %add3A_238, %add3A_239 : i32
    %add3A_241 = vector.broadcast %add3A_240 : i32 to vector<1024x1xi32>
    %add3A_242 = arith.addi %add3A_234, %add3A_241 : vector<1024x1xi32>
    %sub3A_243 = vector.broadcast %add3A_242 : vector<1024x1xi32> to vector<1024x2048xi32>
    %sub3A_244 = arith.subi %or3A, %sub3A_243 : vector<1024x2048xi32>
    %reduce_min3A_245 = arith.constant dense<2147483647> : vector<1024xi32>
    %reduce_min3A_246 = vector.multi_reduction <minsi>, %sub3A_244, %reduce_min3A_245 [1] : vector<1024x2048xi32> to vector<1024xi32>
    %broadcast_in_dim3A_247 = vector.shape_cast %reduce_min3A_246 : vector<1024xi32> to vector<1024x1xi32>
    %add3A_248 = arith.addi %broadcast_in_dim3A_247, %add3A_242 : vector<1024x1xi32>
    %and3A_249 = arith.constant 2047 : i32
    %and3A_250 = vector.broadcast %and3A_249 : i32 to vector<1024x1xi32>
    %and3A_251 = arith.andi %add3A_248, %and3A_250 : vector<1024x1xi32>
    %add3A_252 = arith.constant -2147483648 : i32
    %add3A_253 = arith.constant 1 : i32
    %add3A_254 = arith.addi %add3A_252, %add3A_253 : i32
    %add3A_255 = vector.broadcast %add3A_254 : i32 to vector<1024x1xi32>
    %add3A_256 = arith.addi %add3A_248, %add3A_255 : vector<1024x1xi32>
    %sub3A_257 = vector.broadcast %add3A_256 : vector<1024x1xi32> to vector<1024x2048xi32>
    %sub3A_258 = arith.subi %or3A, %sub3A_257 : vector<1024x2048xi32>
    %reduce_min3A_259 = arith.constant dense<2147483647> : vector<1024xi32>
    %reduce_min3A_260 = vector.multi_reduction <minsi>, %sub3A_258, %reduce_min3A_259 [1] : vector<1024x2048xi32> to vector<1024xi32>
    %broadcast_in_dim3A_261 = vector.shape_cast %reduce_min3A_260 : vector<1024xi32> to vector<1024x1xi32>
    %add3A_262 = arith.addi %broadcast_in_dim3A_261, %add3A_256 : vector<1024x1xi32>
    %and3A_263 = arith.constant 2047 : i32
    %and3A_264 = vector.broadcast %and3A_263 : i32 to vector<1024x1xi32>
    %and3A_265 = arith.andi %add3A_262, %and3A_264 : vector<1024x1xi32>
    %add3A_266 = arith.constant -2147483648 : i32
    %add3A_267 = arith.constant 1 : i32
    %add3A_268 = arith.addi %add3A_266, %add3A_267 : i32
    %add3A_269 = vector.broadcast %add3A_268 : i32 to vector<1024x1xi32>
    %add3A_270 = arith.addi %add3A_262, %add3A_269 : vector<1024x1xi32>
    %sub3A_271 = vector.broadcast %add3A_270 : vector<1024x1xi32> to vector<1024x2048xi32>
    %sub3A_272 = arith.subi %or3A, %sub3A_271 : vector<1024x2048xi32>
    %reduce_min3A_273 = arith.constant dense<2147483647> : vector<1024xi32>
    %reduce_min3A_274 = vector.multi_reduction <minsi>, %sub3A_272, %reduce_min3A_273 [1] : vector<1024x2048xi32> to vector<1024xi32>
    %broadcast_in_dim3A_275 = vector.shape_cast %reduce_min3A_274 : vector<1024xi32> to vector<1024x1xi32>
    %add3A_276 = arith.addi %broadcast_in_dim3A_275, %add3A_270 : vector<1024x1xi32>
    %and3A_277 = arith.constant 2047 : i32
    %and3A_278 = vector.broadcast %and3A_277 : i32 to vector<1024x1xi32>
    %and3A_279 = arith.andi %add3A_276, %and3A_278 : vector<1024x1xi32>
    %add3A_280 = arith.constant -2147483648 : i32
    %add3A_281 = arith.constant 1 : i32
    %add3A_282 = arith.addi %add3A_280, %add3A_281 : i32
    %add3A_283 = vector.broadcast %add3A_282 : i32 to vector<1024x1xi32>
    %add3A_284 = arith.addi %add3A_276, %add3A_283 : vector<1024x1xi32>
    %sub3A_285 = vector.broadcast %add3A_284 : vector<1024x1xi32> to vector<1024x2048xi32>
    %sub3A_286 = arith.subi %or3A, %sub3A_285 : vector<1024x2048xi32>
    %reduce_min3A_287 = arith.constant dense<2147483647> : vector<1024xi32>
    %reduce_min3A_288 = vector.multi_reduction <minsi>, %sub3A_286, %reduce_min3A_287 [1] : vector<1024x2048xi32> to vector<1024xi32>
    %broadcast_in_dim3A_289 = vector.shape_cast %reduce_min3A_288 : vector<1024xi32> to vector<1024x1xi32>
    %add3A_290 = arith.addi %broadcast_in_dim3A_289, %add3A_284 : vector<1024x1xi32>
    %and3A_291 = arith.constant 2047 : i32
    %and3A_292 = vector.broadcast %and3A_291 : i32 to vector<1024x1xi32>
    %and3A_293 = arith.andi %add3A_290, %and3A_292 : vector<1024x1xi32>
    %add3A_294 = arith.constant -2147483648 : i32
    %add3A_295 = arith.constant 1 : i32
    %add3A_296 = arith.addi %add3A_294, %add3A_295 : i32
    %add3A_297 = vector.broadcast %add3A_296 : i32 to vector<1024x1xi32>
    %add3A_298 = arith.addi %add3A_290, %add3A_297 : vector<1024x1xi32>
    %sub3A_299 = vector.broadcast %add3A_298 : vector<1024x1xi32> to vector<1024x2048xi32>
    %sub3A_300 = arith.subi %or3A, %sub3A_299 : vector<1024x2048xi32>
    %reduce_min3A_301 = arith.constant dense<2147483647> : vector<1024xi32>
    %reduce_min3A_302 = vector.multi_reduction <minsi>, %sub3A_300, %reduce_min3A_301 [1] : vector<1024x2048xi32> to vector<1024xi32>
    %broadcast_in_dim3A_303 = vector.shape_cast %reduce_min3A_302 : vector<1024xi32> to vector<1024x1xi32>
    %add3A_304 = arith.addi %broadcast_in_dim3A_303, %add3A_298 : vector<1024x1xi32>
    %and3A_305 = arith.constant 2047 : i32
    %and3A_306 = vector.broadcast %and3A_305 : i32 to vector<1024x1xi32>
    %and3A_307 = arith.andi %add3A_304, %and3A_306 : vector<1024x1xi32>
    %concatenate3A = tpu.concatenate %and3A_41, %and3A_55, %and3A_69, %and3A_83, %and3A_97, %and3A_111, %and3A_125, %and3A_139, %and3A_153, %and3A_167, %and3A_181, %and3A_195, %and3A_209, %and3A_223, %and3A_237, %and3A_251, %and3A_265, %and3A_279, %and3A_293, %and3A_307 in 1 : vector<1024x1xi32>, vector<1024x1xi32>, vector<1024x1xi32>, vector<1024x1xi32>, vector<1024x1xi32>, vector<1024x1xi32>, vector<1024x1xi32>, vector<1024x1xi32>, vector<1024x1xi32>, vector<1024x1xi32>, vector<1024x1xi32>, vector<1024x1xi32>, vector<1024x1xi32>, vector<1024x1xi32>, vector<1024x1xi32>, vector<1024x1xi32>, vector<1024x1xi32>, vector<1024x1xi32>, vector<1024x1xi32>, vector<1024x1xi32> -> vector<1024x20xi32>
    %mul3A_308 = arith.constant 2048 : i32
    %mul3A_309 = arith.muli %arg0, %mul3A_308 : i32
    %add3A_310 = vector.broadcast %mul3A_309 : i32 to vector<1024x20xi32>
    %add3A_311 = arith.addi %concatenate3A, %add3A_310 : vector<1024x20xi32>
    %swap3A_312 = arith.constant 0 : index
    %swap3A_313 = arith.constant 0 : index
    %swap3A_314 = arith.constant 0 : index
    %swap3A_315 = vector.load %arg4[%swap3A_312, %swap3A_313, %swap3A_314] : memref<1x1024x20xi32, #tpu.memory_space<vmem>>, vector<1x1024x20xi32>
    %swap3A_316 = vector.shape_cast %swap3A_315 : vector<1x1024x20xi32> to vector<1024x20xi32>
    %swap3A_317 = vector.shape_cast %add3A_311 : vector<1024x20xi32> to vector<1x1024x20xi32>
    tpu.vector_store %arg4[%swap3A_312, %swap3A_313, %swap3A_314], %swap3A_317 {strides = array<i32>} : memref<1x1024x20xi32, #tpu.memory_space<vmem>>, vector<1x1024x20xi32>,
    return
  }
  func.func @transform_0(%arg0: i32, %arg1: i32) -> (i32, i32, i32) {
    %c0_i32 = arith.constant 0 : i32
    %c0_i32_0 = arith.constant 0 : i32
    return %arg0, %arg1, %c0_i32 : i32, i32, i32
  }
  func.func @transform_1(%arg0: i32, %arg1: i32) -> (i32, i32, i32) {
    %c0_i32 = arith.constant 0 : i32
    %c0_i32_0 = arith.constant 0 : i32
    %c0_i32_1 = arith.constant 0 : i32
    return %arg0, %c0_i32, %c0_i32_0 : i32, i32, i32
  }
  func.func @transform_2(%arg0: i32, %arg1: i32) -> (i32, i32, i32) {
    %c0_i32 = arith.constant 0 : i32
    %c0_i32_0 = arith.constant 0 : i32
    return %arg0, %arg1, %c0_i32 : i32, i32, i32
  }
  func.func @transform_3(%arg0: i32, %arg1: i32) -> (i32, i32) {
    %mul3A = arith.constant 2 : i32
    %mul3A_0 = arith.muli %arg0, %mul3A : i32
    %add3A = arith.addi %mul3A_0, %arg1 : i32
    %c0_i32 = arith.constant 0 : i32
    %c0_i32_1 = arith.constant 0 : i32
    return %add3A, %c0_i32 : i32, i32
  }
}

module attributes {stable_mosaic.version = 14 : i64} {
  func.func @_prep_body(%arg0: memref<60x30xf32, #tpu.memory_space<vmem>>, %arg1: memref<600x40xf32, #tpu.memory_space<vmem>>, %arg2: memref<320x32xf32, #tpu.memory_space<vmem>>, %arg3: memref<640x40xf32, #tpu.memory_space<vmem>>) attributes {dimension_semantics = [], scalar_prefetch = 0 : i64, scratch_operands = 0 : i64, tpu.core_type = #tpu.core_type<tc>} {
    %get3A = arith.constant 0 : index
    %get3A_0 = arith.constant 0 : index
    %get3A_1 = vector.load %arg0[%get3A, %get3A_0] : memref<60x30xf32, #tpu.memory_space<vmem>>, vector<60x30xf32>
    %reduce_max3A = arith.constant dense<0xFF800000> : vector<30xf32>
    %reduce_max3A_2 = vector.multi_reduction <maximumf>, %get3A_1, %reduce_max3A [0] : vector<60x30xf32> to vector<30xf32>
    %broadcast_in_dim3A = vector.shape_cast %reduce_max3A_2 : vector<30xf32> to vector<1x30xf32>
    %sub3A = vector.broadcast %broadcast_in_dim3A : vector<1x30xf32> to vector<60x30xf32>
    %sub3A_3 = arith.subf %get3A_1, %sub3A : vector<60x30xf32>
    %exp3A = math.exp %sub3A_3 : vector<60x30xf32>
    %reduce_sum3A = arith.constant dense<0.000000e+00> : vector<30xf32>
    %reduce_sum3A_4 = vector.multi_reduction <add>, %exp3A, %reduce_sum3A [0] : vector<60x30xf32> to vector<30xf32>
    %broadcast_in_dim3A_5 = vector.shape_cast %reduce_sum3A_4 : vector<30xf32> to vector<1x30xf32>
    %div3A = vector.broadcast %broadcast_in_dim3A_5 : vector<1x30xf32> to vector<60x30xf32>
    %div3A_6 = arith.divf %exp3A, %div3A : vector<60x30xf32>
    %jit3A = arith.constant 0 : i32
    %convert_element_type3A = arith.sitofp %jit3A : i32 to f32
    %pad3A = vector.broadcast %convert_element_type3A : f32 to vector<60x2xf32>
    %pad3A_7 = tpu.concatenate %div3A_6, %pad3A in 1 : vector<60x30xf32>, vector<60x2xf32> -> vector<60x32xf32>
    %iota3A = tpu.iota {dimensions = array<i32: 0>} : vector<320x60xi32>
    %iota3A_8 = tpu.iota {dimensions = array<i32: 1>} : vector<320x60xi32>
    %jit3A_9 = arith.constant 16 : i32
    %div3A_10 = vector.broadcast %jit3A_9 : i32 to vector<320x60xi32>
    %div3A_11 = arith.divsi %iota3A, %div3A_10 : vector<320x60xi32>
    %sign3A = arith.constant 0 : i32
    %sign3A_12 = vector.broadcast %sign3A : i32 to vector<320x60xi32>
    %sign3A_13 = arith.cmpi sgt, %iota3A, %sign3A_12 : vector<320x60xi32>
    %sign3A_14 = arith.extui %sign3A_13 : vector<320x60xi1> to vector<320x60xi32>
    %sign3A_15 = arith.constant 0 : i32
    %sign3A_16 = vector.broadcast %sign3A_15 : i32 to vector<320x60xi32>
    %sign3A_17 = arith.cmpi slt, %iota3A, %sign3A_16 : vector<320x60xi32>
    %sign3A_18 = arith.extui %sign3A_17 : vector<320x60xi1> to vector<320x60xi32>
    %sign3A_19 = arith.subi %sign3A_14, %sign3A_18 : vector<320x60xi32>
    %sign3A_20 = arith.constant 0 : i32
    %sign3A_21 = arith.cmpi sgt, %jit3A_9, %sign3A_20 : i32
    %sign3A_22 = arith.extui %sign3A_21 : i1 to i32
    %sign3A_23 = arith.constant 0 : i32
    %sign3A_24 = arith.cmpi slt, %jit3A_9, %sign3A_23 : i32
    %sign3A_25 = arith.extui %sign3A_24 : i1 to i32
    %sign3A_26 = arith.subi %sign3A_22, %sign3A_25 : i32
    %ne3A = vector.broadcast %sign3A_26 : i32 to vector<320x60xi32>
    %ne3A_27 = arith.cmpi ne, %sign3A_19, %ne3A : vector<320x60xi32>
    %rem3A = vector.broadcast %jit3A_9 : i32 to vector<320x60xi32>
    %rem3A_28 = arith.remsi %iota3A, %rem3A : vector<320x60xi32>
    %ne3A_29 = arith.constant 0 : i32
    %ne3A_30 = vector.broadcast %ne3A_29 : i32 to vector<320x60xi32>
    %ne3A_31 = arith.cmpi ne, %rem3A_28, %ne3A_30 : vector<320x60xi32>
    %and3A = arith.andi %ne3A_27, %ne3A_31 : vector<320x60xi1>
    %sub3A_32 = arith.constant 1 : i32
    %sub3A_33 = vector.broadcast %sub3A_32 : i32 to vector<320x60xi32>
    %sub3A_34 = arith.subi %div3A_11, %sub3A_33 : vector<320x60xi32>
    %select_n3A = arith.select %and3A, %sub3A_34, %div3A_11 : vector<320x60xi1>, vector<320x60xi32>
    %jit3A_35 = arith.constant 16 : i32
    %eq3A = arith.constant 0 : i32
    %eq3A_36 = arith.cmpi eq, %jit3A_35, %eq3A : i32
    %jit3A_37 = arith.constant 1 : i32
    %select_n3A_38 = arith.select %eq3A_36, %jit3A_37, %jit3A_35 : i32
    %rem3A_39 = vector.broadcast %select_n3A_38 : i32 to vector<320x60xi32>
    %rem3A_40 = arith.remsi %iota3A, %rem3A_39 : vector<320x60xi32>
    %ne3A_41 = arith.constant 0 : i32
    %ne3A_42 = vector.broadcast %ne3A_41 : i32 to vector<320x60xi32>
    %ne3A_43 = arith.cmpi ne, %rem3A_40, %ne3A_42 : vector<320x60xi32>
    %lt3A = arith.constant 0 : i32
    %lt3A_44 = vector.broadcast %lt3A : i32 to vector<320x60xi32>
    %lt3A_45 = arith.cmpi slt, %rem3A_40, %lt3A_44 : vector<320x60xi32>
    %lt3A_46 = arith.constant 0 : i32
    %lt3A_47 = arith.cmpi slt, %select_n3A_38, %lt3A_46 : i32
    %ne3A_48 = vector.broadcast %lt3A_47 : i1 to vector<320x60xi1>
    %ne3A_49 = vector.broadcast %ne3A_48 : vector<320x60xi1> to vector<320x60xi1>
    %ne3A_50 = arith.xori %lt3A_45, %ne3A_49 : vector<320x60xi1>
    %and3A_51 = arith.andi %ne3A_50, %ne3A_43 : vector<320x60xi1>
    %add3A = vector.broadcast %select_n3A_38 : i32 to vector<320x60xi32>
    %add3A_52 = arith.addi %rem3A_40, %add3A : vector<320x60xi32>
    %select_n3A_53 = arith.select %and3A_51, %add3A_52, %rem3A_40 : vector<320x60xi1>, vector<320x60xi32>
    %lt3A_54 = arith.constant 3 : i32
    %lt3A_55 = vector.broadcast %lt3A_54 : i32 to vector<320x60xi32>
    %lt3A_56 = arith.cmpi slt, %select_n3A_53, %lt3A_55 : vector<320x60xi32>
    %mul3A = arith.constant 3 : i32
    %mul3A_57 = vector.broadcast %mul3A : i32 to vector<320x60xi32>
    %mul3A_58 = arith.muli %select_n3A, %mul3A_57 : vector<320x60xi32>
    %add3A_59 = arith.addi %mul3A_58, %select_n3A_53 : vector<320x60xi32>
    %eq3A_60 = arith.cmpi eq, %iota3A_8, %add3A_59 : vector<320x60xi32>
    %and3A_61 = arith.andi %lt3A_56, %eq3A_60 : vector<320x60xi1>
    %jit3A_62 = arith.constant 1.000000e+00 : f32
    %jit3A_63 = arith.constant 0.000000e+00 : f32
    %broadcast_in_dim3A_64 = vector.broadcast %jit3A_62 : f32 to vector<320x60xf32>
    %broadcast_in_dim3A_65 = vector.broadcast %jit3A_63 : f32 to vector<320x60xf32>
    %select_n3A_66 = arith.select %and3A_61, %broadcast_in_dim3A_64, %broadcast_in_dim3A_65 : vector<320x60xi1>, vector<320x60xf32>
    %dot_general3A = arith.constant dense<0.000000e+00> : vector<320x32xf32>
    %dot_general3A_67 = tpu.matmul %select_n3A_66, %pad3A_7, %dot_general3A {dimension_numbers = #tpu.dot_dimension_numbers<[1], [0], [0], [1], [0, 0, 1, 1], [], []>, transpose_lhs_hint = false} : vector<320x60xf32>, vector<60x32xf32>, vector<320x32xf32> -> vector<320x32xf32>
    %swap3A = arith.constant 0 : index
    %swap3A_68 = arith.constant 0 : index
    %swap3A_69 = vector.load %arg2[%swap3A, %swap3A_68] : memref<320x32xf32, #tpu.memory_space<vmem>>, vector<320x32xf32>
    tpu.vector_store %arg2[%swap3A, %swap3A_68], %dot_general3A_67 {strides = array<i32>} : memref<320x32xf32, #tpu.memory_space<vmem>>, vector<320x32xf32>,
    %get3A_70 = arith.constant 0 : index
    %get3A_71 = arith.constant 0 : index
    %get3A_72 = vector.load %arg1[%get3A_70, %get3A_71] : memref<600x40xf32, #tpu.memory_space<vmem>>, vector<600x40xf32>
    %reduce_max3A_73 = arith.constant dense<0xFF800000> : vector<40xf32>
    %reduce_max3A_74 = vector.multi_reduction <maximumf>, %get3A_72, %reduce_max3A_73 [0] : vector<600x40xf32> to vector<40xf32>
    %broadcast_in_dim3A_75 = vector.shape_cast %reduce_max3A_74 : vector<40xf32> to vector<1x40xf32>
    %sub3A_76 = vector.broadcast %broadcast_in_dim3A_75 : vector<1x40xf32> to vector<600x40xf32>
    %sub3A_77 = arith.subf %get3A_72, %sub3A_76 : vector<600x40xf32>
    %exp3A_78 = math.exp %sub3A_77 : vector<600x40xf32>
    %reduce_sum3A_79 = arith.constant dense<0.000000e+00> : vector<40xf32>
    %reduce_sum3A_80 = vector.multi_reduction <add>, %exp3A_78, %reduce_sum3A_79 [0] : vector<600x40xf32> to vector<40xf32>
    %broadcast_in_dim3A_81 = vector.shape_cast %reduce_sum3A_80 : vector<40xf32> to vector<1x40xf32>
    %div3A_82 = vector.broadcast %broadcast_in_dim3A_81 : vector<1x40xf32> to vector<600x40xf32>
    %div3A_83 = arith.divf %exp3A_78, %div3A_82 : vector<600x40xf32>
    %iota3A_84 = tpu.iota {dimensions = array<i32: 0>} : vector<640x600xi32>
    %iota3A_85 = tpu.iota {dimensions = array<i32: 1>} : vector<640x600xi32>
    %jit3A_86 = arith.constant 32 : i32
    %div3A_87 = vector.broadcast %jit3A_86 : i32 to vector<640x600xi32>
    %div3A_88 = arith.divsi %iota3A_84, %div3A_87 : vector<640x600xi32>
    %sign3A_89 = arith.constant 0 : i32
    %sign3A_90 = vector.broadcast %sign3A_89 : i32 to vector<640x600xi32>
    %sign3A_91 = arith.cmpi sgt, %iota3A_84, %sign3A_90 : vector<640x600xi32>
    %sign3A_92 = arith.extui %sign3A_91 : vector<640x600xi1> to vector<640x600xi32>
    %sign3A_93 = arith.constant 0 : i32
    %sign3A_94 = vector.broadcast %sign3A_93 : i32 to vector<640x600xi32>
    %sign3A_95 = arith.cmpi slt, %iota3A_84, %sign3A_94 : vector<640x600xi32>
    %sign3A_96 = arith.extui %sign3A_95 : vector<640x600xi1> to vector<640x600xi32>
    %sign3A_97 = arith.subi %sign3A_92, %sign3A_96 : vector<640x600xi32>
    %sign3A_98 = arith.constant 0 : i32
    %sign3A_99 = arith.cmpi sgt, %jit3A_86, %sign3A_98 : i32
    %sign3A_100 = arith.extui %sign3A_99 : i1 to i32
    %sign3A_101 = arith.constant 0 : i32
    %sign3A_102 = arith.cmpi slt, %jit3A_86, %sign3A_101 : i32
    %sign3A_103 = arith.extui %sign3A_102 : i1 to i32
    %sign3A_104 = arith.subi %sign3A_100, %sign3A_103 : i32
    %ne3A_105 = vector.broadcast %sign3A_104 : i32 to vector<640x600xi32>
    %ne3A_106 = arith.cmpi ne, %sign3A_97, %ne3A_105 : vector<640x600xi32>
    %rem3A_107 = vector.broadcast %jit3A_86 : i32 to vector<640x600xi32>
    %rem3A_108 = arith.remsi %iota3A_84, %rem3A_107 : vector<640x600xi32>
    %ne3A_109 = arith.constant 0 : i32
    %ne3A_110 = vector.broadcast %ne3A_109 : i32 to vector<640x600xi32>
    %ne3A_111 = arith.cmpi ne, %rem3A_108, %ne3A_110 : vector<640x600xi32>
    %and3A_112 = arith.andi %ne3A_106, %ne3A_111 : vector<640x600xi1>
    %sub3A_113 = arith.constant 1 : i32
    %sub3A_114 = vector.broadcast %sub3A_113 : i32 to vector<640x600xi32>
    %sub3A_115 = arith.subi %div3A_88, %sub3A_114 : vector<640x600xi32>
    %select_n3A_116 = arith.select %and3A_112, %sub3A_115, %div3A_88 : vector<640x600xi1>, vector<640x600xi32>
    %jit3A_117 = arith.constant 32 : i32
    %eq3A_118 = arith.constant 0 : i32
    %eq3A_119 = arith.cmpi eq, %jit3A_117, %eq3A_118 : i32
    %jit3A_120 = arith.constant 1 : i32
    %select_n3A_121 = arith.select %eq3A_119, %jit3A_120, %jit3A_117 : i32
    %rem3A_122 = vector.broadcast %select_n3A_121 : i32 to vector<640x600xi32>
    %rem3A_123 = arith.remsi %iota3A_84, %rem3A_122 : vector<640x600xi32>
    %ne3A_124 = arith.constant 0 : i32
    %ne3A_125 = vector.broadcast %ne3A_124 : i32 to vector<640x600xi32>
    %ne3A_126 = arith.cmpi ne, %rem3A_123, %ne3A_125 : vector<640x600xi32>
    %lt3A_127 = arith.constant 0 : i32
    %lt3A_128 = vector.broadcast %lt3A_127 : i32 to vector<640x600xi32>
    %lt3A_129 = arith.cmpi slt, %rem3A_123, %lt3A_128 : vector<640x600xi32>
    %lt3A_130 = arith.constant 0 : i32
    %lt3A_131 = arith.cmpi slt, %select_n3A_121, %lt3A_130 : i32
    %ne3A_132 = vector.broadcast %lt3A_131 : i1 to vector<640x600xi1>
    %ne3A_133 = vector.broadcast %ne3A_132 : vector<640x600xi1> to vector<640x600xi1>
    %ne3A_134 = arith.xori %lt3A_129, %ne3A_133 : vector<640x600xi1>
    %and3A_135 = arith.andi %ne3A_134, %ne3A_126 : vector<640x600xi1>
    %add3A_136 = vector.broadcast %select_n3A_121 : i32 to vector<640x600xi32>
    %add3A_137 = arith.addi %rem3A_123, %add3A_136 : vector<640x600xi32>
    %select_n3A_138 = arith.select %and3A_135, %add3A_137, %rem3A_123 : vector<640x600xi1>, vector<640x600xi32>
    %lt3A_139 = arith.constant 30 : i32
    %lt3A_140 = vector.broadcast %lt3A_139 : i32 to vector<640x600xi32>
    %lt3A_141 = arith.cmpi slt, %select_n3A_138, %lt3A_140 : vector<640x600xi32>
    %mul3A_142 = arith.constant 30 : i32
    %mul3A_143 = vector.broadcast %mul3A_142 : i32 to vector<640x600xi32>
    %mul3A_144 = arith.muli %select_n3A_116, %mul3A_143 : vector<640x600xi32>
    %add3A_145 = arith.addi %mul3A_144, %select_n3A_138 : vector<640x600xi32>
    %eq3A_146 = arith.cmpi eq, %iota3A_85, %add3A_145 : vector<640x600xi32>
    %and3A_147 = arith.andi %lt3A_141, %eq3A_146 : vector<640x600xi1>
    %jit3A_148 = arith.constant 1.000000e+00 : f32
    %jit3A_149 = arith.constant 0.000000e+00 : f32
    %broadcast_in_dim3A_150 = vector.broadcast %jit3A_148 : f32 to vector<640x600xf32>
    %broadcast_in_dim3A_151 = vector.broadcast %jit3A_149 : f32 to vector<640x600xf32>
    %select_n3A_152 = arith.select %and3A_147, %broadcast_in_dim3A_150, %broadcast_in_dim3A_151 : vector<640x600xi1>, vector<640x600xf32>
    %dot_general3A_153 = arith.constant dense<0.000000e+00> : vector<640x40xf32>
    %dot_general3A_154 = tpu.matmul %select_n3A_152, %div3A_83, %dot_general3A_153 {dimension_numbers = #tpu.dot_dimension_numbers<[1], [0], [0], [1], [0, 0, 1, 1], [], []>, transpose_lhs_hint = false} : vector<640x600xf32>, vector<600x40xf32>, vector<640x40xf32> -> vector<640x40xf32>
    %swap3A_155 = arith.constant 0 : index
    %swap3A_156 = arith.constant 0 : index
    %swap3A_157 = vector.load %arg3[%swap3A_155, %swap3A_156] : memref<640x40xf32, #tpu.memory_space<vmem>>, vector<640x40xf32>
    tpu.vector_store %arg3[%swap3A_155, %swap3A_156], %dot_general3A_154 {strides = array<i32>} : memref<640x40xf32, #tpu.memory_space<vmem>>, vector<640x40xf32>,
    return
  }
}

module attributes {stable_mosaic.version = 14 : i64} {
  func.func @_fm1_body(%arg0: i32, %arg1: memref<2048x320xf32, #tpu.memory_space<vmem>>, %arg2: memref<320x32xf32, #tpu.memory_space<vmem>>, %arg3: memref<2048x32xf32, #tpu.memory_space<vmem>>) attributes {dimension_semantics = [#tpu.dimension_semantics<arbitrary>], iteration_bounds = array<i64: 16>, scalar_prefetch = 0 : i64, scratch_operands = 0 : i64, tpu.core_type = #tpu.core_type<tc>, window_params = [{transform_indices = @transform_0, window_bounds = array<i64: 2048, 320>}, {pipeline_mode = #tpu.pipeline_mode<synchronous>, transform_indices = @transform_1, window_bounds = array<i64: 320, 32>}, {transform_indices = @transform_2, window_bounds = array<i64: 2048, 32>}]} {
    %get3A = arith.constant 0 : index
    %get3A_0 = arith.constant 0 : index
    %get3A_1 = vector.load %arg1[%get3A, %get3A_0] : memref<2048x320xf32, #tpu.memory_space<vmem>>, vector<2048x320xf32>
    %get3A_2 = arith.constant 0 : index
    %get3A_3 = arith.constant 0 : index
    %get3A_4 = vector.load %arg2[%get3A_2, %get3A_3] : memref<320x32xf32, #tpu.memory_space<vmem>>, vector<320x32xf32>
    %dot_general3A = arith.constant dense<0.000000e+00> : vector<2048x32xf32>
    %dot_general3A_5 = tpu.matmul %get3A_1, %get3A_4, %dot_general3A {dimension_numbers = #tpu.dot_dimension_numbers<[1], [0], [0], [1], [0, 0, 1, 1], [], []>, transpose_lhs_hint = false} : vector<2048x320xf32>, vector<320x32xf32>, vector<2048x32xf32> -> vector<2048x32xf32>
    %max3A = arith.constant 0.000000e+00 : f32
    %max3A_6 = vector.broadcast %max3A : f32 to vector<2048x32xf32>
    %max3A_7 = arith.maximumf %dot_general3A_5, %max3A_6 : vector<2048x32xf32>
    %swap3A = arith.constant 0 : index
    %swap3A_8 = arith.constant 0 : index
    %swap3A_9 = vector.load %arg3[%swap3A, %swap3A_8] : memref<2048x32xf32, #tpu.memory_space<vmem>>, vector<2048x32xf32>
    tpu.vector_store %arg3[%swap3A, %swap3A_8], %max3A_7 {strides = array<i32>} : memref<2048x32xf32, #tpu.memory_space<vmem>>, vector<2048x32xf32>,
    return
  }
  func.func @transform_0(%arg0: i32) -> (i32, i32) {
    %c0_i32 = arith.constant 0 : i32
    %c0_i32_0 = arith.constant 0 : i32
    return %arg0, %c0_i32 : i32, i32
  }
  func.func @transform_1(%arg0: i32) -> (i32, i32) {
    %c0_i32 = arith.constant 0 : i32
    %c0_i32_0 = arith.constant 0 : i32
    %c0_i32_1 = arith.constant 0 : i32
    return %c0_i32, %c0_i32_0 : i32, i32
  }
  func.func @transform_2(%arg0: i32) -> (i32, i32) {
    %c0_i32 = arith.constant 0 : i32
    %c0_i32_0 = arith.constant 0 : i32
    return %arg0, %c0_i32 : i32, i32
  }
}

module attributes {stable_mosaic.version = 14 : i64} {
  func.func @_fm2_body(%arg0: i32, %arg1: memref<2048x640xf32, #tpu.memory_space<vmem>>, %arg2: memref<640x40xf32, #tpu.memory_space<vmem>>, %arg3: memref<16x40xf32, #tpu.memory_space<vmem>>, %arg4: memref<16x40xf32, #tpu.memory_space<vmem>>) attributes {dimension_semantics = [#tpu.dimension_semantics<arbitrary>], iteration_bounds = array<i64: 16>, scalar_prefetch = 0 : i64, scratch_operands = 1 : i64, tpu.core_type = #tpu.core_type<tc>, window_params = [{transform_indices = @transform_0, window_bounds = array<i64: 2048, 640>}, {pipeline_mode = #tpu.pipeline_mode<synchronous>, transform_indices = @transform_1, window_bounds = array<i64: 640, 40>}, {pipeline_mode = #tpu.pipeline_mode<synchronous>, transform_indices = @transform_2, window_bounds = array<i64: 16, 40>}]} {
    %get3A = arith.constant 0 : index
    %get3A_0 = arith.constant 0 : index
    %get3A_1 = vector.load %arg1[%get3A, %get3A_0] : memref<2048x640xf32, #tpu.memory_space<vmem>>, vector<2048x640xf32>
    %get3A_2 = arith.constant 0 : index
    %get3A_3 = arith.constant 0 : index
    %get3A_4 = vector.load %arg2[%get3A_2, %get3A_3] : memref<640x40xf32, #tpu.memory_space<vmem>>, vector<640x40xf32>
    %dot_general3A = arith.constant dense<0.000000e+00> : vector<2048x40xf32>
    %dot_general3A_5 = tpu.matmul %get3A_1, %get3A_4, %dot_general3A {dimension_numbers = #tpu.dot_dimension_numbers<[1], [0], [0], [1], [0, 0, 1, 1], [], []>, transpose_lhs_hint = false} : vector<2048x640xf32>, vector<640x40xf32>, vector<2048x40xf32> -> vector<2048x40xf32>
    %max3A = arith.constant 0.000000e+00 : f32
    %max3A_6 = vector.broadcast %max3A : f32 to vector<2048x40xf32>
    %max3A_7 = arith.maximumf %dot_general3A_5, %max3A_6 : vector<2048x40xf32>
    %reduce_sum3A = arith.constant dense<0.000000e+00> : vector<40xf32>
    %reduce_sum3A_8 = vector.multi_reduction <add>, %max3A_7, %reduce_sum3A [0] : vector<2048x40xf32> to vector<40xf32>
    %broadcast_in_dim3A = vector.shape_cast %reduce_sum3A_8 : vector<40xf32> to vector<1x40xf32>
    %mul3A = arith.constant 4.8828125E-4 : f32
    %mul3A_9 = vector.broadcast %mul3A : f32 to vector<1x40xf32>
    %mul3A_10 = arith.mulf %broadcast_in_dim3A, %mul3A_9 : vector<1x40xf32>
    %iota3A = tpu.iota {dimensions = array<i32: 0>} : vector<16x1xi32>
    %eq3A = vector.broadcast %arg0 : i32 to vector<16x1xi32>
    %eq3A_11 = arith.cmpi eq, %iota3A, %eq3A : vector<16x1xi32>
    %jit3A = arith.constant 0.000000e+00 : f32
    %broadcast_in_dim3A_12 = vector.shape_cast %eq3A_11 : vector<16x1xi1> to vector<16x1xi1>
    %broadcast_in_dim3A_13 = vector.broadcast %broadcast_in_dim3A_12 : vector<16x1xi1> to vector<16x40xi1>
    %broadcast_in_dim3A_14 = vector.shape_cast %mul3A_10 : vector<1x40xf32> to vector<1x40xf32>
    %broadcast_in_dim3A_15 = vector.broadcast %broadcast_in_dim3A_14 : vector<1x40xf32> to vector<16x40xf32>
    %broadcast_in_dim3A_16 = vector.broadcast %jit3A : f32 to vector<16x40xf32>
    %select_n3A = arith.select %broadcast_in_dim3A_13, %broadcast_in_dim3A_15, %broadcast_in_dim3A_16 : vector<16x40xi1>, vector<16x40xf32>
    %eq3A_17 = arith.constant 0 : i32
    %eq3A_18 = arith.cmpi eq, %arg0, %eq3A_17 : i32
    %convert_element_type3A = arith.extui %eq3A_18 : i1 to i32
    %cond3A = arith.constant 0 : i32
    %cond3A_19 = arith.cmpi ne, %convert_element_type3A, %cond3A : i32
    scf.if %cond3A_19 {
      %broadcast_in_dim3A_30 = arith.constant 0.000000e+00 : f32
      %broadcast_in_dim3A_31 = vector.broadcast %broadcast_in_dim3A_30 : f32 to vector<16x40xf32>
      %swap3A_32 = arith.constant 0 : index
      %swap3A_33 = arith.constant 0 : index
      %swap3A_34 = vector.load %arg4[%swap3A_32, %swap3A_33] : memref<16x40xf32, #tpu.memory_space<vmem>>, vector<16x40xf32>
      tpu.vector_store %arg4[%swap3A_32, %swap3A_33], %broadcast_in_dim3A_31 {strides = array<i32>} : memref<16x40xf32, #tpu.memory_space<vmem>>, vector<16x40xf32>,
    } else {
    }
    %get3A_20 = arith.constant 0 : index
    %get3A_21 = arith.constant 0 : index
    %get3A_22 = vector.load %arg4[%get3A_20, %get3A_21] : memref<16x40xf32, #tpu.memory_space<vmem>>, vector<16x40xf32>
    %add3A = arith.addf %get3A_22, %select_n3A : vector<16x40xf32>
    %swap3A = arith.constant 0 : index
    %swap3A_23 = arith.constant 0 : index
    %swap3A_24 = vector.load %arg4[%swap3A, %swap3A_23] : memref<16x40xf32, #tpu.memory_space<vmem>>, vector<16x40xf32>
    tpu.vector_store %arg4[%swap3A, %swap3A_23], %add3A {strides = array<i32>} : memref<16x40xf32, #tpu.memory_space<vmem>>, vector<16x40xf32>,
    %eq3A_25 = arith.constant 15 : i32
    %eq3A_26 = arith.cmpi eq, %arg0, %eq3A_25 : i32
    %convert_element_type3A_27 = arith.extui %eq3A_26 : i1 to i32
    %cond3A_28 = arith.constant 0 : i32
    %cond3A_29 = arith.cmpi ne, %convert_element_type3A_27, %cond3A_28 : i32
    scf.if %cond3A_29 {
      %get3A_30 = arith.constant 0 : index
      %get3A_31 = arith.constant 0 : index
      %get3A_32 = vector.load %arg4[%get3A_30, %get3A_31] : memref<16x40xf32, #tpu.memory_space<vmem>>, vector<16x40xf32>
      %swap3A_33 = arith.constant 0 : index
      %swap3A_34 = arith.constant 0 : index
      %swap3A_35 = vector.load %arg3[%swap3A_33, %swap3A_34] : memref<16x40xf32, #tpu.memory_space<vmem>>, vector<16x40xf32>
      tpu.vector_store %arg3[%swap3A_33, %swap3A_34], %get3A_32 {strides = array<i32>} : memref<16x40xf32, #tpu.memory_space<vmem>>, vector<16x40xf32>,
    } else {
    }
    return
  }
  func.func @transform_0(%arg0: i32) -> (i32, i32) {
    %c0_i32 = arith.constant 0 : i32
    %c0_i32_0 = arith.constant 0 : i32
    return %arg0, %c0_i32 : i32, i32
  }
  func.func @transform_1(%arg0: i32) -> (i32, i32) {
    %c0_i32 = arith.constant 0 : i32
    %c0_i32_0 = arith.constant 0 : i32
    %c0_i32_1 = arith.constant 0 : i32
    return %c0_i32, %c0_i32_0 : i32, i32
  }
  func.func @transform_2(%arg0: i32) -> (i32, i32) {
    %c0_i32 = arith.constant 0 : i32
    %c0_i32_0 = arith.constant 0 : i32
    %c0_i32_1 = arith.constant 0 : i32
    return %c0_i32, %c0_i32_0 : i32, i32
  }
}

module attributes {stable_mosaic.version = 14 : i64} {
  func.func @_mlp_body(%arg0: memref<16x40xf32, #tpu.memory_space<vmem>>, %arg1: memref<16x40xf32, #tpu.memory_space<vmem>>, %arg2: memref<40x512xf32, #tpu.memory_space<vmem>>, %arg3: memref<1x512xf32, #tpu.memory_space<vmem>>, %arg4: memref<512x40xf32, #tpu.memory_space<vmem>>, %arg5: memref<1x40xf32, #tpu.memory_space<vmem>>, %arg6: memref<32x40xf32, #tpu.memory_space<vmem>>) attributes {dimension_semantics = [], scalar_prefetch = 0 : i64, scratch_operands = 0 : i64, tpu.core_type = #tpu.core_type<tc>} {
    %get3A = arith.constant 0 : index
    %get3A_0 = arith.constant 0 : index
    %get3A_1 = vector.load %arg0[%get3A, %get3A_0] : memref<16x40xf32, #tpu.memory_space<vmem>>, vector<16x40xf32>
    %get3A_2 = arith.constant 0 : index
    %get3A_3 = arith.constant 0 : index
    %get3A_4 = vector.load %arg1[%get3A_2, %get3A_3] : memref<16x40xf32, #tpu.memory_space<vmem>>, vector<16x40xf32>
    %concatenate3A = tpu.concatenate %get3A_1, %get3A_4 in 0 : vector<16x40xf32>, vector<16x40xf32> -> vector<32x40xf32>
    %get3A_5 = arith.constant 0 : index
    %get3A_6 = arith.constant 0 : index
    %get3A_7 = vector.load %arg2[%get3A_5, %get3A_6] : memref<40x512xf32, #tpu.memory_space<vmem>>, vector<40x512xf32>
    %dot_general3A = arith.constant dense<0.000000e+00> : vector<32x512xf32>
    %dot_general3A_8 = tpu.matmul %concatenate3A, %get3A_7, %dot_general3A {dimension_numbers = #tpu.dot_dimension_numbers<[1], [0], [0], [1], [0, 0, 1, 1], [], []>, transpose_lhs_hint = false} : vector<32x40xf32>, vector<40x512xf32>, vector<32x512xf32> -> vector<32x512xf32>
    %get3A_9 = arith.constant 0 : index
    %get3A_10 = arith.constant 0 : index
    %get3A_11 = vector.load %arg3[%get3A_9, %get3A_10] : memref<1x512xf32, #tpu.memory_space<vmem>>, vector<1x512xf32>
    %add3A = vector.broadcast %get3A_11 : vector<1x512xf32> to vector<32x512xf32>
    %add3A_12 = arith.addf %dot_general3A_8, %add3A : vector<32x512xf32>
    %max3A = arith.constant 0.000000e+00 : f32
    %max3A_13 = vector.broadcast %max3A : f32 to vector<32x512xf32>
    %max3A_14 = arith.maximumf %add3A_12, %max3A_13 : vector<32x512xf32>
    %get3A_15 = arith.constant 0 : index
    %get3A_16 = arith.constant 0 : index
    %get3A_17 = vector.load %arg4[%get3A_15, %get3A_16] : memref<512x40xf32, #tpu.memory_space<vmem>>, vector<512x40xf32>
    %dot_general3A_18 = arith.constant dense<0.000000e+00> : vector<32x40xf32>
    %dot_general3A_19 = tpu.matmul %max3A_14, %get3A_17, %dot_general3A_18 {dimension_numbers = #tpu.dot_dimension_numbers<[1], [0], [0], [1], [0, 0, 1, 1], [], []>, transpose_lhs_hint = false} : vector<32x512xf32>, vector<512x40xf32>, vector<32x40xf32> -> vector<32x40xf32>
    %get3A_20 = arith.constant 0 : index
    %get3A_21 = arith.constant 0 : index
    %get3A_22 = vector.load %arg5[%get3A_20, %get3A_21] : memref<1x40xf32, #tpu.memory_space<vmem>>, vector<1x40xf32>
    %add3A_23 = vector.broadcast %get3A_22 : vector<1x40xf32> to vector<32x40xf32>
    %add3A_24 = arith.addf %dot_general3A_19, %add3A_23 : vector<32x40xf32>
    %swap3A = arith.constant 0 : index
    %swap3A_25 = arith.constant 0 : index
    %swap3A_26 = vector.load %arg6[%swap3A, %swap3A_25] : memref<32x40xf32, #tpu.memory_space<vmem>>, vector<32x40xf32>
    tpu.vector_store %arg6[%swap3A, %swap3A_25], %add3A_24 {strides = array<i32>} : memref<32x40xf32, #tpu.memory_space<vmem>>, vector<32x40xf32>,
    return
  }
}

</mosaic_0001>

<sc_bundles>
// kernel: kernel.14.cloned.1.call-start
scs
__scs_entry_jumppad:
0x0: {  	(pc) =	sbr.rel $0x88, $3  }
0x1: {  	(tag) =	ssettag $0x0;
	lr =	simm.s32 $0x1  }
0x2: {  	[smem:$0x3F9A] =	sst lr;
	_ =	strace $0xD0000000  }
0x3: {  	_ = 	snop  }
0x4: {  	_ = 	snop  }
0x5: {  	_ = 	snop  }
0x6: {  	_ = 	snop  }
0x7: {  	_ = 	snop  }
__scs_overlays_trampoline_lowered:
0x8: {  	[smem:$0x3FA9] =	sst s0  }
0x9: {  	[smem:$0x3FAA] =	sst s1  }
0xa: {  	[smem:$0x3FAB] =	sst s2  }
0xb: {  	[smem:$0x3FAC] =	sst s3  }
0xc: {  	[smem:$0x3FAD] =	sst s4  }
0xd: {  	[smem:$0x3FAE] =	sst s5  }
0xe: {  	[smem:$0x3FAF] =	sst s6  }
0xf: {  	[smem:$0x3FB0] =	sst s7  }
0x10: {  	[smem:$0x3FB1] =	sst s8  }
0x11: {  	[smem:$0x3FB2] =	sst s9;
	s0 =	simm.s32 @!p0 $0x0  }
0x12: {  	s1 =	sld [smem:$0x3F98];
	s0 =	simm.s32 @p0 $0x1  }
0x13: {  	[smem:$0x3FB3] =	sst s0;
	s0 =	simm.s32 @!p1 $0x0  }
0x14: {  	s2 =	sld [smem:$0x3F97];
	s0 =	simm.s32 @p1 $0x1  }
0x15: {  	[smem:$0x3FB4] =	sst s0;
	s0 =	simm.s32 @!p2 $0x0  }
0x16: {  	s3 =	sld [smem:$0x3FDB];
	s0 =	simm.s32 @p2 $0x1  }
0x17: {  	s4 =	simm.s32 $0x1BF5;
	[smem:$0x3FB6] =	sst s0  }
0x18: {  	s0 =	sld [smem:$0x3F99];
	_ =	swait.ge [sflag:s4], $0x0  }
0x19: {  	s7 =	sld [smem:$0x3F9A]  }
0x1a: {  	s8 =	sadd.s32 $0xFFFFE003, lr  }
0x1b: {  	s9 =	sadd.s32 $0xFFFFFEF7, lr;
	s5 =	simm.s32 $0xFFFFFFFF;
	p2 =	slt.u32 s8, $0xFFFFF086  }
0x1c: {  	p1 =	slt.u32 s9, $0xF7A;
	s5 =	simm.s32 @!p2 $0x0  }
0x1d: {  	s5 =	simm.s32 @p1 $0x1;
	p0 =	seq.s32 s7, s2  }
0x1e: {  	s7 =	smul.u32 @!p0 $0xF7A, s2;
	p2 =	seq.s32 @!p0 s5, $0x0  }
0x1f: {  	s9 =	smul.u32 $0xF7A, s1;
	s8 =	simm.s32 @!p0 $0x1BF5;
	p2 =	por !p2, p0  }
0x20: {  	[sflag:s8] =	ssyncset.s32 @!p0 $0xFFFFF086;
	s6 =	sadd.s32 @!p0 s3, s7;
	s7 =	simm.s32 @!p0 $0x108  }
0x21: {  	s3 =	sadd.s32 s3, s9;
	s6 =	sadd.s32 @!p0 $0x88, s6;
	s7 =	simm.s32 @p2 $0x1082  }
0x22: {  	[simem:s7], [sflag:s8] =	dma.local @!p0 [hbm:s6], $0xF7A  }
0x23: {  	s9 =	sor.u32 $0xD0000000, s2;
	s6 =	simm.s32 $0x108;
	_ =	swait.ge @!p0 [sflag:s8], $0x0  }
0x24: {  	s3 =	sadd.s32 $0x88, s3;
	s6 =	simm.s32 @!p1 $0x1082;
	[sflag:s4] =	ssyncset.s32 $0xFFFFF086  }
0x25: {  	[simem:s6], [sflag:s4] =	dma.local [hbm:s3], $0xF7A  }
0x26: {  	[smem:$0x3F9A] =	sst s1;
	(tag) =	ssettag s2;
	_ =	strace s9  }
0x27: {  	s1 =	sld [smem:$0x3FAA]  }
0x28: {  	s2 =	sld [smem:$0x3FAB]  }
0x29: {  	s4 =	sld [smem:$0x3FAD]  }
0x2a: {  	p0 =	seq.s32 s5, $0x0;
	s5 =	sld [smem:$0x3FAE]  }
0x2b: {  	s6 =	sld [smem:$0x3FAF]  }
0x2c: {  	s7 =	sld [smem:$0x3FB0]  }
0x2d: {  	s3 =	simm.s32 $0x108;
	s8 =	sld [smem:$0x3FB1]  }
0x2e: {  	s3 =	simm.s32 @!p0 $0x1082;
	s9 =	sld [smem:$0x3FB2]  }
0x2f: {  	lr =	sadd.s32 s0, s3;
	s0 =	sld [smem:$0x3FA9]  }
0x30: {  	s3 =	sld [smem:$0x3FAC]  }
0x31: {  	[smem:$0x3FB5] =	sst s10  }
0x32: {  	s10 =	sld [smem:$0x3FB3];
	_ =	sdelay $0x3  }
0x33: {  	p0 =	seq.s32 s10, $0x1;
	s10 =	sld [smem:$0x3FB5];
	_ =	sdelay $0x3  }
0x34: {  	[smem:$0x3FB5] =	sst s10  }
0x35: {  	s10 =	sld [smem:$0x3FB4];
	_ =	sdelay $0x3  }
0x36: {  	p1 =	seq.s32 s10, $0x1;
	s10 =	sld [smem:$0x3FB5];
	_ =	sdelay $0x3  }
0x37: {  	[smem:$0x3FB5] =	sst s10  }
0x38: {  	s10 =	sld [smem:$0x3FB6]  }
0x39: {  	_ = 	snop;
	(pc) =	sbr.ind lr, $3  }
0x3a: {  	_ = 	snop  }
0x3b: {  	_ = 	snop  }
0x3c: {  	p2 =	seq.s32 s10, $0x1;
	s10 =	sld [smem:$0x3FB5]  }
0x3d: {  	_ =	shalt  }
0x3e: {  	_ =	shalt  }
0x3f: {  	_ =	shalt  }
0x40: {  	_ =	shalt  }
0x41: {  	_ =	shalt  }
0x42: {  	_ =	shalt  }
0x43: {  	_ =	shalt  }
0x44: {  	_ =	shalt  }
0x45: {  	_ =	shalt  }
0x46: {  	_ =	shalt  }
0x47: {  	_ =	shalt  }
0x48: {  	_ =	shalt  }
0x49: {  	_ =	shalt  }
0x4a: {  	_ =	shalt  }
0x4b: {  	_ =	shalt  }
0x4c: {  	_ =	shalt  }
0x4d: {  	_ =	shalt  }
0x4e: {  	_ =	shalt  }
0x4f: {  	_ =	shalt  }
0x50: {  	_ =	shalt  }
0x51: {  	_ =	shalt  }
0x52: {  	_ =	shalt  }
0x53: {  	_ =	shalt  }
0x54: {  	_ =	shalt  }
0x55: {  	_ =	shalt  }
0x56: {  	_ =	shalt  }
0x57: {  	_ =	shalt  }
0x58: {  	_ =	shalt  }
0x59: {  	_ =	shalt  }
0x5a: {  	_ =	shalt  }
0x5b: {  	_ =	shalt  }
0x5c: {  	_ =	shalt  }
0x5d: {  	_ =	shalt  }
0x5e: {  	_ =	shalt  }
0x5f: {  	_ =	shalt  }
0x60: {  	_ =	shalt  }
0x61: {  	_ =	shalt  }
0x62: {  	_ =	shalt  }
0x63: {  	_ =	shalt  }
0x64: {  	_ =	shalt  }
0x65: {  	_ =	shalt  }
0x66: {  	_ =	shalt  }
0x67: {  	_ =	shalt  }
0x68: {  	_ =	shalt  }
0x69: {  	_ =	shalt  }
0x6a: {  	_ =	shalt  }
0x6b: {  	_ =	shalt  }
0x6c: {  	_ =	shalt  }
0x6d: {  	_ =	shalt  }
0x6e: {  	_ =	shalt  }
0x6f: {  	_ =	shalt  }
0x70: {  	_ =	shalt  }
0x71: {  	_ =	shalt  }
0x72: {  	_ =	shalt  }
0x73: {  	_ =	shalt  }
0x74: {  	_ =	shalt  }
0x75: {  	_ =	shalt  }
0x76: {  	_ =	shalt  }
0x77: {  	_ =	shalt  }
0x78: {  	_ =	shalt  }
0x79: {  	_ =	shalt  }
0x7a: {  	_ =	shalt  }
0x7b: {  	_ =	shalt  }
0x7c: {  	_ =	shalt  }
0x7d: {  	_ =	shalt  }
0x7e: {  	_ =	shalt  }
0x7f: {  	_ =	shalt  }
0x80: {  	_ =	shalt  }
0x81: {  	_ =	shalt  }
0x82: {  	_ =	shalt  }
0x83: {  	_ =	shalt  }
0x84: {  	_ =	shalt  }
0x85: {  	_ =	shalt  }
0x86: {  	_ =	shalt  }
0x87: {  	_ =	shalt  }
.Lfunc_end0:
.L_simem_size_0:
called_computation_lowered:
.L_overlay_start_0:
0x88: {  	s2 =	sld [smem:$0x3FD9]  }
0x89: {  	s3 =	sld [smem:$0x3FFE];
	_ =	sdelay $0x1  }
0x8a: {  	s1 =	srdreg.scid  }
0x8b: {  	s0 =	sand.u32 $0x1, s1  }
0x8c: {  	s17 =	sshll.u32 s0, $0xA;
	s2 =	sadd.s32 s3, s2  }
0x8d: {  	s2 =	sadd.s32 s2, s17  }
0x8e: {  	[smem:$0x3FC1] =	sst s2  }
0x8f: {  	_ = 	snop  }
0x90: {  	(tm) =	ssettm $0x1  }
0x91: {  	s18 =	sld [smem:$0x3FFB];
	_ =	sdelay $0x3  }
0x92: {  	_ =	strace s18  }
0x93: {  	s2 =	sld [smem:$0x3FFC];
	_ =	sdelay $0x3  }
0x94: {  	_ =	strace s2  }
0x95: {  	s2 =	sld [smem:$0x3FFD];
	_ =	sdelay $0x3  }
0x96: {  	_ =	strace s2  }
0x97: {  	_ =	strace $0x8FFFFFFF  }
0x98: {  	s19 =	sld [smem:$0x3FDB];
	_ =	sdelay $0x1  }
0x99: {  	s20 =	simm.s32 $_scs_section_size  }
0x9a: {  	s4 =	simm.s32 $_size__tile_overlayer_lowered;
	s5 =	simm.s32 $_tile_overlayer_lowered  }
0x9b: {  	s6 =	simm.s32 $0x1BFF;
	s21 =	sshll.u32 s5, $0x1;
	s3 =	sadd.s32 s20, s19  }
0x9c: {  	s22 =	simm.s32 $0x0;
	s4 =	sshll.u32 s4, $0x1;
	s5 =	sadd.s32 s21, s3  }
0x9d: {  	[timem:s22], [sflag:s6] =	dma.local [hbm:s5], s4  }
0x9e: {  	_ =	swait.ge [sflag:s6], s4  }
0x9f: {  	s4 =	ssub.s32 $0x0, s4;
	[sflag:s6] =	ssyncset.done $0x0  }
0xa0: {  	[sflag:s6] =	ssyncadd.s32 s4;
	_ =	sdelay $0x1  }
0xa1: {  	s23 =	simm.s32 $0x1B8B  }
0xa2: {  	_ =	swait.ge [sflag:s23], $0x1  }
0xa3: {  	[sflag:s23] =	ssyncset.done $0x0  }
0xa4: {  	[sflag:s23] =	ssyncadd.s32 $0xFFFFFFFF  }
0xa5: {  	s4 =	sld [smem:$0x0]  }
0xa6: {  	s5 =	sand.u32 $0xFFFFFFFE, s1  }
0xa7: {  	p0 =	sne.s32 s1, s5  }
0xa8: {  	s5 =	sshll.u32 @p0 s5, $0xE  }
0xa9: {  	s5 =	sadd.s32 @p0 $0x11B8D, s5;
	s6 =	sshll.u32 @p0 s4, $0x11  }
0xaa: {  	s5 =	sor.u32 @p0 s6, s5  }
0xab: {  	[sflag:s5] =	ssyncadd.remote.s32 @p0 $0x1;
	_ =	sdelay $0x1  }
0xac: {  	s5 =	simm.s32 @p0 $0x1B8D  }
0xad: {  	_ =	swait.eq @p0 [sflag:s5], $0x1  }
0xae: {  	[sflag:s5] =	ssyncadd.s32 @p0 $0xFFFFFFFF  }
0xaf: {  	s6 =	sshll.u32 @!p0 s1, $0xE  }
0xb0: {  	s6 =	sor.u32 @!p0 $0x4000, s6;
	s5 =	simm.s32 @!p0 $0x1B8D  }
0xb1: {  	s4 =	sshll.u32 @!p0 s4, $0x11;
	s6 =	sadd.s32 @!p0 $0x11B8D, s6;
	_ =	swait.eq @!p0 [sflag:s5], $0x1  }
0xb2: {  	s4 =	sor.u32 @!p0 s4, s6;
	[sflag:s5] =	ssyncadd.s32 @!p0 $0xFFFFFFFF  }
0xb3: {  	s25 =	simm.s32 $0x1B8E;
	s24 =	sld [smem:$0x3FFE];
	[sflag:s4] =	ssyncadd.remote.s32 @!p0 $0x1  }
0xb4: {  	s26 =	simm.s32 $execute0_lowered;
	[smem:$0x3FD2] =	sst s25  }
0xb5: {  	s5 =	sshll.u32 s26, $0x1;
	_ =	strace $0x80000049;
	[dreg:$0x1] =	wrdreg $0xFFFFFFFF  }
0xb6: {  	s28 =	simm.s32 $_size_execute0_lowered;
	s3 =	sadd.s32 s3, s5;
	[dreg:$0x0] =	wrdreg $0x0  }
0xb7: {  	s5 =	sshll.u32 s28, $0x1;
	[dreg:$0x2] =	wrdreg s3  }
0xb8: {  	[dreg:$0x3] =	wrdreg s5  }
0xb9: {  	[dreg:$0x4] =	wrdreg $0xC0  }
0xba: {  	_ =	task [dreg:s22], $0x5FFFF  }
0xbb: {  	[dreg:$0x1] =	wrdreg $0xFFFFFFFF  }
0xbc: {  	[dreg:$0x0] =	wrdreg $0x60  }
0xbd: {  	[dreg:$0x2] =	wrdreg s24  }
0xbe: {  	[dreg:$0x3] =	wrdreg $0x9  }
0xbf: {  	_ =	task.clear_ibuf [dreg:s22], $0x4FFFF;
	_ =	strace $0x90000049  }
0xc0: {  	s29 =	simm.s32 $0x9;
	_ =	strace $0x8000004B  }
0xc1: {  	_ =	swait.ge [sflag:s29], $0x1  }
0xc2: {  	[sflag:s29] =	ssyncadd.s32 $0xFFFFFFFF  }
0xc3: {  	_ =	strace $0x9000004B  }
0xc4: {  	_ =	sfence  }
0xc5: {  	s30 =	sld [smem:$0x0];
	_ =	sdelay $0x2  }
0xc6: {  	s31 =	sshll.u32 s1, $0xD;
	s1 =	sshrl.u32 s1, $0x2  }
0xc7: {  	s4 =	sand.u32 $0x4000, s31;
	s1 =	sadd.s32 s1, s30  }
0xc8: {  	s0 =	sor.u32 s4, s0;
	s1 =	sshll.u32 s1, $0x11  }
0xc9: {  	s0 =	sor.u32 s1, s0  }
0xca: {  	s0 =	sadd.s32 $0x8F2B, s0  }
0xcb: {  	[sflag:s0] =	ssyncadd.remote.s32 $0x1  }
0xcc: {  	_ =	sfence.sel $0xFFFF  }
0xcd: {  	[dreg:$0x0] =	wrdreg $0xFFFFFFFF;
	(pc) =	sbr.abs _section_cstart, $3  }
0xce: {  	[dreg:$0x1] =	wrdreg $0xFFFFFFFF  }
0xcf: {  	_ =	task.clear_ibuf [dreg:s22], $0x2FFFF;
	_ =	strace $0x9FFFFFFF  }
0xd0: {  	(tm) =	ssettm $0x7FFFFFFF  }
0xd1: {  	_ =	shalt  }
tec
execute0_lowered:
.L_overlay_start_1:
0x0: {  	(tag) =	ssettag $0x1  }
0x1: {  	s4 =	rddreg [dreg:$0x0]  }
0x2: {  	s3 =	srdreg.scid;
	s1 =	stileid.u32  }
0x3: {  	s2 =	simm.s32 $0x0;
	s14 =	simm.s32 $0x5;
	s15 =	simm.s32 $0x80  }
0x4: {  	s16 =	simm.s32 $0x5000;
	s17 =	simm.s32 $0x5800;
	s18 =	simm.s32 $0x100  }
0x5: {  	s19 =	simm.s32 $0x6000;
	s20 =	simm.s32 $0x180;
	s11 =	smul.u32 $0xA0000, s1  }
0x6: {  	s21 =	simm.s32 $0x6800;
	s6 =	sand.u32 $0x1, s3;
	s28 =	smul.u32 $0xA000, s1  }
0x7: {  	s22 =	simm.s32 $0x1;
	s24 =	sshll.u32 s1, $0x1;
	s13 =	smul.u32 $0x5000, s6  }
0x8: {  	s3 =	sadd.s32 $0x17AA00, s4;
	s5 =	sor.u32 s6, s24;
	s30 =	smul.u32 $0x50000, s6  }
0x9: {  	[smem:$0x7FF] =	sst s2;
	s12 =	sadd.s32 $0x18AA00, s4;
	s7 =	smul.u32 $0x5000, s5  }
0xa: {  	s23 =	simm.s32 $0x2;
	_ =	strace $0x8000004A;
	s8 =	smul.u32 $0x50000, s5  }
0xb: {  	s9 =	ssub.s32 $0x2, s6;
	s24 =	simm.s32 $0x3;
	s10 =	smul.u32 $0xA000, s5  }
0xc: {  	s26 =	sshrl.u32 s9, $0x1;
	s11 =	sadd.s32 s30, s11;
	s7 =	sshrl.u32 s7, $0x3  }
0xd: {  	s8 =	sshrl.u32 s8, $0x3;
	s10 =	sadd.s32 s12, s10;
	s11 =	sshrl.u32 s11, $0x3  }
0xe: {  	s25 =	sadd.s32 s7, s4;
	s7 =	ssub.s32 s9, s26;
	s29 =	sadd.s32 s12, s8  }
0xf: {  	s9 =	sadd.s32 s13, s28;
	s8 =	sadd.s32 $0x9E00, s10;
	s26 =	simm.s32 $0x0  }
0x10: {  	s4 =	sadd.s32 $0x166A00, s25;
	s5 =	smax.u32 s7, $0x1;
	s6 =	sadd.s32 $0x9C00, s29  }
0x11: {  	s7 =	sadd.s32 $0x9D00, s10;
	s9 =	sshll.u32 s9, $0x1;
	s25 =	simm.s32 $0x4  }
0x12: {  	s31 =	sadd.s32 s9, s12;
	s9 =	sadd.s32 $0x9F00, s10;
	s10 =	sadd.s32 s11, s12  }
0x13: {  	s11 =	sadd.s32 $0x300, s31;
	s12 =	sadd.s32 $0x200, s31;
	s13 =	sadd.s32 $0x100, s31  }
.LBB2_1:
0x14: {  	[tilespmem:s2], [sflag:$0x5] =	stream.linear.gather [hbm4b:s4+s2], $0x5000, $0x38;
	[tilespmem:$0x7000] =	vst v63  }
0x15: {  	_ =	swait.ge [sflag:s14], $0x5000  }
0x16: {  	[sflag:s14] =	ssyncset.done $0x0  }
0x17: {  	[sflag:s14] =	ssyncadd.s32 $0xFFFFB000  }
0x18: {  	[tilespmem:s16], [sflag:$0x1] =	stream.indirect.gather [hbm4b:s3+s15], $0x10, s2, s15, $0xb8;
	[tilespmem:$0x7000] =	vst v63  }
0x19: {  	_ = 	snop  }
0x1a: {  	[tilespmem:s17], [sflag:$0x2] =	stream.indirect.gather [hbm4b:s3+s15], $0x10, s15, s15, $0xb8;
	[tilespmem:$0x7000] =	vst v63  }
0x1b: {  	_ = 	snop  }
0x1c: {  	[tilespmem:s19], [sflag:$0x3] =	stream.indirect.gather [hbm4b:s3+s15], $0x10, s18, s15, $0xb8;
	[tilespmem:$0x7000] =	vst v63  }
0x1d: {  	_ = 	snop  }
0x1e: {  	[tilespmem:s21], [sflag:$0x4] =	stream.indirect.gather [hbm4b:s3+s15], $0x10, s20, s15, $0xb8;
	[tilespmem:$0x7000] =	vst v63  }
0x1f: {  	_ =	swait.ge [sflag:s22], $0x800  }
0x20: {  	[sflag:s22] =	ssyncset.done $0x0  }
0x21: {  	s28 =	sadd.s32 $0x0, s10;
	[sflag:s22] =	ssyncadd.s32 $0xFFFFF800  }
0x22: {  	[hbm4b:s28+s2] =	stream.linear.scatter [tilespmem:s16], [sflag:$0x5], $0x800, $0x38;
	[tilespmem:$0x7000] =	vst v63  }
0x23: {  	_ =	swait.ge [sflag:s14], $0x800  }
0x24: {  	[sflag:s14] =	ssyncset.done $0x0  }
0x25: {  	s28 =	simm.s32 $0x200;
	[sflag:s14] =	ssyncadd.s32 $0xFFFFF800  }
0x26: {  	[tilespmem:s16], [sflag:$0x1] =	stream.indirect.gather [hbm4b:s3+s15], $0x10, s28, s15, $0xb8;
	[tilespmem:$0x7000] =	vst v63  }
0x27: {  	_ =	swait.ge [sflag:s23], $0x800  }
0x28: {  	[sflag:s23] =	ssyncset.done $0x0  }
0x29: {  	s28 =	sadd.s32 $0x0, s13;
	[sflag:s23] =	ssyncadd.s32 $0xFFFFF800  }
0x2a: {  	[hbm4b:s28+s2] =	stream.linear.scatter [tilespmem:s17], [sflag:$0x5], $0x800, $0x38;
	[tilespmem:$0x7000] =	vst v63  }
0x2b: {  	_ =	swait.ge [sflag:s14], $0x800  }
0x2c: {  	[sflag:s14] =	ssyncset.done $0x0  }
0x2d: {  	s28 =	simm.s32 $0x280;
	[sflag:s14] =	ssyncadd.s32 $0xFFFFF800  }
0x2e: {  	[tilespmem:s17], [sflag:$0x2] =	stream.indirect.gather [hbm4b:s3+s15], $0x10, s28, s15, $0xb8;
	[tilespmem:$0x7000] =	vst v63  }
0x2f: {  	_ =	swait.ge [sflag:s24], $0x800  }
0x30: {  	[sflag:s24] =	ssyncset.done $0x0  }
0x31: {  	s28 =	sadd.s32 $0x0, s12;
	[sflag:s24] =	ssyncadd.s32 $0xFFFFF800  }
0x32: {  	[hbm4b:s28+s2] =	stream.linear.scatter [tilespmem:s19], [sflag:$0x5], $0x800, $0x38;
	[tilespmem:$0x7000] =	vst v63  }
0x33: {  	_ =	swait.ge [sflag:s14], $0x800  }
0x34: {  	[sflag:s14] =	ssyncset.done $0x0  }
0x35: {  	s28 =	simm.s32 $0x300;
	[sflag:s14] =	ssyncadd.s32 $0xFFFFF800  }
0x36: {  	[tilespmem:s19], [sflag:$0x3] =	stream.indirect.gather [hbm4b:s3+s15], $0x10, s28, s15, $0xb8;
	[tilespmem:$0x7000] =	vst v63  }
0x37: {  	_ =	swait.ge [sflag:s25], $0x800  }
0x38: {  	[sflag:s25] =	ssyncset.done $0x0  }
0x39: {  	s28 =	sadd.s32 $0x0, s11;
	[sflag:s25] =	ssyncadd.s32 $0xFFFFF800  }
0x3a: {  	[hbm4b:s28+s2] =	stream.linear.scatter [tilespmem:s21], [sflag:$0x5], $0x800, $0x38;
	[tilespmem:$0x7000] =	vst v63  }
0x3b: {  	_ =	swait.ge [sflag:s14], $0x800  }
0x3c: {  	s29 =	simm.s32 $0x400;
	[sflag:s14] =	ssyncset.done $0x0  }
0x3d: {  	s30 =	simm.s32 $0x580;
	s28 =	simm.s32 $0x380;
	[sflag:s14] =	ssyncadd.s32 $0xFFFFF800  }
.LBB2_2:
0x3e: {  	[tilespmem:s21], [sflag:$0x4] =	stream.indirect.gather [hbm4b:s3+s15], $0x10, s28, s15, $0xb8;
	[tilespmem:$0x7000] =	vst v63  }
0x3f: {  	s31 =	smov.u32 s29;
	s28 =	smov.u32 s30  }
0x40: {  	p0 =	sne.s32 s29, $0x9800;
	s29 =	sadd.s32 $0x400, s29;
	_ =	swait.ge [sflag:s22], $0x800  }
0x41: {  	[sflag:s22] =	ssyncset.done $0x0  }
0x42: {  	s0 =	sadd.s32 s31, s10;
	[sflag:s22] =	ssyncadd.s32 $0xFFFFF800  }
0x43: {  	[hbm4b:s0+s2] =	stream.linear.scatter [tilespmem:s16], [sflag:$0x5], $0x800, $0x38;
	[tilespmem:$0x7000] =	vst v63  }
0x44: {  	_ =	swait.ge [sflag:s14], $0x800  }
0x45: {  	[sflag:s14] =	ssyncset.done $0x0  }
0x46: {  	s0 =	sadd.s32 $0xFFFFFE80, s30;
	[sflag:s14] =	ssyncadd.s32 $0xFFFFF800  }
0x47: {  	[tilespmem:s16], [sflag:$0x1] =	stream.indirect.gather [hbm4b:s3+s15], $0x10, s0, s15, $0xb8;
	[tilespmem:$0x7000] =	vst v63  }
0x48: {  	_ =	swait.ge [sflag:s23], $0x800  }
0x49: {  	[sflag:s23] =	ssyncset.done $0x0  }
0x4a: {  	s0 =	sadd.s32 s31, s13;
	[sflag:s23] =	ssyncadd.s32 $0xFFFFF800  }
0x4b: {  	[hbm4b:s0+s2] =	stream.linear.scatter [tilespmem:s17], [sflag:$0x5], $0x800, $0x38;
	[tilespmem:$0x7000] =	vst v63  }
0x4c: {  	_ =	swait.ge [sflag:s14], $0x800  }
0x4d: {  	[sflag:s14] =	ssyncset.done $0x0  }
0x4e: {  	s0 =	sadd.s32 $0xFFFFFF00, s30;
	[sflag:s14] =	ssyncadd.s32 $0xFFFFF800  }
0x4f: {  	[tilespmem:s17], [sflag:$0x2] =	stream.indirect.gather [hbm4b:s3+s15], $0x10, s0, s15, $0xb8;
	[tilespmem:$0x7000] =	vst v63  }
0x50: {  	_ =	swait.ge [sflag:s24], $0x800  }
0x51: {  	[sflag:s24] =	ssyncset.done $0x0  }
0x52: {  	s0 =	sadd.s32 s31, s12;
	[sflag:s24] =	ssyncadd.s32 $0xFFFFF800  }
0x53: {  	[hbm4b:s0+s2] =	stream.linear.scatter [tilespmem:s19], [sflag:$0x5], $0x800, $0x38;
	[tilespmem:$0x7000] =	vst v63  }
0x54: {  	_ =	swait.ge [sflag:s14], $0x800  }
0x55: {  	[sflag:s14] =	ssyncset.done $0x0  }
0x56: {  	s0 =	sadd.s32 $0xFFFFFF80, s30;
	[sflag:s14] =	ssyncadd.s32 $0xFFFFF800  }
0x57: {  	[tilespmem:s19], [sflag:$0x3] =	stream.indirect.gather [hbm4b:s3+s15], $0x10, s0, s15, $0xb8;
	[tilespmem:$0x7000] =	vst v63  }
0x58: {  	_ =	swait.ge [sflag:s25], $0x800  }
0x59: {  	[sflag:s25] =	ssyncset.done $0x0  }
.Ltmp0:
0x5a: {  	s0 =	sadd.s32 s31, s11;
	[sflag:s25] =	ssyncadd.s32 $0xFFFFF800;
	(pc) =	sbr.rel @p0 .LBB2_2-.Ltmp0, $4  }
0x5b: {  	[hbm4b:s0+s2] =	stream.linear.scatter [tilespmem:s21], [sflag:$0x5], $0x800, $0x38;
	[tilespmem:$0x7000] =	vst v63  }
0x5c: {  	_ =	swait.ge [sflag:s14], $0x800  }
0x5d: {  	[sflag:s14] =	ssyncset.done $0x0  }
0x5e: {  	s30 =	sadd.s32 $0x200, s30;
	[sflag:s14] =	ssyncadd.s32 $0xFFFFF800  }
0x5f: {  	[tilespmem:s21], [sflag:$0x4] =	stream.indirect.gather [hbm4b:s3+s15], $0x10, s28, s15, $0xb8;
	[tilespmem:$0x7000] =	vst v63  }
0x60: {  	_ =	swait.ge [sflag:s22], $0x800  }
0x61: {  	[sflag:s22] =	ssyncset.done $0x0  }
0x62: {  	[sflag:s22] =	ssyncadd.s32 $0xFFFFF800  }
0x63: {  	[hbm4b:s6+s2] =	stream.linear.scatter [tilespmem:s16], [sflag:$0x5], $0x800, $0x38;
	[tilespmem:$0x7000] =	vst v63  }
0x64: {  	_ =	swait.ge [sflag:s14], $0x800  }
0x65: {  	[sflag:s14] =	ssyncset.done $0x0  }
0x66: {  	[sflag:s14] =	ssyncadd.s32 $0xFFFFF800  }
0x67: {  	_ =	swait.ge [sflag:s23], $0x800  }
0x68: {  	[sflag:s23] =	ssyncset.done $0x0  }
0x69: {  	[sflag:s23] =	ssyncadd.s32 $0xFFFFF800  }
0x6a: {  	[hbm4b:s7+s2] =	stream.linear.scatter [tilespmem:s17], [sflag:$0x5], $0x800, $0x38;
	[tilespmem:$0x7000] =	vst v63  }
0x6b: {  	_ =	swait.ge [sflag:s14], $0x800  }
0x6c: {  	[sflag:s14] =	ssyncset.done $0x0  }
0x6d: {  	[sflag:s14] =	ssyncadd.s32 $0xFFFFF800  }
0x6e: {  	_ =	swait.ge [sflag:s24], $0x800  }
0x6f: {  	[sflag:s24] =	ssyncset.done $0x0  }
0x70: {  	[sflag:s24] =	ssyncadd.s32 $0xFFFFF800  }
0x71: {  	[hbm4b:s8+s2] =	stream.linear.scatter [tilespmem:s19], [sflag:$0x5], $0x800, $0x38;
	[tilespmem:$0x7000] =	vst v63  }
0x72: {  	_ =	swait.ge [sflag:s14], $0x800  }
0x73: {  	[sflag:s14] =	ssyncset.done $0x0  }
0x74: {  	[sflag:s14] =	ssyncadd.s32 $0xFFFFF800  }
0x75: {  	s26 =	sadd.s32 $0x1, s26;
	_ =	swait.ge [sflag:s25], $0x800  }
0x76: {  	p0 =	sne.s32 s26, s5;
	[sflag:s25] =	ssyncset.done $0x0  }
.Ltmp1:
0x77: {  	[sflag:s25] =	ssyncadd.s32 $0xFFFFF800;
	(pc) =	sbr.rel @p0 .LBB2_1-.Ltmp1, $4  }
0x78: {  	[hbm4b:s9+s2] =	stream.linear.scatter [tilespmem:s21], [sflag:$0x5], $0x800, $0x38;
	[tilespmem:$0x7000] =	vst v63  }
0x79: {  	_ =	swait.ge [sflag:s14], $0x800  }
0x7a: {  	[sflag:s14] =	ssyncset.done $0x0  }
0x7b: {  	[sflag:s14] =	ssyncadd.s32 $0xFFFFF800  }
0x7c: {  	_ =	sfence.sel $0x180000  }
0x7d: {  	[bflag:$0x0] =	sbarrier.arrive $0xFFFF  }
0x7e: {  	_ =	strace $0x9000004A  }
0x7f: {  	[bflag:$0x2] =	sbarrier.arrive $0xFFFF  }
0x80: {  	p0 =	sne.s32 s1, $0x0;
	s0 =	rddreg [dreg:$0x1]  }
0x81: {  	s0 =	sadd.s32 @!p0 $0x100000, s0  }
0x82: {  	[sflag:s0] =	ssyncadd.tile.s32 @!p0 $0x1;
	_ =	shalt  }
.Lfunc_end2:
_tile_overlayer_lowered:
.L_overlay_start_2:
0x83: {  	(tag) =	ssettag $0x2  }
0x84: {  	s0 =	rddreg [dreg:$0x0];
	s2 =	stileid.u32  }
0x85: {  	s1 =	rddreg [dreg:$0x1];
	p0 =	sne.s32 s2, $0x0  }
0x86: {  	s3 =	rddreg [dreg:$0x2];
	[bflag:$0x3] =	sbarrier.arrive $0xFFFF;
	s2 =	simm.s32 @!p0 $0x1C05  }
0x87: {  	[timem:s3], [sflag:s2] =	dma.local @!p0 [hbm:s0], s1  }
0x88: {  	s0 =	simm.s32 @!p0 $0x5  }
0x89: {  	_ =	swait.ge @!p0 [sflag:s0], s1  }
0x8a: {  	s1 =	ssub.s32 @!p0 $0x0, s1;
	[sflag:s0] =	ssyncset.done @!p0 $0x0  }
0x8b: {  	[sflag:s0] =	ssyncadd.s32 @!p0 s1  }
0x8c: {  	[bflag:$0x3] =	sbarrier.arrive $0xFFFF  }
0x8d: {  	_ =	shalt  }

// kernel: kernel.17.cloned.1.call-start
scs
__scs_entry_jumppad:
0x0: {  	(pc) =	sbr.rel $0x88, $3  }
0x1: {  	(tag) =	ssettag $0x0;
	lr =	simm.s32 $0x1  }
0x2: {  	[smem:$0x3F9A] =	sst lr;
	_ =	strace $0xD0000000  }
0x3: {  	_ = 	snop  }
0x4: {  	_ = 	snop  }
0x5: {  	_ = 	snop  }
0x6: {  	_ = 	snop  }
0x7: {  	_ = 	snop  }
__scs_overlays_trampoline_lowered:
0x8: {  	[smem:$0x3FA9] =	sst s0  }
0x9: {  	[smem:$0x3FAA] =	sst s1  }
0xa: {  	[smem:$0x3FAB] =	sst s2  }
0xb: {  	[smem:$0x3FAC] =	sst s3  }
0xc: {  	[smem:$0x3FAD] =	sst s4  }
0xd: {  	[smem:$0x3FAE] =	sst s5  }
0xe: {  	[smem:$0x3FAF] =	sst s6  }
0xf: {  	[smem:$0x3FB0] =	sst s7  }
0x10: {  	[smem:$0x3FB1] =	sst s8  }
0x11: {  	[smem:$0x3FB2] =	sst s9;
	s0 =	simm.s32 @!p0 $0x0  }
0x12: {  	s1 =	sld [smem:$0x3F98];
	s0 =	simm.s32 @p0 $0x1  }
0x13: {  	[smem:$0x3FB3] =	sst s0;
	s0 =	simm.s32 @!p1 $0x0  }
0x14: {  	s2 =	sld [smem:$0x3F97];
	s0 =	simm.s32 @p1 $0x1  }
0x15: {  	[smem:$0x3FB4] =	sst s0;
	s0 =	simm.s32 @!p2 $0x0  }
0x16: {  	s3 =	sld [smem:$0x3FDB];
	s0 =	simm.s32 @p2 $0x1  }
0x17: {  	s4 =	simm.s32 $0x1BF5;
	[smem:$0x3FB6] =	sst s0  }
0x18: {  	s0 =	sld [smem:$0x3F99];
	_ =	swait.ge [sflag:s4], $0x0  }
0x19: {  	s7 =	sld [smem:$0x3F9A]  }
0x1a: {  	s8 =	sadd.s32 $0xFFFFE003, lr  }
0x1b: {  	s9 =	sadd.s32 $0xFFFFFEF7, lr;
	s5 =	simm.s32 $0xFFFFFFFF;
	p2 =	slt.u32 s8, $0xFFFFF086  }
0x1c: {  	p1 =	slt.u32 s9, $0xF7A;
	s5 =	simm.s32 @!p2 $0x0  }
0x1d: {  	s5 =	simm.s32 @p1 $0x1;
	p0 =	seq.s32 s7, s2  }
0x1e: {  	s7 =	smul.u32 @!p0 $0xF7A, s2;
	p2 =	seq.s32 @!p0 s5, $0x0  }
0x1f: {  	s9 =	smul.u32 $0xF7A, s1;
	s8 =	simm.s32 @!p0 $0x1BF5;
	p2 =	por !p2, p0  }
0x20: {  	[sflag:s8] =	ssyncset.s32 @!p0 $0xFFFFF086;
	s6 =	sadd.s32 @!p0 s3, s7;
	s7 =	simm.s32 @!p0 $0x108  }
0x21: {  	s3 =	sadd.s32 s3, s9;
	s6 =	sadd.s32 @!p0 $0x88, s6;
	s7 =	simm.s32 @p2 $0x1082  }
0x22: {  	[simem:s7], [sflag:s8] =	dma.local @!p0 [hbm:s6], $0xF7A  }
0x23: {  	s9 =	sor.u32 $0xD0000000, s2;
	s6 =	simm.s32 $0x108;
	_ =	swait.ge @!p0 [sflag:s8], $0x0  }
0x24: {  	s3 =	sadd.s32 $0x88, s3;
	s6 =	simm.s32 @!p1 $0x1082;
	[sflag:s4] =	ssyncset.s32 $0xFFFFF086  }
0x25: {  	[simem:s6], [sflag:s4] =	dma.local [hbm:s3], $0xF7A  }
0x26: {  	[smem:$0x3F9A] =	sst s1;
	(tag) =	ssettag s2;
	_ =	strace s9  }
0x27: {  	s1 =	sld [smem:$0x3FAA]  }
0x28: {  	s2 =	sld [smem:$0x3FAB]  }
0x29: {  	s4 =	sld [smem:$0x3FAD]  }
0x2a: {  	p0 =	seq.s32 s5, $0x0;
	s5 =	sld [smem:$0x3FAE]  }
0x2b: {  	s6 =	sld [smem:$0x3FAF]  }
0x2c: {  	s7 =	sld [smem:$0x3FB0]  }
0x2d: {  	s3 =	simm.s32 $0x108;
	s8 =	sld [smem:$0x3FB1]  }
0x2e: {  	s3 =	simm.s32 @!p0 $0x1082;
	s9 =	sld [smem:$0x3FB2]  }
0x2f: {  	lr =	sadd.s32 s0, s3;
	s0 =	sld [smem:$0x3FA9]  }
0x30: {  	s3 =	sld [smem:$0x3FAC]  }
0x31: {  	[smem:$0x3FB5] =	sst s10  }
0x32: {  	s10 =	sld [smem:$0x3FB3];
	_ =	sdelay $0x3  }
0x33: {  	p0 =	seq.s32 s10, $0x1;
	s10 =	sld [smem:$0x3FB5];
	_ =	sdelay $0x3  }
0x34: {  	[smem:$0x3FB5] =	sst s10  }
0x35: {  	s10 =	sld [smem:$0x3FB4];
	_ =	sdelay $0x3  }
0x36: {  	p1 =	seq.s32 s10, $0x1;
	s10 =	sld [smem:$0x3FB5];
	_ =	sdelay $0x3  }
0x37: {  	[smem:$0x3FB5] =	sst s10  }
0x38: {  	s10 =	sld [smem:$0x3FB6]  }
0x39: {  	_ = 	snop;
	(pc) =	sbr.ind lr, $3  }
0x3a: {  	_ = 	snop  }
0x3b: {  	_ = 	snop  }
0x3c: {  	p2 =	seq.s32 s10, $0x1;
	s10 =	sld [smem:$0x3FB5]  }
0x3d: {  	_ =	shalt  }
0x3e: {  	_ =	shalt  }
0x3f: {  	_ =	shalt  }
0x40: {  	_ =	shalt  }
0x41: {  	_ =	shalt  }
0x42: {  	_ =	shalt  }
0x43: {  	_ =	shalt  }
0x44: {  	_ =	shalt  }
0x45: {  	_ =	shalt  }
0x46: {  	_ =	shalt  }
0x47: {  	_ =	shalt  }
0x48: {  	_ =	shalt  }
0x49: {  	_ =	shalt  }
0x4a: {  	_ =	shalt  }
0x4b: {  	_ =	shalt  }
0x4c: {  	_ =	shalt  }
0x4d: {  	_ =	shalt  }
0x4e: {  	_ =	shalt  }
0x4f: {  	_ =	shalt  }
0x50: {  	_ =	shalt  }
0x51: {  	_ =	shalt  }
0x52: {  	_ =	shalt  }
0x53: {  	_ =	shalt  }
0x54: {  	_ =	shalt  }
0x55: {  	_ =	shalt  }
0x56: {  	_ =	shalt  }
0x57: {  	_ =	shalt  }
0x58: {  	_ =	shalt  }
0x59: {  	_ =	shalt  }
0x5a: {  	_ =	shalt  }
0x5b: {  	_ =	shalt  }
0x5c: {  	_ =	shalt  }
0x5d: {  	_ =	shalt  }
0x5e: {  	_ =	shalt  }
0x5f: {  	_ =	shalt  }
0x60: {  	_ =	shalt  }
0x61: {  	_ =	shalt  }
0x62: {  	_ =	shalt  }
0x63: {  	_ =	shalt  }
0x64: {  	_ =	shalt  }
0x65: {  	_ =	shalt  }
0x66: {  	_ =	shalt  }
0x67: {  	_ =	shalt  }
0x68: {  	_ =	shalt  }
0x69: {  	_ =	shalt  }
0x6a: {  	_ =	shalt  }
0x6b: {  	_ =	shalt  }
0x6c: {  	_ =	shalt  }
0x6d: {  	_ =	shalt  }
0x6e: {  	_ =	shalt  }
0x6f: {  	_ =	shalt  }
0x70: {  	_ =	shalt  }
0x71: {  	_ =	shalt  }
0x72: {  	_ =	shalt  }
0x73: {  	_ =	shalt  }
0x74: {  	_ =	shalt  }
0x75: {  	_ =	shalt  }
0x76: {  	_ =	shalt  }
0x77: {  	_ =	shalt  }
0x78: {  	_ =	shalt  }
0x79: {  	_ =	shalt  }
0x7a: {  	_ =	shalt  }
0x7b: {  	_ =	shalt  }
0x7c: {  	_ =	shalt  }
0x7d: {  	_ =	shalt  }
0x7e: {  	_ =	shalt  }
0x7f: {  	_ =	shalt  }
0x80: {  	_ =	shalt  }
0x81: {  	_ =	shalt  }
0x82: {  	_ =	shalt  }
0x83: {  	_ =	shalt  }
0x84: {  	_ =	shalt  }
0x85: {  	_ =	shalt  }
0x86: {  	_ =	shalt  }
0x87: {  	_ =	shalt  }
.Lfunc_end0:
.L_simem_size_0:
called_computation.1_lowered:
.L_overlay_start_0:
0x88: {  	s2 =	sld [smem:$0x3FD9]  }
0x89: {  	s3 =	sld [smem:$0x3FFE];
	_ =	sdelay $0x1  }
0x8a: {  	s1 =	srdreg.scid  }
0x8b: {  	s0 =	sand.u32 $0x1, s1  }
0x8c: {  	s17 =	sshll.u32 s0, $0xA;
	s2 =	sadd.s32 s3, s2  }
0x8d: {  	s2 =	sadd.s32 s2, s17  }
0x8e: {  	[smem:$0x3FC1] =	sst s2  }
0x8f: {  	_ = 	snop  }
0x90: {  	(tm) =	ssettm $0x1  }
0x91: {  	s18 =	sld [smem:$0x3FFB];
	_ =	sdelay $0x3  }
0x92: {  	_ =	strace s18  }
0x93: {  	s2 =	sld [smem:$0x3FFC];
	_ =	sdelay $0x3  }
0x94: {  	_ =	strace s2  }
0x95: {  	s2 =	sld [smem:$0x3FFD];
	_ =	sdelay $0x3  }
0x96: {  	_ =	strace s2  }
0x97: {  	_ =	strace $0x8FFFFFFF  }
0x98: {  	s19 =	sld [smem:$0x3FDB];
	_ =	sdelay $0x1  }
0x99: {  	s20 =	simm.s32 $_scs_section_size  }
0x9a: {  	s4 =	simm.s32 $_size__tile_overlayer_lowered;
	s5 =	simm.s32 $_tile_overlayer_lowered  }
0x9b: {  	s6 =	simm.s32 $0x1BFF;
	s21 =	sshll.u32 s5, $0x1;
	s3 =	sadd.s32 s20, s19  }
0x9c: {  	s22 =	simm.s32 $0x0;
	s4 =	sshll.u32 s4, $0x1;
	s5 =	sadd.s32 s21, s3  }
0x9d: {  	[timem:s22], [sflag:s6] =	dma.local [hbm:s5], s4  }
0x9e: {  	_ =	swait.ge [sflag:s6], s4  }
0x9f: {  	s4 =	ssub.s32 $0x0, s4;
	[sflag:s6] =	ssyncset.done $0x0  }
0xa0: {  	[sflag:s6] =	ssyncadd.s32 s4;
	_ =	sdelay $0x1  }
0xa1: {  	s23 =	simm.s32 $0x1B8B  }
0xa2: {  	_ =	swait.ge [sflag:s23], $0x1  }
0xa3: {  	[sflag:s23] =	ssyncset.done $0x0  }
0xa4: {  	[sflag:s23] =	ssyncadd.s32 $0xFFFFFFFF  }
0xa5: {  	s4 =	sld [smem:$0x0]  }
0xa6: {  	s5 =	sand.u32 $0xFFFFFFFE, s1  }
0xa7: {  	p0 =	sne.s32 s1, s5  }
0xa8: {  	s5 =	sshll.u32 @p0 s5, $0xE  }
0xa9: {  	s5 =	sadd.s32 @p0 $0x11B8D, s5;
	s6 =	sshll.u32 @p0 s4, $0x11  }
0xaa: {  	s5 =	sor.u32 @p0 s6, s5  }
0xab: {  	[sflag:s5] =	ssyncadd.remote.s32 @p0 $0x1;
	_ =	sdelay $0x1  }
0xac: {  	s5 =	simm.s32 @p0 $0x1B8D  }
0xad: {  	_ =	swait.eq @p0 [sflag:s5], $0x1  }
0xae: {  	[sflag:s5] =	ssyncadd.s32 @p0 $0xFFFFFFFF  }
0xaf: {  	s6 =	sshll.u32 @!p0 s1, $0xE  }
0xb0: {  	s6 =	sor.u32 @!p0 $0x4000, s6;
	s5 =	simm.s32 @!p0 $0x1B8D  }
0xb1: {  	s4 =	sshll.u32 @!p0 s4, $0x11;
	s6 =	sadd.s32 @!p0 $0x11B8D, s6;
	_ =	swait.eq @!p0 [sflag:s5], $0x1  }
0xb2: {  	s4 =	sor.u32 @!p0 s4, s6;
	[sflag:s5] =	ssyncadd.s32 @!p0 $0xFFFFFFFF  }
0xb3: {  	s25 =	simm.s32 $0x1B8E;
	s24 =	sld [smem:$0x3FFE];
	[sflag:s4] =	ssyncadd.remote.s32 @!p0 $0x1  }
0xb4: {  	s26 =	simm.s32 $execute0_lowered;
	[smem:$0x3FD2] =	sst s25  }
0xb5: {  	s5 =	sshll.u32 s26, $0x1;
	_ =	strace $0x8000004F;
	[dreg:$0x1] =	wrdreg $0xFFFFFFFF  }
0xb6: {  	s28 =	simm.s32 $_size_execute0_lowered;
	s3 =	sadd.s32 s3, s5;
	[dreg:$0x0] =	wrdreg $0x0  }
0xb7: {  	s5 =	sshll.u32 s28, $0x1;
	[dreg:$0x2] =	wrdreg s3  }
0xb8: {  	[dreg:$0x3] =	wrdreg s5  }
0xb9: {  	[dreg:$0x4] =	wrdreg $0xC0  }
0xba: {  	_ =	task [dreg:s22], $0x5FFFF  }
0xbb: {  	[dreg:$0x1] =	wrdreg $0xFFFFFFFF  }
0xbc: {  	[dreg:$0x0] =	wrdreg $0x60  }
0xbd: {  	[dreg:$0x2] =	wrdreg s24  }
0xbe: {  	[dreg:$0x3] =	wrdreg $0x9  }
0xbf: {  	_ =	task.clear_ibuf [dreg:s22], $0x4FFFF;
	_ =	strace $0x9000004F  }
0xc0: {  	s29 =	simm.s32 $0x9;
	_ =	strace $0x80000051  }
0xc1: {  	_ =	swait.ge [sflag:s29], $0x1  }
0xc2: {  	[sflag:s29] =	ssyncadd.s32 $0xFFFFFFFF  }
0xc3: {  	_ =	strace $0x90000051  }
0xc4: {  	_ =	sfence  }
0xc5: {  	s30 =	sld [smem:$0x0];
	_ =	sdelay $0x2  }
0xc6: {  	s31 =	sshll.u32 s1, $0xD;
	s1 =	sshrl.u32 s1, $0x2  }
0xc7: {  	s4 =	sand.u32 $0x4000, s31;
	s1 =	sadd.s32 s1, s30  }
0xc8: {  	s0 =	sor.u32 s4, s0;
	s1 =	sshll.u32 s1, $0x11  }
0xc9: {  	s0 =	sor.u32 s1, s0  }
0xca: {  	s0 =	sadd.s32 $0x8F2B, s0  }
0xcb: {  	[sflag:s0] =	ssyncadd.remote.s32 $0x1  }
0xcc: {  	_ =	sfence.sel $0xFFFF  }
0xcd: {  	[dreg:$0x0] =	wrdreg $0xFFFFFFFF;
	(pc) =	sbr.abs _section_cstart, $3  }
0xce: {  	[dreg:$0x1] =	wrdreg $0xFFFFFFFF  }
0xcf: {  	_ =	task.clear_ibuf [dreg:s22], $0x2FFFF;
	_ =	strace $0x9FFFFFFF  }
0xd0: {  	(tm) =	ssettm $0x7FFFFFFF  }
0xd1: {  	_ =	shalt  }
tec
execute0_lowered:
.L_overlay_start_1:
0x0: {  	(tag) =	ssettag $0x1  }
0x1: {  	s1 =	srdreg.scid  }
0x2: {  	s0 =	stileid.u32;
	s4 =	rddreg [dreg:$0x0];
	s2 =	simm.s32 $0x0  }
0x3: {  	s14 =	simm.s32 $0x5;
	s15 =	simm.s32 $0x80;
	s16 =	simm.s32 $0x5000  }
0x4: {  	s17 =	simm.s32 $0x6000;
	s18 =	simm.s32 $0x100;
	s19 =	simm.s32 $0x7000  }
0x5: {  	s20 =	simm.s32 $0x180;
	s21 =	simm.s32 $0x8000;
	s11 =	smul.u32 $0x140000, s0  }
0x6: {  	s22 =	simm.s32 $0x1;
	s6 =	sand.u32 $0x1, s1;
	s28 =	smul.u32 $0xA000, s0  }
0x7: {  	s23 =	simm.s32 $0x2;
	s3 =	sshll.u32 s0, $0x1;
	s13 =	smul.u32 $0x5000, s6  }
0x8: {  	s24 =	simm.s32 $0x3;
	s5 =	sor.u32 s6, s3;
	s30 =	smul.u32 $0xA0000, s6  }
0x9: {  	[smem:$0x7FF] =	sst s2;
	s12 =	sadd.s32 $0x54D200, s4;
	s7 =	smul.u32 $0x5000, s5  }
0xa: {  	s1 =	rddreg [dreg:$0x1];
	_ =	strace $0x80000050;
	s8 =	smul.u32 $0xA0000, s5  }
0xb: {  	s3 =	sadd.s32 $0x36A00, s4;
	s9 =	ssub.s32 $0x2, s6;
	s10 =	smul.u32 $0x14000, s5  }
0xc: {  	s26 =	sshrl.u32 s9, $0x1;
	s11 =	sadd.s32 s30, s11;
	s7 =	sshrl.u32 s7, $0x3  }
0xd: {  	s8 =	sshrl.u32 s8, $0x3;
	s10 =	sadd.s32 s12, s10;
	s11 =	sshrl.u32 s11, $0x3  }
0xe: {  	s25 =	sadd.s32 s7, s4;
	s7 =	ssub.s32 s9, s26;
	s29 =	sadd.s32 s12, s8  }
0xf: {  	s9 =	sadd.s32 s13, s28;
	s8 =	sadd.s32 $0x13C00, s10;
	s26 =	simm.s32 $0x0  }
0x10: {  	s4 =	sadd.s32 $0x166A00, s25;
	s5 =	smax.u32 s7, $0x1;
	s6 =	sadd.s32 $0x13800, s29  }
0x11: {  	s7 =	sadd.s32 $0x13A00, s10;
	s9 =	sshll.u32 s9, $0x2;
	s25 =	simm.s32 $0x4  }
0x12: {  	s31 =	sadd.s32 s9, s12;
	s9 =	sadd.s32 $0x13E00, s10;
	s10 =	sadd.s32 s11, s12  }
0x13: {  	s11 =	sadd.s32 $0x600, s31;
	s12 =	sadd.s32 $0x400, s31;
	s13 =	sadd.s32 $0x200, s31  }
.LBB2_1:
0x14: {  	[tilespmem:s2], [sflag:$0x5] =	stream.linear.gather [hbm4b:s4+s2], $0x5000, $0x38;
	[tilespmem:$0x9000] =	vst v63  }
0x15: {  	_ =	swait.ge [sflag:s14], $0x5000  }
0x16: {  	[sflag:s14] =	ssyncset.done $0x0  }
0x17: {  	[sflag:s14] =	ssyncadd.s32 $0xFFFFB000  }
0x18: {  	[tilespmem:s16], [sflag:$0x1] =	stream.indirect.gather [hbm4b:s3+s15], $0x20, s2, s15, $0xb8;
	[tilespmem:$0x9000] =	vst v63  }
0x19: {  	_ = 	snop  }
0x1a: {  	[tilespmem:s17], [sflag:$0x2] =	stream.indirect.gather [hbm4b:s3+s15], $0x20, s15, s15, $0xb8;
	[tilespmem:$0x9000] =	vst v63  }
0x1b: {  	_ = 	snop  }
0x1c: {  	[tilespmem:s19], [sflag:$0x3] =	stream.indirect.gather [hbm4b:s3+s15], $0x20, s18, s15, $0xb8;
	[tilespmem:$0x9000] =	vst v63  }
0x1d: {  	_ = 	snop  }
0x1e: {  	[tilespmem:s21], [sflag:$0x4] =	stream.indirect.gather [hbm4b:s3+s15], $0x20, s20, s15, $0xb8;
	[tilespmem:$0x9000] =	vst v63  }
0x1f: {  	_ =	swait.ge [sflag:s22], $0x1000  }
0x20: {  	[sflag:s22] =	ssyncset.done $0x0  }
0x21: {  	s28 =	sadd.s32 $0x0, s10;
	[sflag:s22] =	ssyncadd.s32 $0xFFFFF000  }
0x22: {  	[hbm4b:s28+s2] =	stream.linear.scatter [tilespmem:s16], [sflag:$0x5], $0x1000, $0x38;
	[tilespmem:$0x9000] =	vst v63  }
0x23: {  	_ =	swait.ge [sflag:s14], $0x1000  }
0x24: {  	[sflag:s14] =	ssyncset.done $0x0  }
0x25: {  	s28 =	simm.s32 $0x200;
	[sflag:s14] =	ssyncadd.s32 $0xFFFFF000  }
0x26: {  	[tilespmem:s16], [sflag:$0x1] =	stream.indirect.gather [hbm4b:s3+s15], $0x20, s28, s15, $0xb8;
	[tilespmem:$0x9000] =	vst v63  }
0x27: {  	_ =	swait.ge [sflag:s23], $0x1000  }
0x28: {  	[sflag:s23] =	ssyncset.done $0x0  }
0x29: {  	s28 =	sadd.s32 $0x0, s13;
	[sflag:s23] =	ssyncadd.s32 $0xFFFFF000  }
0x2a: {  	[hbm4b:s28+s2] =	stream.linear.scatter [tilespmem:s17], [sflag:$0x5], $0x1000, $0x38;
	[tilespmem:$0x9000] =	vst v63  }
0x2b: {  	_ =	swait.ge [sflag:s14], $0x1000  }
0x2c: {  	[sflag:s14] =	ssyncset.done $0x0  }
0x2d: {  	s28 =	simm.s32 $0x280;
	[sflag:s14] =	ssyncadd.s32 $0xFFFFF000  }
0x2e: {  	[tilespmem:s17], [sflag:$0x2] =	stream.indirect.gather [hbm4b:s3+s15], $0x20, s28, s15, $0xb8;
	[tilespmem:$0x9000] =	vst v63  }
0x2f: {  	_ =	swait.ge [sflag:s24], $0x1000  }
0x30: {  	[sflag:s24] =	ssyncset.done $0x0  }
0x31: {  	s28 =	sadd.s32 $0x0, s12;
	[sflag:s24] =	ssyncadd.s32 $0xFFFFF000  }
0x32: {  	[hbm4b:s28+s2] =	stream.linear.scatter [tilespmem:s19], [sflag:$0x5], $0x1000, $0x38;
	[tilespmem:$0x9000] =	vst v63  }
0x33: {  	_ =	swait.ge [sflag:s14], $0x1000  }
0x34: {  	[sflag:s14] =	ssyncset.done $0x0  }
0x35: {  	s28 =	simm.s32 $0x300;
	[sflag:s14] =	ssyncadd.s32 $0xFFFFF000  }
0x36: {  	[tilespmem:s19], [sflag:$0x3] =	stream.indirect.gather [hbm4b:s3+s15], $0x20, s28, s15, $0xb8;
	[tilespmem:$0x9000] =	vst v63  }
0x37: {  	_ =	swait.ge [sflag:s25], $0x1000  }
0x38: {  	[sflag:s25] =	ssyncset.done $0x0  }
0x39: {  	s28 =	sadd.s32 $0x0, s11;
	[sflag:s25] =	ssyncadd.s32 $0xFFFFF000  }
0x3a: {  	[hbm4b:s28+s2] =	stream.linear.scatter [tilespmem:s21], [sflag:$0x5], $0x1000, $0x38;
	[tilespmem:$0x9000] =	vst v63  }
0x3b: {  	_ =	swait.ge [sflag:s14], $0x1000  }
0x3c: {  	[sflag:s14] =	ssyncset.done $0x0  }
0x3d: {  	s29 =	simm.s32 $0x380;
	s28 =	simm.s32 $0x800;
	[sflag:s14] =	ssyncadd.s32 $0xFFFFF000  }
.LBB2_2:
0x3e: {  	[tilespmem:s21], [sflag:$0x4] =	stream.indirect.gather [hbm4b:s3+s15], $0x20, s29, s15, $0xb8;
	[tilespmem:$0x9000] =	vst v63  }
0x3f: {  	s29 =	smov.u32 s28  }
0x40: {  	p0 =	sne.s32 s28, $0x13000;
	s28 =	sadd.s32 $0x800, s28;
	_ =	swait.ge [sflag:s22], $0x1000  }
0x41: {  	[sflag:s22] =	ssyncset.done $0x0  }
0x42: {  	s30 =	sadd.s32 s29, s10;
	[sflag:s22] =	ssyncadd.s32 $0xFFFFF000  }
0x43: {  	[hbm4b:s30+s2] =	stream.linear.scatter [tilespmem:s16], [sflag:$0x5], $0x1000, $0x38;
	[tilespmem:$0x9000] =	vst v63  }
0x44: {  	_ =	swait.ge [sflag:s14], $0x1000  }
0x45: {  	s30 =	sshra.s32 s29, $0x2;
	[sflag:s14] =	ssyncset.done $0x0  }
0x46: {  	s31 =	sadd.s32 $0x200, s30;
	[sflag:s14] =	ssyncadd.s32 $0xFFFFF000  }
0x47: {  	[tilespmem:s16], [sflag:$0x1] =	stream.indirect.gather [hbm4b:s3+s15], $0x20, s31, s15, $0xb8;
	[tilespmem:$0x9000] =	vst v63  }
0x48: {  	_ =	swait.ge [sflag:s23], $0x1000  }
0x49: {  	[sflag:s23] =	ssyncset.done $0x0  }
0x4a: {  	s31 =	sadd.s32 s29, s13;
	[sflag:s23] =	ssyncadd.s32 $0xFFFFF000  }
0x4b: {  	[hbm4b:s31+s2] =	stream.linear.scatter [tilespmem:s17], [sflag:$0x5], $0x1000, $0x38;
	[tilespmem:$0x9000] =	vst v63  }
0x4c: {  	_ =	swait.ge [sflag:s14], $0x1000  }
0x4d: {  	[sflag:s14] =	ssyncset.done $0x0  }
0x4e: {  	s31 =	sadd.s32 $0x280, s30;
	[sflag:s14] =	ssyncadd.s32 $0xFFFFF000  }
0x4f: {  	[tilespmem:s17], [sflag:$0x2] =	stream.indirect.gather [hbm4b:s3+s15], $0x20, s31, s15, $0xb8;
	[tilespmem:$0x9000] =	vst v63  }
0x50: {  	_ =	swait.ge [sflag:s24], $0x1000  }
0x51: {  	[sflag:s24] =	ssyncset.done $0x0  }
0x52: {  	s31 =	sadd.s32 s29, s12;
	[sflag:s24] =	ssyncadd.s32 $0xFFFFF000  }
0x53: {  	[hbm4b:s31+s2] =	stream.linear.scatter [tilespmem:s19], [sflag:$0x5], $0x1000, $0x38;
	[tilespmem:$0x9000] =	vst v63  }
0x54: {  	_ =	swait.ge [sflag:s14], $0x1000  }
0x55: {  	[sflag:s14] =	ssyncset.done $0x0  }
0x56: {  	s31 =	sadd.s32 $0x300, s30;
	[sflag:s14] =	ssyncadd.s32 $0xFFFFF000  }
0x57: {  	[tilespmem:s19], [sflag:$0x3] =	stream.indirect.gather [hbm4b:s3+s15], $0x20, s31, s15, $0xb8;
	[tilespmem:$0x9000] =	vst v63  }
0x58: {  	_ =	swait.ge [sflag:s25], $0x1000  }
0x59: {  	[sflag:s25] =	ssyncset.done $0x0  }
.Ltmp0:
0x5a: {  	s29 =	sadd.s32 s29, s11;
	[sflag:s25] =	ssyncadd.s32 $0xFFFFF000;
	(pc) =	sbr.rel @p0 .LBB2_2-.Ltmp0, $4  }
0x5b: {  	[hbm4b:s29+s2] =	stream.linear.scatter [tilespmem:s21], [sflag:$0x5], $0x1000, $0x38;
	[tilespmem:$0x9000] =	vst v63  }
0x5c: {  	_ =	swait.ge [sflag:s14], $0x1000  }
0x5d: {  	[sflag:s14] =	ssyncset.done $0x0  }
0x5e: {  	s29 =	sadd.s32 $0x380, s30;
	[sflag:s14] =	ssyncadd.s32 $0xFFFFF000  }
0x5f: {  	[tilespmem:s21], [sflag:$0x4] =	stream.indirect.gather [hbm4b:s3+s15], $0x20, s29, s15, $0xb8;
	[tilespmem:$0x9000] =	vst v63  }
0x60: {  	_ =	swait.ge [sflag:s22], $0x1000  }
0x61: {  	[sflag:s22] =	ssyncset.done $0x0  }
0x62: {  	[sflag:s22] =	ssyncadd.s32 $0xFFFFF000  }
0x63: {  	[hbm4b:s6+s2] =	stream.linear.scatter [tilespmem:s16], [sflag:$0x5], $0x1000, $0x38;
	[tilespmem:$0x9000] =	vst v63  }
0x64: {  	_ =	swait.ge [sflag:s14], $0x1000  }
0x65: {  	[sflag:s14] =	ssyncset.done $0x0  }
0x66: {  	[sflag:s14] =	ssyncadd.s32 $0xFFFFF000  }
0x67: {  	_ =	swait.ge [sflag:s23], $0x1000  }
0x68: {  	[sflag:s23] =	ssyncset.done $0x0  }
0x69: {  	[sflag:s23] =	ssyncadd.s32 $0xFFFFF000  }
0x6a: {  	[hbm4b:s7+s2] =	stream.linear.scatter [tilespmem:s17], [sflag:$0x5], $0x1000, $0x38;
	[tilespmem:$0x9000] =	vst v63  }
0x6b: {  	_ =	swait.ge [sflag:s14], $0x1000  }
0x6c: {  	[sflag:s14] =	ssyncset.done $0x0  }
0x6d: {  	[sflag:s14] =	ssyncadd.s32 $0xFFFFF000  }
0x6e: {  	_ =	swait.ge [sflag:s24], $0x1000  }
0x6f: {  	[sflag:s24] =	ssyncset.done $0x0  }
0x70: {  	[sflag:s24] =	ssyncadd.s32 $0xFFFFF000  }
0x71: {  	[hbm4b:s8+s2] =	stream.linear.scatter [tilespmem:s19], [sflag:$0x5], $0x1000, $0x38;
	[tilespmem:$0x9000] =	vst v63  }
0x72: {  	_ =	swait.ge [sflag:s14], $0x1000  }
0x73: {  	[sflag:s14] =	ssyncset.done $0x0  }
0x74: {  	[sflag:s14] =	ssyncadd.s32 $0xFFFFF000  }
0x75: {  	s26 =	sadd.s32 $0x1, s26;
	_ =	swait.ge [sflag:s25], $0x1000  }
0x76: {  	p0 =	sne.s32 s26, s5;
	[sflag:s25] =	ssyncset.done $0x0  }
.Ltmp1:
0x77: {  	[sflag:s25] =	ssyncadd.s32 $0xFFFFF000;
	(pc) =	sbr.rel @p0 .LBB2_1-.Ltmp1, $4  }
0x78: {  	[hbm4b:s9+s2] =	stream.linear.scatter [tilespmem:s21], [sflag:$0x5], $0x1000, $0x38;
	[tilespmem:$0x9000] =	vst v63  }
0x79: {  	_ =	swait.ge [sflag:s14], $0x1000  }
0x7a: {  	[sflag:s14] =	ssyncset.done $0x0  }
0x7b: {  	[sflag:s14] =	ssyncadd.s32 $0xFFFFF000  }
0x7c: {  	_ =	sfence.sel $0x180000  }
0x7d: {  	[bflag:$0x0] =	sbarrier.arrive $0xFFFF  }
0x7e: {  	p0 =	sne.s32 s0, $0x0;
	_ =	strace $0x90000050  }
0x7f: {  	s0 =	sadd.s32 @!p0 $0x100000, s1;
	[bflag:$0x2] =	sbarrier.arrive $0xFFFF  }
0x80: {  	[sflag:s0] =	ssyncadd.tile.s32 @!p0 $0x1;
	_ =	shalt  }
.Lfunc_end2:
_tile_overlayer_lowered:
.L_overlay_start_2:
0x81: {  	(tag) =	ssettag $0x2  }
0x82: {  	s0 =	rddreg [dreg:$0x0];
	s2 =	stileid.u32  }
0x83: {  	s1 =	rddreg [dreg:$0x1];
	p0 =	sne.s32 s2, $0x0  }
0x84: {  	s3 =	rddreg [dreg:$0x2];
	[bflag:$0x3] =	sbarrier.arrive $0xFFFF;
	s2 =	simm.s32 @!p0 $0x1C05  }
0x85: {  	[timem:s3], [sflag:s2] =	dma.local @!p0 [hbm:s0], s1  }
0x86: {  	s0 =	simm.s32 @!p0 $0x5  }
0x87: {  	_ =	swait.ge @!p0 [sflag:s0], s1  }
0x88: {  	s1 =	ssub.s32 @!p0 $0x0, s1;
	[sflag:s0] =	ssyncset.done @!p0 $0x0  }
0x89: {  	[sflag:s0] =	ssyncadd.s32 @!p0 s1  }
0x8a: {  	[bflag:$0x3] =	sbarrier.arrive $0xFFFF  }
0x8b: {  	_ =	shalt  }

// kernel: kernel.20.cloned.1.call-start
scs
__scs_entry_jumppad:
0x0: {  	(pc) =	sbr.rel $0x88, $3  }
0x1: {  	(tag) =	ssettag $0x0;
	lr =	simm.s32 $0x1  }
0x2: {  	[smem:$0x3F9A] =	sst lr;
	_ =	strace $0xD0000000  }
0x3: {  	_ = 	snop  }
0x4: {  	_ = 	snop  }
0x5: {  	_ = 	snop  }
0x6: {  	_ = 	snop  }
0x7: {  	_ = 	snop  }
__scs_overlays_trampoline_lowered:
0x8: {  	[smem:$0x3FA9] =	sst s0  }
0x9: {  	[smem:$0x3FAA] =	sst s1  }
0xa: {  	[smem:$0x3FAB] =	sst s2  }
0xb: {  	[smem:$0x3FAC] =	sst s3  }
0xc: {  	[smem:$0x3FAD] =	sst s4  }
0xd: {  	[smem:$0x3FAE] =	sst s5  }
0xe: {  	[smem:$0x3FAF] =	sst s6  }
0xf: {  	[smem:$0x3FB0] =	sst s7  }
0x10: {  	[smem:$0x3FB1] =	sst s8  }
0x11: {  	[smem:$0x3FB2] =	sst s9;
	s0 =	simm.s32 @!p0 $0x0  }
0x12: {  	s1 =	sld [smem:$0x3F98];
	s0 =	simm.s32 @p0 $0x1  }
0x13: {  	[smem:$0x3FB3] =	sst s0;
	s0 =	simm.s32 @!p1 $0x0  }
0x14: {  	s2 =	sld [smem:$0x3F97];
	s0 =	simm.s32 @p1 $0x1  }
0x15: {  	[smem:$0x3FB4] =	sst s0;
	s0 =	simm.s32 @!p2 $0x0  }
0x16: {  	s3 =	sld [smem:$0x3FDB];
	s0 =	simm.s32 @p2 $0x1  }
0x17: {  	s4 =	simm.s32 $0x1BF5;
	[smem:$0x3FB6] =	sst s0  }
0x18: {  	s0 =	sld [smem:$0x3F99];
	_ =	swait.ge [sflag:s4], $0x0  }
0x19: {  	s7 =	sld [smem:$0x3F9A]  }
0x1a: {  	s8 =	sadd.s32 $0xFFFFE003, lr  }
0x1b: {  	s9 =	sadd.s32 $0xFFFFFEF7, lr;
	s5 =	simm.s32 $0xFFFFFFFF;
	p2 =	slt.u32 s8, $0xFFFFF086  }
0x1c: {  	p1 =	slt.u32 s9, $0xF7A;
	s5 =	simm.s32 @!p2 $0x0  }
0x1d: {  	s5 =	simm.s32 @p1 $0x1;
	p0 =	seq.s32 s7, s2  }
0x1e: {  	s7 =	smul.u32 @!p0 $0xF7A, s2;
	p2 =	seq.s32 @!p0 s5, $0x0  }
0x1f: {  	s9 =	smul.u32 $0xF7A, s1;
	s8 =	simm.s32 @!p0 $0x1BF5;
	p2 =	por !p2, p0  }
0x20: {  	[sflag:s8] =	ssyncset.s32 @!p0 $0xFFFFF086;
	s6 =	sadd.s32 @!p0 s3, s7;
	s7 =	simm.s32 @!p0 $0x108  }
0x21: {  	s3 =	sadd.s32 s3, s9;
	s6 =	sadd.s32 @!p0 $0x88, s6;
	s7 =	simm.s32 @p2 $0x1082  }
0x22: {  	[simem:s7], [sflag:s8] =	dma.local @!p0 [hbm:s6], $0xF7A  }
0x23: {  	s9 =	sor.u32 $0xD0000000, s2;
	s6 =	simm.s32 $0x108;
	_ =	swait.ge @!p0 [sflag:s8], $0x0  }
0x24: {  	s3 =	sadd.s32 $0x88, s3;
	s6 =	simm.s32 @!p1 $0x1082;
	[sflag:s4] =	ssyncset.s32 $0xFFFFF086  }
0x25: {  	[simem:s6], [sflag:s4] =	dma.local [hbm:s3], $0xF7A  }
0x26: {  	[smem:$0x3F9A] =	sst s1;
	(tag) =	ssettag s2;
	_ =	strace s9  }
0x27: {  	s1 =	sld [smem:$0x3FAA]  }
0x28: {  	s2 =	sld [smem:$0x3FAB]  }
0x29: {  	s4 =	sld [smem:$0x3FAD]  }
0x2a: {  	p0 =	seq.s32 s5, $0x0;
	s5 =	sld [smem:$0x3FAE]  }
0x2b: {  	s6 =	sld [smem:$0x3FAF]  }
0x2c: {  	s7 =	sld [smem:$0x3FB0]  }
0x2d: {  	s3 =	simm.s32 $0x108;
	s8 =	sld [smem:$0x3FB1]  }
0x2e: {  	s3 =	simm.s32 @!p0 $0x1082;
	s9 =	sld [smem:$0x3FB2]  }
0x2f: {  	lr =	sadd.s32 s0, s3;
	s0 =	sld [smem:$0x3FA9]  }
0x30: {  	s3 =	sld [smem:$0x3FAC]  }
0x31: {  	[smem:$0x3FB5] =	sst s10  }
0x32: {  	s10 =	sld [smem:$0x3FB3];
	_ =	sdelay $0x3  }
0x33: {  	p0 =	seq.s32 s10, $0x1;
	s10 =	sld [smem:$0x3FB5];
	_ =	sdelay $0x3  }
0x34: {  	[smem:$0x3FB5] =	sst s10  }
0x35: {  	s10 =	sld [smem:$0x3FB4];
	_ =	sdelay $0x3  }
0x36: {  	p1 =	seq.s32 s10, $0x1;
	s10 =	sld [smem:$0x3FB5];
	_ =	sdelay $0x3  }
0x37: {  	[smem:$0x3FB5] =	sst s10  }
0x38: {  	s10 =	sld [smem:$0x3FB6]  }
0x39: {  	_ = 	snop;
	(pc) =	sbr.ind lr, $3  }
0x3a: {  	_ = 	snop  }
0x3b: {  	_ = 	snop  }
0x3c: {  	p2 =	seq.s32 s10, $0x1;
	s10 =	sld [smem:$0x3FB5]  }
0x3d: {  	_ =	shalt  }
0x3e: {  	_ =	shalt  }
0x3f: {  	_ =	shalt  }
0x40: {  	_ =	shalt  }
0x41: {  	_ =	shalt  }
0x42: {  	_ =	shalt  }
0x43: {  	_ =	shalt  }
0x44: {  	_ =	shalt  }
0x45: {  	_ =	shalt  }
0x46: {  	_ =	shalt  }
0x47: {  	_ =	shalt  }
0x48: {  	_ =	shalt  }
0x49: {  	_ =	shalt  }
0x4a: {  	_ =	shalt  }
0x4b: {  	_ =	shalt  }
0x4c: {  	_ =	shalt  }
0x4d: {  	_ =	shalt  }
0x4e: {  	_ =	shalt  }
0x4f: {  	_ =	shalt  }
0x50: {  	_ =	shalt  }
0x51: {  	_ =	shalt  }
0x52: {  	_ =	shalt  }
0x53: {  	_ =	shalt  }
0x54: {  	_ =	shalt  }
0x55: {  	_ =	shalt  }
0x56: {  	_ =	shalt  }
0x57: {  	_ =	shalt  }
0x58: {  	_ =	shalt  }
0x59: {  	_ =	shalt  }
0x5a: {  	_ =	shalt  }
0x5b: {  	_ =	shalt  }
0x5c: {  	_ =	shalt  }
0x5d: {  	_ =	shalt  }
0x5e: {  	_ =	shalt  }
0x5f: {  	_ =	shalt  }
0x60: {  	_ =	shalt  }
0x61: {  	_ =	shalt  }
0x62: {  	_ =	shalt  }
0x63: {  	_ =	shalt  }
0x64: {  	_ =	shalt  }
0x65: {  	_ =	shalt  }
0x66: {  	_ =	shalt  }
0x67: {  	_ =	shalt  }
0x68: {  	_ =	shalt  }
0x69: {  	_ =	shalt  }
0x6a: {  	_ =	shalt  }
0x6b: {  	_ =	shalt  }
0x6c: {  	_ =	shalt  }
0x6d: {  	_ =	shalt  }
0x6e: {  	_ =	shalt  }
0x6f: {  	_ =	shalt  }
0x70: {  	_ =	shalt  }
0x71: {  	_ =	shalt  }
0x72: {  	_ =	shalt  }
0x73: {  	_ =	shalt  }
0x74: {  	_ =	shalt  }
0x75: {  	_ =	shalt  }
0x76: {  	_ =	shalt  }
0x77: {  	_ =	shalt  }
0x78: {  	_ =	shalt  }
0x79: {  	_ =	shalt  }
0x7a: {  	_ =	shalt  }
0x7b: {  	_ =	shalt  }
0x7c: {  	_ =	shalt  }
0x7d: {  	_ =	shalt  }
0x7e: {  	_ =	shalt  }
0x7f: {  	_ =	shalt  }
0x80: {  	_ =	shalt  }
0x81: {  	_ =	shalt  }
0x82: {  	_ =	shalt  }
0x83: {  	_ =	shalt  }
0x84: {  	_ =	shalt  }
0x85: {  	_ =	shalt  }
0x86: {  	_ =	shalt  }
0x87: {  	_ =	shalt  }
.Lfunc_end0:
.L_simem_size_0:
called_computation.2_lowered:
.L_overlay_start_0:
0x88: {  	s2 =	sld [smem:$0x3FD9]  }
0x89: {  	s3 =	sld [smem:$0x3FFE];
	_ =	sdelay $0x1  }
0x8a: {  	s1 =	srdreg.scid  }
0x8b: {  	s0 =	sand.u32 $0x1, s1  }
0x8c: {  	s16 =	sshll.u32 s0, $0xA;
	s2 =	sadd.s32 s3, s2  }
0x8d: {  	s2 =	sadd.s32 s2, s16  }
0x8e: {  	[smem:$0x3FC1] =	sst s2  }
0x8f: {  	_ = 	snop  }
0x90: {  	(tm) =	ssettm $0x1  }
0x91: {  	s17 =	sld [smem:$0x3FFB];
	_ =	sdelay $0x3  }
0x92: {  	_ =	strace s17  }
0x93: {  	s2 =	sld [smem:$0x3FFC];
	_ =	sdelay $0x3  }
0x94: {  	_ =	strace s2  }
0x95: {  	s2 =	sld [smem:$0x3FFD];
	_ =	sdelay $0x3  }
0x96: {  	_ =	strace s2  }
0x97: {  	_ =	strace $0x8FFFFFFF  }
0x98: {  	s18 =	sld [smem:$0x3FDB];
	_ =	sdelay $0x1  }
0x99: {  	s19 =	simm.s32 $_scs_section_size  }
0x9a: {  	s4 =	simm.s32 $_size__tile_overlayer_lowered;
	s5 =	simm.s32 $_tile_overlayer_lowered  }
0x9b: {  	s22 =	simm.s32 $0x1BFF;
	s21 =	sshll.u32 s5, $0x1;
	s2 =	sadd.s32 s19, s18  }
0x9c: {  	s6 =	simm.s32 $0x0;
	s20 =	sshll.u32 s4, $0x1;
	s4 =	sadd.s32 s21, s2  }
0x9d: {  	[timem:s6], [sflag:s22] =	dma.local [hbm:s4], s20  }
0x9e: {  	_ =	swait.ge [sflag:s22], s20  }
0x9f: {  	s3 =	ssub.s32 $0x0, s20;
	[sflag:s22] =	ssyncset.done $0x0  }
0xa0: {  	[sflag:s22] =	ssyncadd.s32 s3;
	_ =	sdelay $0x1  }
0xa1: {  	s23 =	simm.s32 $0x1B8B  }
0xa2: {  	_ =	swait.ge [sflag:s23], $0x1  }
0xa3: {  	[sflag:s23] =	ssyncset.done $0x0  }
0xa4: {  	s25 =	simm.s32 $0x1B8E;
	s24 =	sld [smem:$0x3FFE];
	[sflag:s23] =	ssyncadd.s32 $0xFFFFFFFF  }
0xa5: {  	s26 =	simm.s32 $execute0_lowered;
	[smem:$0x3FD2] =	sst s25  }
0xa6: {  	s4 =	sshll.u32 s26, $0x1;
	_ =	strace $0x80000046;
	[dreg:$0x1] =	wrdreg $0xFFFFFFFF  }
0xa7: {  	s28 =	simm.s32 $_size_execute0_lowered;
	s2 =	sadd.s32 s2, s4;
	[dreg:$0x0] =	wrdreg $0x0  }
0xa8: {  	s4 =	sshll.u32 s28, $0x1;
	[dreg:$0x2] =	wrdreg s2  }
0xa9: {  	[dreg:$0x3] =	wrdreg s4  }
0xaa: {  	[dreg:$0x4] =	wrdreg $0xC0  }
0xab: {  	_ =	task [dreg:s6], $0x5FFFF  }
0xac: {  	[dreg:$0x1] =	wrdreg $0xFFFFFFFF  }
0xad: {  	[dreg:$0x0] =	wrdreg $0x60  }
0xae: {  	[dreg:$0x2] =	wrdreg s24  }
0xaf: {  	[dreg:$0x3] =	wrdreg $0xA  }
0xb0: {  	_ =	task.clear_ibuf [dreg:s6], $0x4FFFF;
	_ =	strace $0x90000046  }
0xb1: {  	s29 =	simm.s32 $0xA;
	_ =	strace $0x80000048  }
0xb2: {  	_ =	swait.ge [sflag:s29], $0x1  }
0xb3: {  	[sflag:s29] =	ssyncadd.s32 $0xFFFFFFFF  }
0xb4: {  	_ =	strace $0x90000048  }
0xb5: {  	_ =	sfence  }
0xb6: {  	s30 =	sld [smem:$0x0];
	_ =	sdelay $0x2  }
0xb7: {  	s31 =	sshll.u32 s1, $0xD;
	s1 =	sshrl.u32 s1, $0x2  }
0xb8: {  	s3 =	sand.u32 $0x4000, s31;
	s1 =	sadd.s32 s1, s30  }
0xb9: {  	s0 =	sor.u32 s3, s0;
	s1 =	sshll.u32 s1, $0x11  }
0xba: {  	s0 =	sor.u32 s1, s0  }
0xbb: {  	s0 =	sadd.s32 $0x8F2B, s0  }
0xbc: {  	[sflag:s0] =	ssyncadd.remote.s32 $0x1  }
0xbd: {  	_ =	sfence.sel $0xFFFF  }
0xbe: {  	[dreg:$0x0] =	wrdreg $0xFFFFFFFF;
	(pc) =	sbr.abs _section_cstart, $3  }
0xbf: {  	[dreg:$0x1] =	wrdreg $0xFFFFFFFF  }
0xc0: {  	_ =	task.clear_ibuf [dreg:s6], $0x2FFFF;
	_ =	strace $0x9FFFFFFF  }
0xc1: {  	(tm) =	ssettm $0x7FFFFFFF  }
tec
execute0_lowered:
.L_overlay_start_1:
0x0: {  	(tag) =	ssettag $0x1  }
0x1: {  	s1 =	srdreg.scid  }
0x2: {  	s0 =	stileid.u32;
	s4 =	rddreg [dreg:$0x0]  }
0x3: {  	s2 =	simm.s32 $0x0;
	s14 =	simm.s32 $0x5;
	s15 =	simm.s32 $0x80  }
0x4: {  	s16 =	simm.s32 $0x5000;
	s17 =	simm.s32 $0x5800;
	s18 =	simm.s32 $0x100  }
0x5: {  	s19 =	simm.s32 $0x6000;
	s20 =	simm.s32 $0x180;
	s11 =	smul.u32 $0xA0000, s0  }
0x6: {  	s21 =	simm.s32 $0x6800;
	s6 =	sand.u32 $0x1, s1;
	s28 =	smul.u32 $0xA000, s0  }
0x7: {  	s22 =	simm.s32 $0x1;
	s3 =	sshll.u32 s0, $0x1;
	s13 =	smul.u32 $0x5000, s6  }
0x8: {  	s23 =	simm.s32 $0x2;
	s5 =	sor.u32 s6, s3;
	s30 =	smul.u32 $0x50000, s6  }
0x9: {  	s24 =	simm.s32 $0x3;
	[smem:$0x7FF] =	sst s2;
	s7 =	smul.u32 $0x5000, s5  }
0xa: {  	s12 =	sadd.s32 $0x26A00, s4;
	_ =	strace $0x80000047;
	s8 =	smul.u32 $0x50000, s5  }
0xb: {  	s3 =	sadd.s32 $0x16A00, s4;
	s9 =	ssub.s32 $0x2, s6;
	s10 =	smul.u32 $0xA000, s5  }
0xc: {  	s26 =	sshrl.u32 s9, $0x1;
	s11 =	sadd.s32 s30, s11;
	s7 =	sshrl.u32 s7, $0x3  }
0xd: {  	s8 =	sshrl.u32 s8, $0x3;
	s10 =	sadd.s32 s12, s10;
	s11 =	sshrl.u32 s11, $0x3  }
0xe: {  	s25 =	sadd.s32 s7, s4;
	s7 =	ssub.s32 s9, s26;
	s29 =	sadd.s32 s12, s8  }
0xf: {  	s9 =	sadd.s32 s13, s28;
	s8 =	sadd.s32 $0x9E00, s10;
	s26 =	simm.s32 $0x0  }
0x10: {  	s4 =	sadd.s32 $0x2A00, s25;
	s5 =	smax.u32 s7, $0x1;
	s6 =	sadd.s32 $0x9C00, s29  }
0x11: {  	s7 =	sadd.s32 $0x9D00, s10;
	s9 =	sshll.u32 s9, $0x1;
	s25 =	simm.s32 $0x4  }
0x12: {  	s31 =	sadd.s32 s9, s12;
	s9 =	sadd.s32 $0x9F00, s10;
	s10 =	sadd.s32 s11, s12  }
0x13: {  	s11 =	sadd.s32 $0x300, s31;
	s12 =	sadd.s32 $0x200, s31;
	s13 =	sadd.s32 $0x100, s31  }
.LBB2_1:
0x14: {  	[tilespmem:s2], [sflag:$0x5] =	stream.linear.gather [hbm4b:s4+s2], $0x5000, $0x38;
	[tilespmem:$0x7000] =	vst v63  }
0x15: {  	_ =	swait.ge [sflag:s14], $0x5000  }
0x16: {  	[sflag:s14] =	ssyncset.done $0x0  }
0x17: {  	[sflag:s14] =	ssyncadd.s32 $0xFFFFB000  }
0x18: {  	[tilespmem:s16], [sflag:$0x1] =	stream.indirect.gather [hbm4b:s3+s15], $0x10, s2, s15, $0xb8;
	[tilespmem:$0x7000] =	vst v63  }
0x19: {  	_ = 	snop  }
0x1a: {  	[tilespmem:s17], [sflag:$0x2] =	stream.indirect.gather [hbm4b:s3+s15], $0x10, s15, s15, $0xb8;
	[tilespmem:$0x7000] =	vst v63  }
0x1b: {  	_ = 	snop  }
0x1c: {  	[tilespmem:s19], [sflag:$0x3] =	stream.indirect.gather [hbm4b:s3+s15], $0x10, s18, s15, $0xb8;
	[tilespmem:$0x7000] =	vst v63  }
0x1d: {  	_ = 	snop  }
0x1e: {  	[tilespmem:s21], [sflag:$0x4] =	stream.indirect.gather [hbm4b:s3+s15], $0x10, s20, s15, $0xb8;
	[tilespmem:$0x7000] =	vst v63  }
0x1f: {  	_ =	swait.ge [sflag:s22], $0x800  }
0x20: {  	[sflag:s22] =	ssyncset.done $0x0  }
0x21: {  	s28 =	sadd.s32 $0x0, s10;
	[sflag:s22] =	ssyncadd.s32 $0xFFFFF800  }
0x22: {  	[hbm4b:s28+s2] =	stream.linear.scatter [tilespmem:s16], [sflag:$0x5], $0x800, $0x38;
	[tilespmem:$0x7000] =	vst v63  }
0x23: {  	_ =	swait.ge [sflag:s14], $0x800  }
0x24: {  	[sflag:s14] =	ssyncset.done $0x0  }
0x25: {  	s28 =	simm.s32 $0x200;
	[sflag:s14] =	ssyncadd.s32 $0xFFFFF800  }
0x26: {  	[tilespmem:s16], [sflag:$0x1] =	stream.indirect.gather [hbm4b:s3+s15], $0x10, s28, s15, $0xb8;
	[tilespmem:$0x7000] =	vst v63  }
0x27: {  	_ =	swait.ge [sflag:s23], $0x800  }
0x28: {  	[sflag:s23] =	ssyncset.done $0x0  }
0x29: {  	s28 =	sadd.s32 $0x0, s13;
	[sflag:s23] =	ssyncadd.s32 $0xFFFFF800  }
0x2a: {  	[hbm4b:s28+s2] =	stream.linear.scatter [tilespmem:s17], [sflag:$0x5], $0x800, $0x38;
	[tilespmem:$0x7000] =	vst v63  }
0x2b: {  	_ =	swait.ge [sflag:s14], $0x800  }
0x2c: {  	[sflag:s14] =	ssyncset.done $0x0  }
0x2d: {  	s28 =	simm.s32 $0x280;
	[sflag:s14] =	ssyncadd.s32 $0xFFFFF800  }
0x2e: {  	[tilespmem:s17], [sflag:$0x2] =	stream.indirect.gather [hbm4b:s3+s15], $0x10, s28, s15, $0xb8;
	[tilespmem:$0x7000] =	vst v63  }
0x2f: {  	_ =	swait.ge [sflag:s24], $0x800  }
0x30: {  	[sflag:s24] =	ssyncset.done $0x0  }
0x31: {  	s28 =	sadd.s32 $0x0, s12;
	[sflag:s24] =	ssyncadd.s32 $0xFFFFF800  }
0x32: {  	[hbm4b:s28+s2] =	stream.linear.scatter [tilespmem:s19], [sflag:$0x5], $0x800, $0x38;
	[tilespmem:$0x7000] =	vst v63  }
0x33: {  	_ =	swait.ge [sflag:s14], $0x800  }
0x34: {  	[sflag:s14] =	ssyncset.done $0x0  }
0x35: {  	s28 =	simm.s32 $0x300;
	[sflag:s14] =	ssyncadd.s32 $0xFFFFF800  }
0x36: {  	[tilespmem:s19], [sflag:$0x3] =	stream.indirect.gather [hbm4b:s3+s15], $0x10, s28, s15, $0xb8;
	[tilespmem:$0x7000] =	vst v63  }
0x37: {  	_ =	swait.ge [sflag:s25], $0x800  }
0x38: {  	[sflag:s25] =	ssyncset.done $0x0  }
0x39: {  	s28 =	sadd.s32 $0x0, s11;
	[sflag:s25] =	ssyncadd.s32 $0xFFFFF800  }
0x3a: {  	[hbm4b:s28+s2] =	stream.linear.scatter [tilespmem:s21], [sflag:$0x5], $0x800, $0x38;
	[tilespmem:$0x7000] =	vst v63  }
0x3b: {  	_ =	swait.ge [sflag:s14], $0x800  }
0x3c: {  	s29 =	simm.s32 $0x400;
	[sflag:s14] =	ssyncset.done $0x0  }
0x3d: {  	s30 =	simm.s32 $0x580;
	s28 =	simm.s32 $0x380;
	[sflag:s14] =	ssyncadd.s32 $0xFFFFF800  }
.LBB2_2:
0x3e: {  	[tilespmem:s21], [sflag:$0x4] =	stream.indirect.gather [hbm4b:s3+s15], $0x10, s28, s15, $0xb8;
	[tilespmem:$0x7000] =	vst v63  }
0x3f: {  	s31 =	smov.u32 s29;
	s28 =	smov.u32 s30  }
0x40: {  	p0 =	sne.s32 s29, $0x9800;
	s29 =	sadd.s32 $0x400, s29;
	_ =	swait.ge [sflag:s22], $0x800  }
0x41: {  	[sflag:s22] =	ssyncset.done $0x0  }
0x42: {  	s1 =	sadd.s32 s31, s10;
	[sflag:s22] =	ssyncadd.s32 $0xFFFFF800  }
0x43: {  	[hbm4b:s1+s2] =	stream.linear.scatter [tilespmem:s16], [sflag:$0x5], $0x800, $0x38;
	[tilespmem:$0x7000] =	vst v63  }
0x44: {  	_ =	swait.ge [sflag:s14], $0x800  }
0x45: {  	[sflag:s14] =	ssyncset.done $0x0  }
0x46: {  	s1 =	sadd.s32 $0xFFFFFE80, s30;
	[sflag:s14] =	ssyncadd.s32 $0xFFFFF800  }
0x47: {  	[tilespmem:s16], [sflag:$0x1] =	stream.indirect.gather [hbm4b:s3+s15], $0x10, s1, s15, $0xb8;
	[tilespmem:$0x7000] =	vst v63  }
0x48: {  	_ =	swait.ge [sflag:s23], $0x800  }
0x49: {  	[sflag:s23] =	ssyncset.done $0x0  }
0x4a: {  	s1 =	sadd.s32 s31, s13;
	[sflag:s23] =	ssyncadd.s32 $0xFFFFF800  }
0x4b: {  	[hbm4b:s1+s2] =	stream.linear.scatter [tilespmem:s17], [sflag:$0x5], $0x800, $0x38;
	[tilespmem:$0x7000] =	vst v63  }
0x4c: {  	_ =	swait.ge [sflag:s14], $0x800  }
0x4d: {  	[sflag:s14] =	ssyncset.done $0x0  }
0x4e: {  	s1 =	sadd.s32 $0xFFFFFF00, s30;
	[sflag:s14] =	ssyncadd.s32 $0xFFFFF800  }
0x4f: {  	[tilespmem:s17], [sflag:$0x2] =	stream.indirect.gather [hbm4b:s3+s15], $0x10, s1, s15, $0xb8;
	[tilespmem:$0x7000] =	vst v63  }
0x50: {  	_ =	swait.ge [sflag:s24], $0x800  }
0x51: {  	[sflag:s24] =	ssyncset.done $0x0  }
0x52: {  	s1 =	sadd.s32 s31, s12;
	[sflag:s24] =	ssyncadd.s32 $0xFFFFF800  }
0x53: {  	[hbm4b:s1+s2] =	stream.linear.scatter [tilespmem:s19], [sflag:$0x5], $0x800, $0x38;
	[tilespmem:$0x7000] =	vst v63  }
0x54: {  	_ =	swait.ge [sflag:s14], $0x800  }
0x55: {  	[sflag:s14] =	ssyncset.done $0x0  }
0x56: {  	s1 =	sadd.s32 $0xFFFFFF80, s30;
	[sflag:s14] =	ssyncadd.s32 $0xFFFFF800  }
0x57: {  	[tilespmem:s19], [sflag:$0x3] =	stream.indirect.gather [hbm4b:s3+s15], $0x10, s1, s15, $0xb8;
	[tilespmem:$0x7000] =	vst v63  }
0x58: {  	_ =	swait.ge [sflag:s25], $0x800  }
0x59: {  	[sflag:s25] =	ssyncset.done $0x0  }
.Ltmp0:
0x5a: {  	s1 =	sadd.s32 s31, s11;
	[sflag:s25] =	ssyncadd.s32 $0xFFFFF800;
	(pc) =	sbr.rel @p0 .LBB2_2-.Ltmp0, $4  }
0x5b: {  	[hbm4b:s1+s2] =	stream.linear.scatter [tilespmem:s21], [sflag:$0x5], $0x800, $0x38;
	[tilespmem:$0x7000] =	vst v63  }
0x5c: {  	_ =	swait.ge [sflag:s14], $0x800  }
0x5d: {  	[sflag:s14] =	ssyncset.done $0x0  }
0x5e: {  	s30 =	sadd.s32 $0x200, s30;
	[sflag:s14] =	ssyncadd.s32 $0xFFFFF800  }
0x5f: {  	[tilespmem:s21], [sflag:$0x4] =	stream.indirect.gather [hbm4b:s3+s15], $0x10, s28, s15, $0xb8;
	[tilespmem:$0x7000] =	vst v63  }
0x60: {  	_ =	swait.ge [sflag:s22], $0x800  }
0x61: {  	[sflag:s22] =	ssyncset.done $0x0  }
0x62: {  	[sflag:s22] =	ssyncadd.s32 $0xFFFFF800  }
0x63: {  	[hbm4b:s6+s2] =	stream.linear.scatter [tilespmem:s16], [sflag:$0x5], $0x800, $0x38;
	[tilespmem:$0x7000] =	vst v63  }
0x64: {  	_ =	swait.ge [sflag:s14], $0x800  }
0x65: {  	[sflag:s14] =	ssyncset.done $0x0  }
0x66: {  	[sflag:s14] =	ssyncadd.s32 $0xFFFFF800  }
0x67: {  	_ =	swait.ge [sflag:s23], $0x800  }
0x68: {  	[sflag:s23] =	ssyncset.done $0x0  }
0x69: {  	[sflag:s23] =	ssyncadd.s32 $0xFFFFF800  }
0x6a: {  	[hbm4b:s7+s2] =	stream.linear.scatter [tilespmem:s17], [sflag:$0x5], $0x800, $0x38;
	[tilespmem:$0x7000] =	vst v63  }
0x6b: {  	_ =	swait.ge [sflag:s14], $0x800  }
0x6c: {  	[sflag:s14] =	ssyncset.done $0x0  }
0x6d: {  	[sflag:s14] =	ssyncadd.s32 $0xFFFFF800  }
0x6e: {  	_ =	swait.ge [sflag:s24], $0x800  }
0x6f: {  	[sflag:s24] =	ssyncset.done $0x0  }
0x70: {  	[sflag:s24] =	ssyncadd.s32 $0xFFFFF800  }
0x71: {  	[hbm4b:s8+s2] =	stream.linear.scatter [tilespmem:s19], [sflag:$0x5], $0x800, $0x38;
	[tilespmem:$0x7000] =	vst v63  }
0x72: {  	_ =	swait.ge [sflag:s14], $0x800  }
0x73: {  	[sflag:s14] =	ssyncset.done $0x0  }
0x74: {  	[sflag:s14] =	ssyncadd.s32 $0xFFFFF800  }
0x75: {  	s26 =	sadd.s32 $0x1, s26;
	_ =	swait.ge [sflag:s25], $0x800  }
0x76: {  	p0 =	sne.s32 s26, s5;
	[sflag:s25] =	ssyncset.done $0x0  }
.Ltmp1:
0x77: {  	[sflag:s25] =	ssyncadd.s32 $0xFFFFF800;
	(pc) =	sbr.rel @p0 .LBB2_1-.Ltmp1, $4  }
0x78: {  	[hbm4b:s9+s2] =	stream.linear.scatter [tilespmem:s21], [sflag:$0x5], $0x800, $0x38;
	[tilespmem:$0x7000] =	vst v63  }
0x79: {  	_ =	swait.ge [sflag:s14], $0x800  }
0x7a: {  	[sflag:s14] =	ssyncset.done $0x0  }
0x7b: {  	[sflag:s14] =	ssyncadd.s32 $0xFFFFF800  }
0x7c: {  	_ =	sfence.sel $0x180000  }
0x7d: {  	[bflag:$0x0] =	sbarrier.arrive $0xFFFF  }
0x7e: {  	_ =	strace $0x90000047  }
0x7f: {  	[bflag:$0x2] =	sbarrier.arrive $0xFFFF  }
0x80: {  	p0 =	sne.s32 s0, $0x0;
	s0 =	rddreg [dreg:$0x1]  }
0x81: {  	s0 =	sadd.s32 @!p0 $0x100000, s0  }
0x82: {  	[sflag:s0] =	ssyncadd.tile.s32 @!p0 $0x1;
	_ =	shalt  }
.Lfunc_end2:
_tile_overlayer_lowered:
.L_overlay_start_2:
0x83: {  	(tag) =	ssettag $0x2  }
0x84: {  	s0 =	rddreg [dreg:$0x0];
	s2 =	stileid.u32  }
0x85: {  	s1 =	rddreg [dreg:$0x1];
	p0 =	sne.s32 s2, $0x0  }
0x86: {  	s3 =	rddreg [dreg:$0x2];
	[bflag:$0x3] =	sbarrier.arrive $0xFFFF;
	s2 =	simm.s32 @!p0 $0x1C05  }
0x87: {  	[timem:s3], [sflag:s2] =	dma.local @!p0 [hbm:s0], s1  }
0x88: {  	s0 =	simm.s32 @!p0 $0x5  }
0x89: {  	_ =	swait.ge @!p0 [sflag:s0], s1  }
0x8a: {  	s1 =	ssub.s32 @!p0 $0x0, s1;
	[sflag:s0] =	ssyncset.done @!p0 $0x0  }
0x8b: {  	[sflag:s0] =	ssyncadd.s32 @!p0 s1  }
0x8c: {  	[bflag:$0x3] =	sbarrier.arrive $0xFFFF  }
0x8d: {  	_ =	shalt  }

// kernel: kernel.23.cloned.1.call-start
scs
__scs_entry_jumppad:
0x0: {  	(pc) =	sbr.rel $0x88, $3  }
0x1: {  	(tag) =	ssettag $0x0;
	lr =	simm.s32 $0x1  }
0x2: {  	[smem:$0x3F9A] =	sst lr;
	_ =	strace $0xD0000000  }
0x3: {  	_ = 	snop  }
0x4: {  	_ = 	snop  }
0x5: {  	_ = 	snop  }
0x6: {  	_ = 	snop  }
0x7: {  	_ = 	snop  }
__scs_overlays_trampoline_lowered:
0x8: {  	[smem:$0x3FA9] =	sst s0  }
0x9: {  	[smem:$0x3FAA] =	sst s1  }
0xa: {  	[smem:$0x3FAB] =	sst s2  }
0xb: {  	[smem:$0x3FAC] =	sst s3  }
0xc: {  	[smem:$0x3FAD] =	sst s4  }
0xd: {  	[smem:$0x3FAE] =	sst s5  }
0xe: {  	[smem:$0x3FAF] =	sst s6  }
0xf: {  	[smem:$0x3FB0] =	sst s7  }
0x10: {  	[smem:$0x3FB1] =	sst s8  }
0x11: {  	[smem:$0x3FB2] =	sst s9;
	s0 =	simm.s32 @!p0 $0x0  }
0x12: {  	s1 =	sld [smem:$0x3F98];
	s0 =	simm.s32 @p0 $0x1  }
0x13: {  	[smem:$0x3FB3] =	sst s0;
	s0 =	simm.s32 @!p1 $0x0  }
0x14: {  	s2 =	sld [smem:$0x3F97];
	s0 =	simm.s32 @p1 $0x1  }
0x15: {  	[smem:$0x3FB4] =	sst s0;
	s0 =	simm.s32 @!p2 $0x0  }
0x16: {  	s3 =	sld [smem:$0x3FDB];
	s0 =	simm.s32 @p2 $0x1  }
0x17: {  	s4 =	simm.s32 $0x1BF5;
	[smem:$0x3FB6] =	sst s0  }
0x18: {  	s0 =	sld [smem:$0x3F99];
	_ =	swait.ge [sflag:s4], $0x0  }
0x19: {  	s7 =	sld [smem:$0x3F9A]  }
0x1a: {  	s8 =	sadd.s32 $0xFFFFE003, lr  }
0x1b: {  	s9 =	sadd.s32 $0xFFFFFEF7, lr;
	s5 =	simm.s32 $0xFFFFFFFF;
	p2 =	slt.u32 s8, $0xFFFFF086  }
0x1c: {  	p1 =	slt.u32 s9, $0xF7A;
	s5 =	simm.s32 @!p2 $0x0  }
0x1d: {  	s5 =	simm.s32 @p1 $0x1;
	p0 =	seq.s32 s7, s2  }
0x1e: {  	s7 =	smul.u32 @!p0 $0xF7A, s2;
	p2 =	seq.s32 @!p0 s5, $0x0  }
0x1f: {  	s9 =	smul.u32 $0xF7A, s1;
	s8 =	simm.s32 @!p0 $0x1BF5;
	p2 =	por !p2, p0  }
0x20: {  	[sflag:s8] =	ssyncset.s32 @!p0 $0xFFFFF086;
	s6 =	sadd.s32 @!p0 s3, s7;
	s7 =	simm.s32 @!p0 $0x108  }
0x21: {  	s3 =	sadd.s32 s3, s9;
	s6 =	sadd.s32 @!p0 $0x88, s6;
	s7 =	simm.s32 @p2 $0x1082  }
0x22: {  	[simem:s7], [sflag:s8] =	dma.local @!p0 [hbm:s6], $0xF7A  }
0x23: {  	s9 =	sor.u32 $0xD0000000, s2;
	s6 =	simm.s32 $0x108;
	_ =	swait.ge @!p0 [sflag:s8], $0x0  }
0x24: {  	s3 =	sadd.s32 $0x88, s3;
	s6 =	simm.s32 @!p1 $0x1082;
	[sflag:s4] =	ssyncset.s32 $0xFFFFF086  }
0x25: {  	[simem:s6], [sflag:s4] =	dma.local [hbm:s3], $0xF7A  }
0x26: {  	[smem:$0x3F9A] =	sst s1;
	(tag) =	ssettag s2;
	_ =	strace s9  }
0x27: {  	s1 =	sld [smem:$0x3FAA]  }
0x28: {  	s2 =	sld [smem:$0x3FAB]  }
0x29: {  	s4 =	sld [smem:$0x3FAD]  }
0x2a: {  	p0 =	seq.s32 s5, $0x0;
	s5 =	sld [smem:$0x3FAE]  }
0x2b: {  	s6 =	sld [smem:$0x3FAF]  }
0x2c: {  	s7 =	sld [smem:$0x3FB0]  }
0x2d: {  	s3 =	simm.s32 $0x108;
	s8 =	sld [smem:$0x3FB1]  }
0x2e: {  	s3 =	simm.s32 @!p0 $0x1082;
	s9 =	sld [smem:$0x3FB2]  }
0x2f: {  	lr =	sadd.s32 s0, s3;
	s0 =	sld [smem:$0x3FA9]  }
0x30: {  	s3 =	sld [smem:$0x3FAC]  }
0x31: {  	[smem:$0x3FB5] =	sst s10  }
0x32: {  	s10 =	sld [smem:$0x3FB3];
	_ =	sdelay $0x3  }
0x33: {  	p0 =	seq.s32 s10, $0x1;
	s10 =	sld [smem:$0x3FB5];
	_ =	sdelay $0x3  }
0x34: {  	[smem:$0x3FB5] =	sst s10  }
0x35: {  	s10 =	sld [smem:$0x3FB4];
	_ =	sdelay $0x3  }
0x36: {  	p1 =	seq.s32 s10, $0x1;
	s10 =	sld [smem:$0x3FB5];
	_ =	sdelay $0x3  }
0x37: {  	[smem:$0x3FB5] =	sst s10  }
0x38: {  	s10 =	sld [smem:$0x3FB6]  }
0x39: {  	_ = 	snop;
	(pc) =	sbr.ind lr, $3  }
0x3a: {  	_ = 	snop  }
0x3b: {  	_ = 	snop  }
0x3c: {  	p2 =	seq.s32 s10, $0x1;
	s10 =	sld [smem:$0x3FB5]  }
0x3d: {  	_ =	shalt  }
0x3e: {  	_ =	shalt  }
0x3f: {  	_ =	shalt  }
0x40: {  	_ =	shalt  }
0x41: {  	_ =	shalt  }
0x42: {  	_ =	shalt  }
0x43: {  	_ =	shalt  }
0x44: {  	_ =	shalt  }
0x45: {  	_ =	shalt  }
0x46: {  	_ =	shalt  }
0x47: {  	_ =	shalt  }
0x48: {  	_ =	shalt  }
0x49: {  	_ =	shalt  }
0x4a: {  	_ =	shalt  }
0x4b: {  	_ =	shalt  }
0x4c: {  	_ =	shalt  }
0x4d: {  	_ =	shalt  }
0x4e: {  	_ =	shalt  }
0x4f: {  	_ =	shalt  }
0x50: {  	_ =	shalt  }
0x51: {  	_ =	shalt  }
0x52: {  	_ =	shalt  }
0x53: {  	_ =	shalt  }
0x54: {  	_ =	shalt  }
0x55: {  	_ =	shalt  }
0x56: {  	_ =	shalt  }
0x57: {  	_ =	shalt  }
0x58: {  	_ =	shalt  }
0x59: {  	_ =	shalt  }
0x5a: {  	_ =	shalt  }
0x5b: {  	_ =	shalt  }
0x5c: {  	_ =	shalt  }
0x5d: {  	_ =	shalt  }
0x5e: {  	_ =	shalt  }
0x5f: {  	_ =	shalt  }
0x60: {  	_ =	shalt  }
0x61: {  	_ =	shalt  }
0x62: {  	_ =	shalt  }
0x63: {  	_ =	shalt  }
0x64: {  	_ =	shalt  }
0x65: {  	_ =	shalt  }
0x66: {  	_ =	shalt  }
0x67: {  	_ =	shalt  }
0x68: {  	_ =	shalt  }
0x69: {  	_ =	shalt  }
0x6a: {  	_ =	shalt  }
0x6b: {  	_ =	shalt  }
0x6c: {  	_ =	shalt  }
0x6d: {  	_ =	shalt  }
0x6e: {  	_ =	shalt  }
0x6f: {  	_ =	shalt  }
0x70: {  	_ =	shalt  }
0x71: {  	_ =	shalt  }
0x72: {  	_ =	shalt  }
0x73: {  	_ =	shalt  }
0x74: {  	_ =	shalt  }
0x75: {  	_ =	shalt  }
0x76: {  	_ =	shalt  }
0x77: {  	_ =	shalt  }
0x78: {  	_ =	shalt  }
0x79: {  	_ =	shalt  }
0x7a: {  	_ =	shalt  }
0x7b: {  	_ =	shalt  }
0x7c: {  	_ =	shalt  }
0x7d: {  	_ =	shalt  }
0x7e: {  	_ =	shalt  }
0x7f: {  	_ =	shalt  }
0x80: {  	_ =	shalt  }
0x81: {  	_ =	shalt  }
0x82: {  	_ =	shalt  }
0x83: {  	_ =	shalt  }
0x84: {  	_ =	shalt  }
0x85: {  	_ =	shalt  }
0x86: {  	_ =	shalt  }
0x87: {  	_ =	shalt  }
.Lfunc_end0:
.L_simem_size_0:
called_computation.3_lowered:
.L_overlay_start_0:
0x88: {  	s2 =	sld [smem:$0x3FD9]  }
0x89: {  	s3 =	sld [smem:$0x3FFE];
	_ =	sdelay $0x1  }
0x8a: {  	s1 =	srdreg.scid  }
0x8b: {  	s0 =	sand.u32 $0x1, s1  }
0x8c: {  	s17 =	sshll.u32 s0, $0xA;
	s2 =	sadd.s32 s3, s2  }
0x8d: {  	s2 =	sadd.s32 s2, s17  }
0x8e: {  	[smem:$0x3FC1] =	sst s2  }
0x8f: {  	_ = 	snop  }
0x90: {  	(tm) =	ssettm $0x1  }
0x91: {  	s18 =	sld [smem:$0x3FFB];
	_ =	sdelay $0x3  }
0x92: {  	_ =	strace s18  }
0x93: {  	s2 =	sld [smem:$0x3FFC];
	_ =	sdelay $0x3  }
0x94: {  	_ =	strace s2  }
0x95: {  	s2 =	sld [smem:$0x3FFD];
	_ =	sdelay $0x3  }
0x96: {  	_ =	strace s2  }
0x97: {  	_ =	strace $0x8FFFFFFF  }
0x98: {  	s19 =	sld [smem:$0x3FDB];
	_ =	sdelay $0x1  }
0x99: {  	s20 =	simm.s32 $_scs_section_size  }
0x9a: {  	s4 =	simm.s32 $_size__tile_overlayer_lowered;
	s5 =	simm.s32 $_tile_overlayer_lowered  }
0x9b: {  	s6 =	simm.s32 $0x1BFF;
	s21 =	sshll.u32 s5, $0x1;
	s3 =	sadd.s32 s20, s19  }
0x9c: {  	s22 =	simm.s32 $0x0;
	s4 =	sshll.u32 s4, $0x1;
	s5 =	sadd.s32 s21, s3  }
0x9d: {  	[timem:s22], [sflag:s6] =	dma.local [hbm:s5], s4  }
0x9e: {  	_ =	swait.ge [sflag:s6], s4  }
0x9f: {  	s4 =	ssub.s32 $0x0, s4;
	[sflag:s6] =	ssyncset.done $0x0  }
0xa0: {  	[sflag:s6] =	ssyncadd.s32 s4;
	_ =	sdelay $0x1  }
0xa1: {  	s23 =	simm.s32 $0x1B8B  }
0xa2: {  	_ =	swait.ge [sflag:s23], $0x1  }
0xa3: {  	[sflag:s23] =	ssyncset.done $0x0  }
0xa4: {  	[sflag:s23] =	ssyncadd.s32 $0xFFFFFFFF  }
0xa5: {  	s4 =	sld [smem:$0x0]  }
0xa6: {  	s5 =	sand.u32 $0xFFFFFFFE, s1  }
0xa7: {  	p0 =	sne.s32 s1, s5  }
0xa8: {  	s5 =	sshll.u32 @p0 s5, $0xE  }
0xa9: {  	s5 =	sadd.s32 @p0 $0x11B8D, s5;
	s6 =	sshll.u32 @p0 s4, $0x11  }
0xaa: {  	s5 =	sor.u32 @p0 s6, s5  }
0xab: {  	[sflag:s5] =	ssyncadd.remote.s32 @p0 $0x1;
	_ =	sdelay $0x1  }
0xac: {  	s5 =	simm.s32 @p0 $0x1B8D  }
0xad: {  	_ =	swait.eq @p0 [sflag:s5], $0x1  }
0xae: {  	[sflag:s5] =	ssyncadd.s32 @p0 $0xFFFFFFFF  }
0xaf: {  	s6 =	sshll.u32 @!p0 s1, $0xE  }
0xb0: {  	s6 =	sor.u32 @!p0 $0x4000, s6;
	s5 =	simm.s32 @!p0 $0x1B8D  }
0xb1: {  	s4 =	sshll.u32 @!p0 s4, $0x11;
	s6 =	sadd.s32 @!p0 $0x11B8D, s6;
	_ =	swait.eq @!p0 [sflag:s5], $0x1  }
0xb2: {  	s4 =	sor.u32 @!p0 s4, s6;
	[sflag:s5] =	ssyncadd.s32 @!p0 $0xFFFFFFFF  }
0xb3: {  	s25 =	simm.s32 $0x1B8E;
	s24 =	sld [smem:$0x3FFE];
	[sflag:s4] =	ssyncadd.remote.s32 @!p0 $0x1  }
0xb4: {  	s26 =	simm.s32 $execute0_lowered;
	[smem:$0x3FD2] =	sst s25  }
0xb5: {  	s5 =	sshll.u32 s26, $0x1;
	_ =	strace $0x8000004C;
	[dreg:$0x1] =	wrdreg $0xFFFFFFFF  }
0xb6: {  	s28 =	simm.s32 $_size_execute0_lowered;
	s3 =	sadd.s32 s3, s5;
	[dreg:$0x0] =	wrdreg $0x0  }
0xb7: {  	s5 =	sshll.u32 s28, $0x1;
	[dreg:$0x2] =	wrdreg s3  }
0xb8: {  	[dreg:$0x3] =	wrdreg s5  }
0xb9: {  	[dreg:$0x4] =	wrdreg $0xC0  }
0xba: {  	_ =	task [dreg:s22], $0x5FFFF  }
0xbb: {  	[dreg:$0x1] =	wrdreg $0xFFFFFFFF  }
0xbc: {  	[dreg:$0x0] =	wrdreg $0x60  }
0xbd: {  	[dreg:$0x2] =	wrdreg s24  }
0xbe: {  	[dreg:$0x3] =	wrdreg $0xA  }
0xbf: {  	_ =	task.clear_ibuf [dreg:s22], $0x4FFFF;
	_ =	strace $0x9000004C  }
0xc0: {  	s29 =	simm.s32 $0xA;
	_ =	strace $0x8000004E  }
0xc1: {  	_ =	swait.ge [sflag:s29], $0x1  }
0xc2: {  	[sflag:s29] =	ssyncadd.s32 $0xFFFFFFFF  }
0xc3: {  	_ =	strace $0x9000004E  }
0xc4: {  	_ =	sfence  }
0xc5: {  	s30 =	sld [smem:$0x0];
	_ =	sdelay $0x2  }
0xc6: {  	s31 =	sshll.u32 s1, $0xD;
	s1 =	sshrl.u32 s1, $0x2  }
0xc7: {  	s4 =	sand.u32 $0x4000, s31;
	s1 =	sadd.s32 s1, s30  }
0xc8: {  	s0 =	sor.u32 s4, s0;
	s1 =	sshll.u32 s1, $0x11  }
0xc9: {  	s0 =	sor.u32 s1, s0  }
0xca: {  	s0 =	sadd.s32 $0x8F2B, s0  }
0xcb: {  	[sflag:s0] =	ssyncadd.remote.s32 $0x1  }
0xcc: {  	_ =	sfence.sel $0xFFFF  }
0xcd: {  	[dreg:$0x0] =	wrdreg $0xFFFFFFFF;
	(pc) =	sbr.abs _section_cstart, $3  }
0xce: {  	[dreg:$0x1] =	wrdreg $0xFFFFFFFF  }
0xcf: {  	_ =	task.clear_ibuf [dreg:s22], $0x2FFFF;
	_ =	strace $0x9FFFFFFF  }
0xd0: {  	(tm) =	ssettm $0x7FFFFFFF  }
0xd1: {  	_ =	shalt  }
tec
execute0_lowered:
.L_overlay_start_1:
0x0: {  	(tag) =	ssettag $0x1  }
0x1: {  	s1 =	srdreg.scid  }
0x2: {  	s0 =	stileid.u32;
	s4 =	rddreg [dreg:$0x0];
	s2 =	simm.s32 $0x0  }
0x3: {  	s14 =	simm.s32 $0x5;
	s15 =	simm.s32 $0x80;
	s16 =	simm.s32 $0x5000  }
0x4: {  	s17 =	simm.s32 $0x6000;
	s18 =	simm.s32 $0x100;
	s19 =	simm.s32 $0x7000  }
0x5: {  	s20 =	simm.s32 $0x180;
	s21 =	simm.s32 $0x8000;
	s11 =	smul.u32 $0x140000, s0  }
0x6: {  	s22 =	simm.s32 $0x1;
	s6 =	sand.u32 $0x1, s1;
	s28 =	smul.u32 $0xA000, s0  }
0x7: {  	s23 =	simm.s32 $0x2;
	s3 =	sshll.u32 s0, $0x1;
	s13 =	smul.u32 $0x5000, s6  }
0x8: {  	s24 =	simm.s32 $0x3;
	s5 =	sor.u32 s6, s3;
	s30 =	smul.u32 $0xA0000, s6  }
0x9: {  	[smem:$0x7FF] =	sst s2;
	s12 =	sadd.s32 $0x2CD200, s4;
	s7 =	smul.u32 $0x5000, s5  }
0xa: {  	s1 =	rddreg [dreg:$0x1];
	_ =	strace $0x8000004D;
	s8 =	smul.u32 $0xA0000, s5  }
0xb: {  	s3 =	sadd.s32 $0x16A00, s4;
	s9 =	ssub.s32 $0x2, s6;
	s10 =	smul.u32 $0x14000, s5  }
0xc: {  	s26 =	sshrl.u32 s9, $0x1;
	s11 =	sadd.s32 s30, s11;
	s7 =	sshrl.u32 s7, $0x3  }
0xd: {  	s8 =	sshrl.u32 s8, $0x3;
	s10 =	sadd.s32 s12, s10;
	s11 =	sshrl.u32 s11, $0x3  }
0xe: {  	s25 =	sadd.s32 s7, s4;
	s7 =	ssub.s32 s9, s26;
	s29 =	sadd.s32 s12, s8  }
0xf: {  	s9 =	sadd.s32 s13, s28;
	s8 =	sadd.s32 $0x13C00, s10;
	s26 =	simm.s32 $0x0  }
0x10: {  	s4 =	sadd.s32 $0x2A00, s25;
	s5 =	smax.u32 s7, $0x1;
	s6 =	sadd.s32 $0x13800, s29  }
0x11: {  	s7 =	sadd.s32 $0x13A00, s10;
	s9 =	sshll.u32 s9, $0x2;
	s25 =	simm.s32 $0x4  }
0x12: {  	s31 =	sadd.s32 s9, s12;
	s9 =	sadd.s32 $0x13E00, s10;
	s10 =	sadd.s32 s11, s12  }
0x13: {  	s11 =	sadd.s32 $0x600, s31;
	s12 =	sadd.s32 $0x400, s31;
	s13 =	sadd.s32 $0x200, s31  }
.LBB2_1:
0x14: {  	[tilespmem:s2], [sflag:$0x5] =	stream.linear.gather [hbm4b:s4+s2], $0x5000, $0x38;
	[tilespmem:$0x9000] =	vst v63  }
0x15: {  	_ =	swait.ge [sflag:s14], $0x5000  }
0x16: {  	[sflag:s14] =	ssyncset.done $0x0  }
0x17: {  	[sflag:s14] =	ssyncadd.s32 $0xFFFFB000  }
0x18: {  	[tilespmem:s16], [sflag:$0x1] =	stream.indirect.gather [hbm4b:s3+s15], $0x20, s2, s15, $0xb8;
	[tilespmem:$0x9000] =	vst v63  }
0x19: {  	_ = 	snop  }
0x1a: {  	[tilespmem:s17], [sflag:$0x2] =	stream.indirect.gather [hbm4b:s3+s15], $0x20, s15, s15, $0xb8;
	[tilespmem:$0x9000] =	vst v63  }
0x1b: {  	_ = 	snop  }
0x1c: {  	[tilespmem:s19], [sflag:$0x3] =	stream.indirect.gather [hbm4b:s3+s15], $0x20, s18, s15, $0xb8;
	[tilespmem:$0x9000] =	vst v63  }
0x1d: {  	_ = 	snop  }
0x1e: {  	[tilespmem:s21], [sflag:$0x4] =	stream.indirect.gather [hbm4b:s3+s15], $0x20, s20, s15, $0xb8;
	[tilespmem:$0x9000] =	vst v63  }
0x1f: {  	_ =	swait.ge [sflag:s22], $0x1000  }
0x20: {  	[sflag:s22] =	ssyncset.done $0x0  }
0x21: {  	s28 =	sadd.s32 $0x0, s10;
	[sflag:s22] =	ssyncadd.s32 $0xFFFFF000  }
0x22: {  	[hbm4b:s28+s2] =	stream.linear.scatter [tilespmem:s16], [sflag:$0x5], $0x1000, $0x38;
	[tilespmem:$0x9000] =	vst v63  }
0x23: {  	_ =	swait.ge [sflag:s14], $0x1000  }
0x24: {  	[sflag:s14] =	ssyncset.done $0x0  }
0x25: {  	s28 =	simm.s32 $0x200;
	[sflag:s14] =	ssyncadd.s32 $0xFFFFF000  }
0x26: {  	[tilespmem:s16], [sflag:$0x1] =	stream.indirect.gather [hbm4b:s3+s15], $0x20, s28, s15, $0xb8;
	[tilespmem:$0x9000] =	vst v63  }
0x27: {  	_ =	swait.ge [sflag:s23], $0x1000  }
0x28: {  	[sflag:s23] =	ssyncset.done $0x0  }
0x29: {  	s28 =	sadd.s32 $0x0, s13;
	[sflag:s23] =	ssyncadd.s32 $0xFFFFF000  }
0x2a: {  	[hbm4b:s28+s2] =	stream.linear.scatter [tilespmem:s17], [sflag:$0x5], $0x1000, $0x38;
	[tilespmem:$0x9000] =	vst v63  }
0x2b: {  	_ =	swait.ge [sflag:s14], $0x1000  }
0x2c: {  	[sflag:s14] =	ssyncset.done $0x0  }
0x2d: {  	s28 =	simm.s32 $0x280;
	[sflag:s14] =	ssyncadd.s32 $0xFFFFF000  }
0x2e: {  	[tilespmem:s17], [sflag:$0x2] =	stream.indirect.gather [hbm4b:s3+s15], $0x20, s28, s15, $0xb8;
	[tilespmem:$0x9000] =	vst v63  }
0x2f: {  	_ =	swait.ge [sflag:s24], $0x1000  }
0x30: {  	[sflag:s24] =	ssyncset.done $0x0  }
0x31: {  	s28 =	sadd.s32 $0x0, s12;
	[sflag:s24] =	ssyncadd.s32 $0xFFFFF000  }
0x32: {  	[hbm4b:s28+s2] =	stream.linear.scatter [tilespmem:s19], [sflag:$0x5], $0x1000, $0x38;
	[tilespmem:$0x9000] =	vst v63  }
0x33: {  	_ =	swait.ge [sflag:s14], $0x1000  }
0x34: {  	[sflag:s14] =	ssyncset.done $0x0  }
0x35: {  	s28 =	simm.s32 $0x300;
	[sflag:s14] =	ssyncadd.s32 $0xFFFFF000  }
0x36: {  	[tilespmem:s19], [sflag:$0x3] =	stream.indirect.gather [hbm4b:s3+s15], $0x20, s28, s15, $0xb8;
	[tilespmem:$0x9000] =	vst v63  }
0x37: {  	_ =	swait.ge [sflag:s25], $0x1000  }
0x38: {  	[sflag:s25] =	ssyncset.done $0x0  }
0x39: {  	s28 =	sadd.s32 $0x0, s11;
	[sflag:s25] =	ssyncadd.s32 $0xFFFFF000  }
0x3a: {  	[hbm4b:s28+s2] =	stream.linear.scatter [tilespmem:s21], [sflag:$0x5], $0x1000, $0x38;
	[tilespmem:$0x9000] =	vst v63  }
0x3b: {  	_ =	swait.ge [sflag:s14], $0x1000  }
0x3c: {  	[sflag:s14] =	ssyncset.done $0x0  }
0x3d: {  	s29 =	simm.s32 $0x380;
	s28 =	simm.s32 $0x800;
	[sflag:s14] =	ssyncadd.s32 $0xFFFFF000  }
.LBB2_2:
0x3e: {  	[tilespmem:s21], [sflag:$0x4] =	stream.indirect.gather [hbm4b:s3+s15], $0x20, s29, s15, $0xb8;
	[tilespmem:$0x9000] =	vst v63  }
0x3f: {  	s29 =	smov.u32 s28  }
0x40: {  	p0 =	sne.s32 s28, $0x13000;
	s28 =	sadd.s32 $0x800, s28;
	_ =	swait.ge [sflag:s22], $0x1000  }
0x41: {  	[sflag:s22] =	ssyncset.done $0x0  }
0x42: {  	s30 =	sadd.s32 s29, s10;
	[sflag:s22] =	ssyncadd.s32 $0xFFFFF000  }
0x43: {  	[hbm4b:s30+s2] =	stream.linear.scatter [tilespmem:s16], [sflag:$0x5], $0x1000, $0x38;
	[tilespmem:$0x9000] =	vst v63  }
0x44: {  	_ =	swait.ge [sflag:s14], $0x1000  }
0x45: {  	s30 =	sshra.s32 s29, $0x2;
	[sflag:s14] =	ssyncset.done $0x0  }
0x46: {  	s31 =	sadd.s32 $0x200, s30;
	[sflag:s14] =	ssyncadd.s32 $0xFFFFF000  }
0x47: {  	[tilespmem:s16], [sflag:$0x1] =	stream.indirect.gather [hbm4b:s3+s15], $0x20, s31, s15, $0xb8;
	[tilespmem:$0x9000] =	vst v63  }
0x48: {  	_ =	swait.ge [sflag:s23], $0x1000  }
0x49: {  	[sflag:s23] =	ssyncset.done $0x0  }
0x4a: {  	s31 =	sadd.s32 s29, s13;
	[sflag:s23] =	ssyncadd.s32 $0xFFFFF000  }
0x4b: {  	[hbm4b:s31+s2] =	stream.linear.scatter [tilespmem:s17], [sflag:$0x5], $0x1000, $0x38;
	[tilespmem:$0x9000] =	vst v63  }
0x4c: {  	_ =	swait.ge [sflag:s14], $0x1000  }
0x4d: {  	[sflag:s14] =	ssyncset.done $0x0  }
0x4e: {  	s31 =	sadd.s32 $0x280, s30;
	[sflag:s14] =	ssyncadd.s32 $0xFFFFF000  }
0x4f: {  	[tilespmem:s17], [sflag:$0x2] =	stream.indirect.gather [hbm4b:s3+s15], $0x20, s31, s15, $0xb8;
	[tilespmem:$0x9000] =	vst v63  }
0x50: {  	_ =	swait.ge [sflag:s24], $0x1000  }
0x51: {  	[sflag:s24] =	ssyncset.done $0x0  }
0x52: {  	s31 =	sadd.s32 s29, s12;
	[sflag:s24] =	ssyncadd.s32 $0xFFFFF000  }
0x53: {  	[hbm4b:s31+s2] =	stream.linear.scatter [tilespmem:s19], [sflag:$0x5], $0x1000, $0x38;
	[tilespmem:$0x9000] =	vst v63  }
0x54: {  	_ =	swait.ge [sflag:s14], $0x1000  }
0x55: {  	[sflag:s14] =	ssyncset.done $0x0  }
0x56: {  	s31 =	sadd.s32 $0x300, s30;
	[sflag:s14] =	ssyncadd.s32 $0xFFFFF000  }
0x57: {  	[tilespmem:s19], [sflag:$0x3] =	stream.indirect.gather [hbm4b:s3+s15], $0x20, s31, s15, $0xb8;
	[tilespmem:$0x9000] =	vst v63  }
0x58: {  	_ =	swait.ge [sflag:s25], $0x1000  }
0x59: {  	[sflag:s25] =	ssyncset.done $0x0  }
.Ltmp0:
0x5a: {  	s29 =	sadd.s32 s29, s11;
	[sflag:s25] =	ssyncadd.s32 $0xFFFFF000;
	(pc) =	sbr.rel @p0 .LBB2_2-.Ltmp0, $4  }
0x5b: {  	[hbm4b:s29+s2] =	stream.linear.scatter [tilespmem:s21], [sflag:$0x5], $0x1000, $0x38;
	[tilespmem:$0x9000] =	vst v63  }
0x5c: {  	_ =	swait.ge [sflag:s14], $0x1000  }
0x5d: {  	[sflag:s14] =	ssyncset.done $0x0  }
0x5e: {  	s29 =	sadd.s32 $0x380, s30;
	[sflag:s14] =	ssyncadd.s32 $0xFFFFF000  }
0x5f: {  	[tilespmem:s21], [sflag:$0x4] =	stream.indirect.gather [hbm4b:s3+s15], $0x20, s29, s15, $0xb8;
	[tilespmem:$0x9000] =	vst v63  }
0x60: {  	_ =	swait.ge [sflag:s22], $0x1000  }
0x61: {  	[sflag:s22] =	ssyncset.done $0x0  }
0x62: {  	[sflag:s22] =	ssyncadd.s32 $0xFFFFF000  }
0x63: {  	[hbm4b:s6+s2] =	stream.linear.scatter [tilespmem:s16], [sflag:$0x5], $0x1000, $0x38;
	[tilespmem:$0x9000] =	vst v63  }
0x64: {  	_ =	swait.ge [sflag:s14], $0x1000  }
0x65: {  	[sflag:s14] =	ssyncset.done $0x0  }
0x66: {  	[sflag:s14] =	ssyncadd.s32 $0xFFFFF000  }
0x67: {  	_ =	swait.ge [sflag:s23], $0x1000  }
0x68: {  	[sflag:s23] =	ssyncset.done $0x0  }
0x69: {  	[sflag:s23] =	ssyncadd.s32 $0xFFFFF000  }
0x6a: {  	[hbm4b:s7+s2] =	stream.linear.scatter [tilespmem:s17], [sflag:$0x5], $0x1000, $0x38;
	[tilespmem:$0x9000] =	vst v63  }
0x6b: {  	_ =	swait.ge [sflag:s14], $0x1000  }
0x6c: {  	[sflag:s14] =	ssyncset.done $0x0  }
0x6d: {  	[sflag:s14] =	ssyncadd.s32 $0xFFFFF000  }
0x6e: {  	_ =	swait.ge [sflag:s24], $0x1000  }
0x6f: {  	[sflag:s24] =	ssyncset.done $0x0  }
0x70: {  	[sflag:s24] =	ssyncadd.s32 $0xFFFFF000  }
0x71: {  	[hbm4b:s8+s2] =	stream.linear.scatter [tilespmem:s19], [sflag:$0x5], $0x1000, $0x38;
	[tilespmem:$0x9000] =	vst v63  }
0x72: {  	_ =	swait.ge [sflag:s14], $0x1000  }
0x73: {  	[sflag:s14] =	ssyncset.done $0x0  }
0x74: {  	[sflag:s14] =	ssyncadd.s32 $0xFFFFF000  }
0x75: {  	s26 =	sadd.s32 $0x1, s26;
	_ =	swait.ge [sflag:s25], $0x1000  }
0x76: {  	p0 =	sne.s32 s26, s5;
	[sflag:s25] =	ssyncset.done $0x0  }
.Ltmp1:
0x77: {  	[sflag:s25] =	ssyncadd.s32 $0xFFFFF000;
	(pc) =	sbr.rel @p0 .LBB2_1-.Ltmp1, $4  }
0x78: {  	[hbm4b:s9+s2] =	stream.linear.scatter [tilespmem:s21], [sflag:$0x5], $0x1000, $0x38;
	[tilespmem:$0x9000] =	vst v63  }
0x79: {  	_ =	swait.ge [sflag:s14], $0x1000  }
0x7a: {  	[sflag:s14] =	ssyncset.done $0x0  }
0x7b: {  	[sflag:s14] =	ssyncadd.s32 $0xFFFFF000  }
0x7c: {  	_ =	sfence.sel $0x180000  }
0x7d: {  	[bflag:$0x0] =	sbarrier.arrive $0xFFFF  }
0x7e: {  	p0 =	sne.s32 s0, $0x0;
	_ =	strace $0x9000004D  }
0x7f: {  	s0 =	sadd.s32 @!p0 $0x100000, s1;
	[bflag:$0x2] =	sbarrier.arrive $0xFFFF  }
0x80: {  	[sflag:s0] =	ssyncadd.tile.s32 @!p0 $0x1;
	_ =	shalt  }
.Lfunc_end2:
_tile_overlayer_lowered:
.L_overlay_start_2:
0x81: {  	(tag) =	ssettag $0x2  }
0x82: {  	s0 =	rddreg [dreg:$0x0];
	s2 =	stileid.u32  }
0x83: {  	s1 =	rddreg [dreg:$0x1];
	p0 =	sne.s32 s2, $0x0  }
0x84: {  	s3 =	rddreg [dreg:$0x2];
	[bflag:$0x3] =	sbarrier.arrive $0xFFFF;
	s2 =	simm.s32 @!p0 $0x1C05  }
0x85: {  	[timem:s3], [sflag:s2] =	dma.local @!p0 [hbm:s0], s1  }
0x86: {  	s0 =	simm.s32 @!p0 $0x5  }
0x87: {  	_ =	swait.ge @!p0 [sflag:s0], s1  }
0x88: {  	s1 =	ssub.s32 @!p0 $0x0, s1;
	[sflag:s0] =	ssyncset.done @!p0 $0x0  }
0x89: {  	[sflag:s0] =	ssyncadd.s32 @!p0 s1  }
0x8a: {  	[bflag:$0x3] =	sbarrier.arrive $0xFFFF  }
0x8b: {  	_ =	shalt  }

</sc_bundles>
